<compile_context>
chip_gen: v7x
topology: tpu7x:2x2x1
jax: 0.10.2.dev20260603
libtpu: 0.0.44.dev20260713+nightly
codegen_flags: <defaults>
</compile_context>

<pallas_src>
import functools

import jax
import jax.numpy as jnp
import numpy as np
from jax import lax
from jax.experimental import pallas as pl
from jax.experimental.pallas import tpu as pltpu
from jax.experimental.pallas import tpu_sc as plsc

VOCAB = 1000000
EMBED = 128
NDENSE = 13
NSPARSE = 26
BATCH = 16384
NFEAT = 32
BOT_ROW = 26
NPAIR = NFEAT * NFEAT

NC = 2
NS = 16
NW = NC * NS

NSLICE = 4
SBATCH = BATCH // NSLICE
B_SLICE = SBATCH * NFEAT
B_PER_W = B_SLICE // NW
CHUNK = 256
N_CHUNKS = B_PER_W // CHUNK
N_PAIRS = N_CHUNKS // 2

BB = 512
GRID = SBATCH // BB


@functools.cache
def _make_sc_gather():
    @functools.partial(
        pl.kernel,
        mesh=plsc.VectorSubcoreMesh(core_axis_name="c", subcore_axis_name="s"),
        out_type=jax.ShapeDtypeStruct((SBATCH * NFEAT, EMBED), jnp.float32),
        scratch_types=[
            pltpu.VMEM((B_PER_W,), jnp.int32),
            pltpu.VMEM((CHUNK, EMBED), jnp.float32),
            pltpu.VMEM((CHUNK, EMBED), jnp.float32),
            pltpu.SemaphoreType.DMA,
            pltpu.SemaphoreType.DMA,
        ],
    )
    def _sc_gather(table_hbm, idx_hbm, out_hbm, idx_v, rows_a, rows_b,
                   sem_a, sem_b):
        wid = lax.axis_index("s") * NC + lax.axis_index("c")
        base = wid * B_PER_W
        pltpu.sync_copy(idx_hbm.at[pl.ds(base, B_PER_W)], idx_v)

        def gather(c, buf, sem):
            off = pl.multiple_of(c * CHUNK, CHUNK)
            return pltpu.async_copy(
                table_hbm.at[idx_v.at[pl.ds(off, CHUNK)]], buf, sem)

        def store(c, buf):
            off = pl.multiple_of(c * CHUNK, CHUNK)
            pltpu.sync_copy(buf, out_hbm.at[pl.ds(base + off, CHUNK)])

        gather(0, rows_a, sem_a)

        def body(p, carry):
            c0 = p * 2
            gather(c0 + 1, rows_b, sem_b)
            pltpu.make_async_copy(table_hbm.at[pl.ds(0, CHUNK)], rows_a,
                                  sem_a).wait()
            store(c0, rows_a)

            @pl.when(p + 1 < N_PAIRS)
            def _():
                gather(c0 + 2, rows_a, sem_a)

            pltpu.make_async_copy(table_hbm.at[pl.ds(0, CHUNK)], rows_b,
                                  sem_b).wait()
            store(c0 + 1, rows_b)
            return carry

        lax.fori_loop(0, N_PAIRS, body, 0, unroll=False)

    return _sc_gather


def _tc_dense_body(dense_ref, embed_ref, wb0, bb0, wb1, bb1, wb2, bb2,
                   w0a, sym, bt0, wt1, bt1, wt2, bt2, wt3, bt3, wt4, bt4,
                   out_ref):
    f32 = jnp.float32
    h = dense_ref[...]
    h = jnp.maximum(jnp.dot(h, wb0[...], preferred_element_type=f32) + bb0[...], 0.0)
    h = jnp.maximum(jnp.dot(h, wb1[...], preferred_element_type=f32) + bb1[...], 0.0)
    bot = jnp.maximum(jnp.dot(h, wb2[...], preferred_element_type=f32) + bb2[...], 0.0)

    emb = embed_ref[...].reshape(BB, NFEAT, EMBED)
    feat = lax.broadcasted_iota(jnp.int32, (BB, NFEAT, EMBED), 1)
    fs = jnp.where(feat < NSPARSE, emb,
                   jnp.where(feat == BOT_ROW, bot.reshape(BB, 1, EMBED), 0.0))
    xact = lax.dot_general(fs, fs, (((2,), (2,)), ((0,), (0,))),
                           preferred_element_type=f32)
    xflat = xact.reshape(BB, NPAIR)

    h = (jnp.dot(bot, w0a[...], preferred_element_type=f32)
         + jnp.dot(xflat, sym[...], preferred_element_type=f32) + bt0[...])
    h = jnp.maximum(h, 0.0)
    h = jnp.maximum(jnp.dot(h, wt1[...], preferred_element_type=f32) + bt1[...], 0.0)
    h = jnp.maximum(jnp.dot(h, wt2[...], preferred_element_type=f32) + bt2[...], 0.0)
    h = jnp.maximum(jnp.dot(h, wt3[...], preferred_element_type=f32) + bt3[...], 0.0)
    out_ref[...] = jnp.dot(h, wt4[...], preferred_element_type=f32) + bt4[...]


def _full_spec(shape):
    return pl.BlockSpec(shape, lambda i: (0,) * len(shape))


@functools.cache
def _make_tc_dense():
    in_specs = [
        pl.BlockSpec((BB, NDENSE), lambda i: (i, 0)),
        pl.BlockSpec((BB * NFEAT, EMBED), lambda i: (i, 0)),
        _full_spec((NDENSE, 512)), _full_spec((1, 512)),
        _full_spec((512, 256)), _full_spec((1, 256)),
        _full_spec((256, 128)), _full_spec((1, 128)),
        _full_spec((EMBED, 1024)),
        _full_spec((NPAIR, 1024)),
        _full_spec((1, 1024)),
        _full_spec((1024, 1024)), _full_spec((1, 1024)),
        _full_spec((1024, 512)), _full_spec((1, 512)),
        _full_spec((512, 256)), _full_spec((1, 256)),
        _full_spec((256, 1)), _full_spec((1, 1)),
    ]
    return pl.pallas_call(
        _tc_dense_body,
        grid=(GRID,),
        in_specs=in_specs,
        out_specs=pl.BlockSpec((BB, 1), lambda i: (i, 0)),
        out_shape=jax.ShapeDtypeStruct((SBATCH, 1), jnp.float32),
        compiler_params=pltpu.CompilerParams(
            dimension_semantics=("arbitrary",),
        ),
    )


def kernel(x, train, W_b0, b_b0, W_b1, b_b1, W_b2, b_b2, embedding_table,
           W_t0, b_t0, W_t1, b_t1, W_t2, b_t2, W_t3, b_t3, W_t4, b_t4):
    dense_in, cat_features = jnp.split(x, [NDENSE], 1)
    idx26 = jnp.asarray(cat_features, jnp.int32) % VOCAB
    idx = jnp.concatenate(
        [idx26, idx26[:, :NFEAT - NSPARSE]], axis=1).reshape(-1)

    nf_ref = 1 + NSPARSE
    iu, ju = np.triu_indices(nf_ref)
    W0a = W_t0[:EMBED]
    W0b = W_t0[EMBED:EMBED + len(iu)]
    P = jnp.zeros((nf_ref, nf_ref, W_t0.shape[1]), W_t0.dtype)
    P = P.at[iu, ju].set(W0b)
    M = (P + P.transpose(1, 0, 2)) * 0.5
    perm = np.concatenate([np.arange(1, nf_ref), [0]])
    M = M[perm][:, perm]
    SYM = jnp.zeros((NFEAT, NFEAT, W_t0.shape[1]), W_t0.dtype)
    SYM = SYM.at[:nf_ref, :nf_ref].set(M).reshape(NPAIR, W_t0.shape[1])

    sc_gather = _make_sc_gather()
    tc_dense = _make_tc_dense()
    weights = (
        W_b0, b_b0.reshape(1, -1), W_b1, b_b1.reshape(1, -1),
        W_b2, b_b2.reshape(1, -1),
        W0a, SYM, b_t0.reshape(1, -1),
        W_t1, b_t1.reshape(1, -1), W_t2, b_t2.reshape(1, -1),
        W_t3, b_t3.reshape(1, -1), W_t4, b_t4.reshape(1, -1),
    )

    outs = []
    for s in range(NSLICE):
        embed_s = sc_gather(embedding_table,
                            lax.dynamic_slice_in_dim(idx, s * B_SLICE, B_SLICE))
        dense_s = lax.dynamic_slice_in_dim(dense_in, s * SBATCH, SBATCH)
        outs.append(tc_dense(dense_s, embed_s, *weights))
    return jnp.concatenate(outs, axis=0)

# --- scband reference (transcript-rebuilt; emitter-appended) ---
"""Pipeline reference for scband-dlrm-small-69707319214341 (READ-ONLY COPY).

The authoritative reference and input builder live on the scoring server;
editing this copy changes nothing except your own understanding.
"""

import jax, jax.numpy as jnp
import numpy as np

VOCAB = 1000000
EMBED = 128
NDENSE = 13
NSPARSE = 26
BOT_DIMS = (512, 256, 128)
TOP_DIMS = (1024, 1024, 512, 256, 1)
BATCH = 16384


def dot_interact(concat_features):
    batch_size = concat_features.shape[0]
    xactions = jnp.matmul(concat_features, jnp.transpose(concat_features, [0, 2, 1]))
    feature_dim = xactions.shape[-1]
    indices = jnp.array(jnp.triu_indices(feature_dim))
    num_elems = indices.shape[1]
    indices = jnp.tile(indices, [1, batch_size])
    indices0 = jnp.reshape(jnp.tile(jnp.reshape(jnp.arange(batch_size), [-1, 1]), [1, num_elems]), [1, -1])
    indices = tuple(jnp.concatenate((indices0, indices), 0))
    activations = xactions[indices]
    activations = jnp.reshape(activations, [batch_size, -1])
    return activations


def setup_inputs(seed: int = 0):
    key = jax.random.key(seed)
    ks = jax.random.split(key, 24)
    dense = jax.random.normal(ks[0], (BATCH, NDENSE), dtype=jnp.float32)
    cat = jax.random.randint(ks[1], (BATCH, NSPARSE), 0, VOCAB).astype(jnp.float32)
    x = jnp.concatenate([dense, cat], axis=1)
    inp = {'x': x, 'train': False}
    fan_in = NDENSE
    for i, d in enumerate(BOT_DIMS):
        inp['W_b%d' % i] = jax.random.normal(ks[2 + 2 * i], (fan_in, d), dtype=jnp.float32) * jnp.sqrt(2.0 / (fan_in + d))
        inp['b_b%d' % i] = jax.random.normal(ks[3 + 2 * i], (d,), dtype=jnp.float32) * jnp.sqrt(1.0 / d)
        fan_in = d
    inp['embedding_table'] = jax.random.uniform(ks[8], (VOCAB, EMBED), dtype=jnp.float32) / jnp.sqrt(VOCAB)
    n_feat = 1 + NSPARSE
    num_tri = n_feat * (n_feat + 1) // 2
    fan_in = BOT_DIMS[-1] + num_tri
    for i, d in enumerate(TOP_DIMS):
        inp['W_t%d' % i] = jax.random.normal(ks[9 + 2 * i], (fan_in, d), dtype=jnp.float32) * jnp.sqrt(2.0 / (fan_in + d))
        inp['b_t%d' % i] = jax.random.normal(ks[10 + 2 * i], (d,), dtype=jnp.float32) * jnp.sqrt(1.0 / d)
        fan_in = d
    return inp


def reference(x, train, W_b0, b_b0, W_b1, b_b1, W_b2, b_b2, embedding_table, W_t0, b_t0, W_t1, b_t1, W_t2, b_t2, W_t3, b_t3, W_t4, b_t4):
    bot_mlp_input, cat_features = jnp.split(x, [NDENSE], 1)
    cat_features = jnp.asarray(cat_features, dtype=jnp.int32)
    for W, b in ((W_b0, b_b0), (W_b1, b_b1), (W_b2, b_b2)):
        bot_mlp_input = jax.nn.relu(jnp.dot(bot_mlp_input, W) + b)
    bot_mlp_output = bot_mlp_input
    batch_size = bot_mlp_output.shape[0]
    feature_stack = jnp.reshape(bot_mlp_output, [batch_size, -1, EMBED])
    idx_lookup = jnp.reshape(cat_features, [-1]) % VOCAB
    embed_features = embedding_table[idx_lookup]
    embed_features = jnp.reshape(embed_features, [batch_size, -1, EMBED])
    feature_stack = jnp.concatenate([feature_stack, embed_features], axis=1)
    dot_interact_output = dot_interact(feature_stack)
    top_mlp_input = jnp.concatenate([bot_mlp_output, dot_interact_output], axis=-1)
    tops = ((W_t0, b_t0), (W_t1, b_t1), (W_t2, b_t2), (W_t3, b_t3), (W_t4, b_t4))
    for layer_idx, (W, b) in enumerate(tops):
        top_mlp_input = jnp.dot(top_mlp_input, W) + b
        if layer_idx < len(tops) - 1:
            top_mlp_input = jax.nn.relu(top_mlp_input)
    return top_mlp_input

if __name__ == "__main__":
    import jax
    _d = setup_inputs()
    print(jax.jit(kernel)(*tuple(_d.values())))

</pallas_src>

<mosaic_0001>
#map = affine_map<(d0, d1) -> (0, 0)>
#map1 = affine_map<(d0, d1) -> (0)>
module attributes {stable_mosaic.version = 14 : i64} {
  func.func @_sc_gather(%arg0: i32, %arg1: i32, %arg2: memref<1000000x128xf32, #tpu.memory_space<hbm>>, %arg3: memref<131072xi32, #tpu.memory_space<hbm>>, %arg4: memref<131072x128xf32, #tpu.memory_space<hbm>>, %arg5: memref<4096xi32, #tpu.memory_space<vmem>>, %arg6: memref<256x128xf32, #tpu.memory_space<vmem>>, %arg7: memref<256x128xf32, #tpu.memory_space<vmem>>, %arg8: memref<!tpu.dma_semaphore, #tpu.memory_space<semaphore_mem>>, %arg9: memref<!tpu.dma_semaphore, #tpu.memory_space<semaphore_mem>>) attributes {dimension_semantics = [#tpu.dimension_semantics<core_parallel>, #tpu.dimension_semantics<subcore_parallel>], iteration_bounds = array<i64: 2, 16>, scalar_prefetch = 0 : i64, scratch_operands = 5 : i64, tpu.core_type = #tpu.core_type<sc_vector_subcore>, window_params = [{transform_indices = #map}, {transform_indices = #map1}, {transform_indices = #map}]} {
    %mul3A = arith.constant 2 : i32
    %mul3A_0 = arith.muli %arg1, %mul3A : i32
    %add3A = arith.addi %mul3A_0, %arg0 : i32
    %mul3A_1 = arith.constant 4096 : i32
    %mul3A_2 = arith.muli %add3A, %mul3A_1 : i32
    "tpu.region"() ({
      %run_scoped3A = tpu.sem_alloc : memref<!tpu.dma_semaphore, #tpu.memory_space<semaphore_mem>>
      %dma_start3A_12 = tpu.memref_slice %arg3[%mul3A_2] : memref<131072xi32, #tpu.memory_space<hbm>> -> memref<4096xi32, #tpu.memory_space<hbm>>
      %dma_start3A_13 = tpu.memref_slice %arg3[%mul3A_2] : memref<131072xi32, #tpu.memory_space<hbm>> -> memref<4096xi32, #tpu.memory_space<hbm>>
      tpu.enqueue_dma source(%dma_start3A_13 : memref<4096xi32, #tpu.memory_space<hbm>>) target(%arg5 : memref<4096xi32, #tpu.memory_space<vmem>>) target_semaphore(%run_scoped3A : memref<!tpu.dma_semaphore, #tpu.memory_space<semaphore_mem>>)
      %dma_wait3A = tpu.memref_slice %arg3[%mul3A_2] : memref<131072xi32, #tpu.memory_space<hbm>> -> memref<4096xi32, #tpu.memory_space<hbm>>
      %dma_wait3A_14 = tpu.memref_slice %arg3[%mul3A_2] : memref<131072xi32, #tpu.memory_space<hbm>> -> memref<4096xi32, #tpu.memory_space<hbm>>
      tpu.wait_dma2 semaphore(%run_scoped3A : memref<!tpu.dma_semaphore, #tpu.memory_space<semaphore_mem>>) src(%dma_wait3A_14 : memref<4096xi32, #tpu.memory_space<hbm>>) dst(%arg5 : memref<4096xi32, #tpu.memory_space<vmem>>)
      tpu.yield
    }) : () -> ()
    %multiple_of3A = arith.constant 0 : i32
    %multiple_of3A_3 = tpu.assume_multiple %multiple_of3A, 256 : i32
    %dma_start3A = tpu.memref_slice %arg5[%multiple_of3A_3] : memref<4096xi32, #tpu.memory_space<vmem>> -> memref<256xi32, #tpu.memory_space<vmem>>
    %dma_start3A_4 = arith.constant 0 : i32
    %dma_start3A_5 = arith.constant 0 : i32
    %dma_start3A_6 = tpu.memref_slice %arg2[%dma_start3A_4, %dma_start3A_5] : memref<1000000x128xf32, #tpu.memory_space<hbm>> -> memref<1000000x128xf32, #tpu.memory_space<hbm>>
    tpu.enqueue_indirect_dma source(%dma_start3A_6 : memref<1000000x128xf32, #tpu.memory_space<hbm>>) target(%arg6 : memref<256x128xf32, #tpu.memory_space<vmem>>) offsets(%dma_start3A : memref<256xi32, #tpu.memory_space<vmem>>) semaphore(%arg8 : memref<!tpu.dma_semaphore, #tpu.memory_space<semaphore_mem>>)
    %scan3A = arith.constant 0 : i32
    %scan3A_7 = arith.constant 0 : i32
    %scan3A_8 = arith.constant 8 : i32
    %scan3A_9 = arith.addi %scan3A_7, %scan3A_8 : i32
    %scan3A_10 = arith.constant 1 : i32
    scf.for %scan3A_12 = %scan3A_7 to %scan3A_9 step %scan3A_10  : i32 {
      %mul3A_13 = arith.constant 2 : i32
      %mul3A_14 = arith.muli %scan3A_12, %mul3A_13 : i32
      %add3A_15 = arith.constant 1 : i32
      %add3A_16 = arith.addi %mul3A_14, %add3A_15 : i32
      %mul3A_17 = arith.constant 256 : i32
      %mul3A_18 = arith.muli %add3A_16, %mul3A_17 : i32
      %multiple_of3A_19 = tpu.assume_multiple %mul3A_18, 256 : i32
      %dma_start3A_20 = tpu.memref_slice %arg5[%multiple_of3A_19] : memref<4096xi32, #tpu.memory_space<vmem>> -> memref<256xi32, #tpu.memory_space<vmem>>
      %dma_start3A_21 = arith.constant 0 : i32
      %dma_start3A_22 = arith.constant 0 : i32
      %dma_start3A_23 = tpu.memref_slice %arg2[%dma_start3A_21, %dma_start3A_22] : memref<1000000x128xf32, #tpu.memory_space<hbm>> -> memref<1000000x128xf32, #tpu.memory_space<hbm>>
      tpu.enqueue_indirect_dma source(%dma_start3A_23 : memref<1000000x128xf32, #tpu.memory_space<hbm>>) target(%arg7 : memref<256x128xf32, #tpu.memory_space<vmem>>) offsets(%dma_start3A_20 : memref<256xi32, #tpu.memory_space<vmem>>) semaphore(%arg9 : memref<!tpu.dma_semaphore, #tpu.memory_space<semaphore_mem>>)
      %dma_wait3A = arith.constant 0 : i32
      %dma_wait3A_24 = arith.constant 0 : i32
      %dma_wait3A_25 = tpu.memref_slice %arg2[%dma_wait3A, %dma_wait3A_24] : memref<1000000x128xf32, #tpu.memory_space<hbm>> -> memref<256x128xf32, #tpu.memory_space<hbm>>
      %dma_wait3A_26 = arith.constant 0 : i32
      %dma_wait3A_27 = arith.constant 0 : i32
      %dma_wait3A_28 = tpu.memref_slice %arg2[%dma_wait3A_26, %dma_wait3A_27] : memref<1000000x128xf32, #tpu.memory_space<hbm>> -> memref<256x128xf32, #tpu.memory_space<hbm>>
      tpu.wait_dma2 semaphore(%arg8 : memref<!tpu.dma_semaphore, #tpu.memory_space<semaphore_mem>>) src(%dma_wait3A_28 : memref<256x128xf32, #tpu.memory_space<hbm>>) dst(%arg6 : memref<256x128xf32, #tpu.memory_space<vmem>>)
      %mul3A_29 = arith.constant 256 : i32
      %mul3A_30 = arith.muli %mul3A_14, %mul3A_29 : i32
      %multiple_of3A_31 = tpu.assume_multiple %mul3A_30, 256 : i32
      %add3A_32 = arith.addi %mul3A_2, %multiple_of3A_31 : i32
      "tpu.region"() ({
        %run_scoped3A = tpu.sem_alloc : memref<!tpu.dma_semaphore, #tpu.memory_space<semaphore_mem>>
        %dma_start3A_49 = arith.constant 0 : i32
        %dma_start3A_50 = tpu.memref_slice %arg4[%add3A_32, %dma_start3A_49] : memref<131072x128xf32, #tpu.memory_space<hbm>> -> memref<256x128xf32, #tpu.memory_space<hbm>>
        %dma_start3A_51 = arith.constant 0 : i32
        %dma_start3A_52 = tpu.memref_slice %arg4[%add3A_32, %dma_start3A_51] : memref<131072x128xf32, #tpu.memory_space<hbm>> -> memref<256x128xf32, #tpu.memory_space<hbm>>
        tpu.enqueue_dma source(%arg6 : memref<256x128xf32, #tpu.memory_space<vmem>>) target(%dma_start3A_52 : memref<256x128xf32, #tpu.memory_space<hbm>>) target_semaphore(%run_scoped3A : memref<!tpu.dma_semaphore, #tpu.memory_space<semaphore_mem>>)
        %dma_wait3A_53 = arith.constant 0 : i32
        %dma_wait3A_54 = tpu.memref_slice %arg4[%add3A_32, %dma_wait3A_53] : memref<131072x128xf32, #tpu.memory_space<hbm>> -> memref<256x128xf32, #tpu.memory_space<hbm>>
        %dma_wait3A_55 = arith.constant 0 : i32
        %dma_wait3A_56 = tpu.memref_slice %arg4[%add3A_32, %dma_wait3A_55] : memref<131072x128xf32, #tpu.memory_space<hbm>> -> memref<256x128xf32, #tpu.memory_space<hbm>>
        tpu.wait_dma2 semaphore(%run_scoped3A : memref<!tpu.dma_semaphore, #tpu.memory_space<semaphore_mem>>) src(%arg6 : memref<256x128xf32, #tpu.memory_space<vmem>>) dst(%dma_wait3A_56 : memref<256x128xf32, #tpu.memory_space<hbm>>)
        tpu.yield
      }) : () -> ()
      %add3A_33 = arith.constant 1 : i32
      %add3A_34 = arith.addi %scan3A_12, %add3A_33 : i32
      %lt3A = arith.constant 8 : i32
      %lt3A_35 = arith.cmpi slt, %add3A_34, %lt3A : i32
      %convert_element_type3A = arith.extui %lt3A_35 : i1 to i32
      %cond3A = arith.constant 0 : i32
      %cond3A_36 = arith.cmpi ne, %convert_element_type3A, %cond3A : i32
      scf.if %cond3A_36 {
        %add3A_49 = arith.constant 2 : i32
        %add3A_50 = arith.addi %mul3A_14, %add3A_49 : i32
        %mul3A_51 = arith.constant 256 : i32
        %mul3A_52 = arith.muli %add3A_50, %mul3A_51 : i32
        %multiple_of3A_53 = tpu.assume_multiple %mul3A_52, 256 : i32
        %dma_start3A_54 = tpu.memref_slice %arg5[%multiple_of3A_53] : memref<4096xi32, #tpu.memory_space<vmem>> -> memref<256xi32, #tpu.memory_space<vmem>>
        %dma_start3A_55 = arith.constant 0 : i32
        %dma_start3A_56 = arith.constant 0 : i32
        %dma_start3A_57 = tpu.memref_slice %arg2[%dma_start3A_55, %dma_start3A_56] : memref<1000000x128xf32, #tpu.memory_space<hbm>> -> memref<1000000x128xf32, #tpu.memory_space<hbm>>
        tpu.enqueue_indirect_dma source(%dma_start3A_57 : memref<1000000x128xf32, #tpu.memory_space<hbm>>) target(%arg6 : memref<256x128xf32, #tpu.memory_space<vmem>>) offsets(%dma_start3A_54 : memref<256xi32, #tpu.memory_space<vmem>>) semaphore(%arg8 : memref<!tpu.dma_semaphore, #tpu.memory_space<semaphore_mem>>)
      } else {
      }
      %dma_wait3A_37 = arith.constant 0 : i32
      %dma_wait3A_38 = arith.constant 0 : i32
      %dma_wait3A_39 = tpu.memref_slice %arg2[%dma_wait3A_37, %dma_wait3A_38] : memref<1000000x128xf32, #tpu.memory_space<hbm>> -> memref<256x128xf32, #tpu.memory_space<hbm>>
      %dma_wait3A_40 = arith.constant 0 : i32
      %dma_wait3A_41 = arith.constant 0 : i32
      %dma_wait3A_42 = tpu.memref_slice %arg2[%dma_wait3A_40, %dma_wait3A_41] : memref<1000000x128xf32, #tpu.memory_space<hbm>> -> memref<256x128xf32, #tpu.memory_space<hbm>>
      tpu.wait_dma2 semaphore(%arg9 : memref<!tpu.dma_semaphore, #tpu.memory_space<semaphore_mem>>) src(%dma_wait3A_42 : memref<256x128xf32, #tpu.memory_space<hbm>>) dst(%arg7 : memref<256x128xf32, #tpu.memory_space<vmem>>)
      %add3A_43 = arith.constant 1 : i32
      %add3A_44 = arith.addi %mul3A_14, %add3A_43 : i32
      %mul3A_45 = arith.constant 256 : i32
      %mul3A_46 = arith.muli %add3A_44, %mul3A_45 : i32
      %multiple_of3A_47 = tpu.assume_multiple %mul3A_46, 256 : i32
      %add3A_48 = arith.addi %mul3A_2, %multiple_of3A_47 : i32
      "tpu.region"() ({
        %run_scoped3A = tpu.sem_alloc : memref<!tpu.dma_semaphore, #tpu.memory_space<semaphore_mem>>
        %dma_start3A_49 = arith.constant 0 : i32
        %dma_start3A_50 = tpu.memref_slice %arg4[%add3A_48, %dma_start3A_49] : memref<131072x128xf32, #tpu.memory_space<hbm>> -> memref<256x128xf32, #tpu.memory_space<hbm>>
        %dma_start3A_51 = arith.constant 0 : i32
        %dma_start3A_52 = tpu.memref_slice %arg4[%add3A_48, %dma_start3A_51] : memref<131072x128xf32, #tpu.memory_space<hbm>> -> memref<256x128xf32, #tpu.memory_space<hbm>>
        tpu.enqueue_dma source(%arg7 : memref<256x128xf32, #tpu.memory_space<vmem>>) target(%dma_start3A_52 : memref<256x128xf32, #tpu.memory_space<hbm>>) target_semaphore(%run_scoped3A : memref<!tpu.dma_semaphore, #tpu.memory_space<semaphore_mem>>)
        %dma_wait3A_53 = arith.constant 0 : i32
        %dma_wait3A_54 = tpu.memref_slice %arg4[%add3A_48, %dma_wait3A_53] : memref<131072x128xf32, #tpu.memory_space<hbm>> -> memref<256x128xf32, #tpu.memory_space<hbm>>
        %dma_wait3A_55 = arith.constant 0 : i32
        %dma_wait3A_56 = tpu.memref_slice %arg4[%add3A_48, %dma_wait3A_55] : memref<131072x128xf32, #tpu.memory_space<hbm>> -> memref<256x128xf32, #tpu.memory_space<hbm>>
        tpu.wait_dma2 semaphore(%run_scoped3A : memref<!tpu.dma_semaphore, #tpu.memory_space<semaphore_mem>>) src(%arg7 : memref<256x128xf32, #tpu.memory_space<vmem>>) dst(%dma_wait3A_56 : memref<256x128xf32, #tpu.memory_space<hbm>>)
        tpu.yield
      }) : () -> ()
    }
    %scan3A_11 = arith.constant 8 : i32
    return
  }
}

#map = affine_map<(d0, d1) -> (0, 0)>
#map1 = affine_map<(d0, d1) -> (0)>
module attributes {stable_mosaic.version = 14 : i64} {
  func.func @_sc_gather(%arg0: i32, %arg1: i32, %arg2: memref<1000000x128xf32, #tpu.memory_space<hbm>>, %arg3: memref<131072xi32, #tpu.memory_space<hbm>>, %arg4: memref<131072x128xf32, #tpu.memory_space<hbm>>, %arg5: memref<4096xi32, #tpu.memory_space<vmem>>, %arg6: memref<256x128xf32, #tpu.memory_space<vmem>>, %arg7: memref<256x128xf32, #tpu.memory_space<vmem>>, %arg8: memref<!tpu.dma_semaphore, #tpu.memory_space<semaphore_mem>>, %arg9: memref<!tpu.dma_semaphore, #tpu.memory_space<semaphore_mem>>) attributes {dimension_semantics = [#tpu.dimension_semantics<core_parallel>, #tpu.dimension_semantics<subcore_parallel>], iteration_bounds = array<i64: 2, 16>, scalar_prefetch = 0 : i64, scratch_operands = 5 : i64, tpu.core_type = #tpu.core_type<sc_vector_subcore>, window_params = [{transform_indices = #map}, {transform_indices = #map1}, {transform_indices = #map}]} {
    %mul3A = arith.constant 2 : i32
    %mul3A_0 = arith.muli %arg1, %mul3A : i32
    %add3A = arith.addi %mul3A_0, %arg0 : i32
    %mul3A_1 = arith.constant 4096 : i32
    %mul3A_2 = arith.muli %add3A, %mul3A_1 : i32
    "tpu.region"() ({
      %run_scoped3A = tpu.sem_alloc : memref<!tpu.dma_semaphore, #tpu.memory_space<semaphore_mem>>
      %dma_start3A_12 = tpu.memref_slice %arg3[%mul3A_2] : memref<131072xi32, #tpu.memory_space<hbm>> -> memref<4096xi32, #tpu.memory_space<hbm>>
      %dma_start3A_13 = tpu.memref_slice %arg3[%mul3A_2] : memref<131072xi32, #tpu.memory_space<hbm>> -> memref<4096xi32, #tpu.memory_space<hbm>>
      tpu.enqueue_dma source(%dma_start3A_13 : memref<4096xi32, #tpu.memory_space<hbm>>) target(%arg5 : memref<4096xi32, #tpu.memory_space<vmem>>) target_semaphore(%run_scoped3A : memref<!tpu.dma_semaphore, #tpu.memory_space<semaphore_mem>>)
      %dma_wait3A = tpu.memref_slice %arg3[%mul3A_2] : memref<131072xi32, #tpu.memory_space<hbm>> -> memref<4096xi32, #tpu.memory_space<hbm>>
      %dma_wait3A_14 = tpu.memref_slice %arg3[%mul3A_2] : memref<131072xi32, #tpu.memory_space<hbm>> -> memref<4096xi32, #tpu.memory_space<hbm>>
      tpu.wait_dma2 semaphore(%run_scoped3A : memref<!tpu.dma_semaphore, #tpu.memory_space<semaphore_mem>>) src(%dma_wait3A_14 : memref<4096xi32, #tpu.memory_space<hbm>>) dst(%arg5 : memref<4096xi32, #tpu.memory_space<vmem>>)
      tpu.yield
    }) : () -> ()
    %multiple_of3A = arith.constant 0 : i32
    %multiple_of3A_3 = tpu.assume_multiple %multiple_of3A, 256 : i32
    %dma_start3A = tpu.memref_slice %arg5[%multiple_of3A_3] : memref<4096xi32, #tpu.memory_space<vmem>> -> memref<256xi32, #tpu.memory_space<vmem>>
    %dma_start3A_4 = arith.constant 0 : i32
    %dma_start3A_5 = arith.constant 0 : i32
    %dma_start3A_6 = tpu.memref_slice %arg2[%dma_start3A_4, %dma_start3A_5] : memref<1000000x128xf32, #tpu.memory_space<hbm>> -> memref<1000000x128xf32, #tpu.memory_space<hbm>>
    tpu.enqueue_indirect_dma source(%dma_start3A_6 : memref<1000000x128xf32, #tpu.memory_space<hbm>>) target(%arg6 : memref<256x128xf32, #tpu.memory_space<vmem>>) offsets(%dma_start3A : memref<256xi32, #tpu.memory_space<vmem>>) semaphore(%arg8 : memref<!tpu.dma_semaphore, #tpu.memory_space<semaphore_mem>>)
    %scan3A = arith.constant 0 : i32
    %scan3A_7 = arith.constant 0 : i32
    %scan3A_8 = arith.constant 8 : i32
    %scan3A_9 = arith.addi %scan3A_7, %scan3A_8 : i32
    %scan3A_10 = arith.constant 1 : i32
    scf.for %scan3A_12 = %scan3A_7 to %scan3A_9 step %scan3A_10  : i32 {
      %mul3A_13 = arith.constant 2 : i32
      %mul3A_14 = arith.muli %scan3A_12, %mul3A_13 : i32
      %add3A_15 = arith.constant 1 : i32
      %add3A_16 = arith.addi %mul3A_14, %add3A_15 : i32
      %mul3A_17 = arith.constant 256 : i32
      %mul3A_18 = arith.muli %add3A_16, %mul3A_17 : i32
      %multiple_of3A_19 = tpu.assume_multiple %mul3A_18, 256 : i32
      %dma_start3A_20 = tpu.memref_slice %arg5[%multiple_of3A_19] : memref<4096xi32, #tpu.memory_space<vmem>> -> memref<256xi32, #tpu.memory_space<vmem>>
      %dma_start3A_21 = arith.constant 0 : i32
      %dma_start3A_22 = arith.constant 0 : i32
      %dma_start3A_23 = tpu.memref_slice %arg2[%dma_start3A_21, %dma_start3A_22] : memref<1000000x128xf32, #tpu.memory_space<hbm>> -> memref<1000000x128xf32, #tpu.memory_space<hbm>>
      tpu.enqueue_indirect_dma source(%dma_start3A_23 : memref<1000000x128xf32, #tpu.memory_space<hbm>>) target(%arg7 : memref<256x128xf32, #tpu.memory_space<vmem>>) offsets(%dma_start3A_20 : memref<256xi32, #tpu.memory_space<vmem>>) semaphore(%arg9 : memref<!tpu.dma_semaphore, #tpu.memory_space<semaphore_mem>>)
      %dma_wait3A = arith.constant 0 : i32
      %dma_wait3A_24 = arith.constant 0 : i32
      %dma_wait3A_25 = tpu.memref_slice %arg2[%dma_wait3A, %dma_wait3A_24] : memref<1000000x128xf32, #tpu.memory_space<hbm>> -> memref<256x128xf32, #tpu.memory_space<hbm>>
      %dma_wait3A_26 = arith.constant 0 : i32
      %dma_wait3A_27 = arith.constant 0 : i32
      %dma_wait3A_28 = tpu.memref_slice %arg2[%dma_wait3A_26, %dma_wait3A_27] : memref<1000000x128xf32, #tpu.memory_space<hbm>> -> memref<256x128xf32, #tpu.memory_space<hbm>>
      tpu.wait_dma2 semaphore(%arg8 : memref<!tpu.dma_semaphore, #tpu.memory_space<semaphore_mem>>) src(%dma_wait3A_28 : memref<256x128xf32, #tpu.memory_space<hbm>>) dst(%arg6 : memref<256x128xf32, #tpu.memory_space<vmem>>)
      %mul3A_29 = arith.constant 256 : i32
      %mul3A_30 = arith.muli %mul3A_14, %mul3A_29 : i32
      %multiple_of3A_31 = tpu.assume_multiple %mul3A_30, 256 : i32
      %add3A_32 = arith.addi %mul3A_2, %multiple_of3A_31 : i32
      "tpu.region"() ({
        %run_scoped3A = tpu.sem_alloc : memref<!tpu.dma_semaphore, #tpu.memory_space<semaphore_mem>>
        %dma_start3A_49 = arith.constant 0 : i32
        %dma_start3A_50 = tpu.memref_slice %arg4[%add3A_32, %dma_start3A_49] : memref<131072x128xf32, #tpu.memory_space<hbm>> -> memref<256x128xf32, #tpu.memory_space<hbm>>
        %dma_start3A_51 = arith.constant 0 : i32
        %dma_start3A_52 = tpu.memref_slice %arg4[%add3A_32, %dma_start3A_51] : memref<131072x128xf32, #tpu.memory_space<hbm>> -> memref<256x128xf32, #tpu.memory_space<hbm>>
        tpu.enqueue_dma source(%arg6 : memref<256x128xf32, #tpu.memory_space<vmem>>) target(%dma_start3A_52 : memref<256x128xf32, #tpu.memory_space<hbm>>) target_semaphore(%run_scoped3A : memref<!tpu.dma_semaphore, #tpu.memory_space<semaphore_mem>>)
        %dma_wait3A_53 = arith.constant 0 : i32
        %dma_wait3A_54 = tpu.memref_slice %arg4[%add3A_32, %dma_wait3A_53] : memref<131072x128xf32, #tpu.memory_space<hbm>> -> memref<256x128xf32, #tpu.memory_space<hbm>>
        %dma_wait3A_55 = arith.constant 0 : i32
        %dma_wait3A_56 = tpu.memref_slice %arg4[%add3A_32, %dma_wait3A_55] : memref<131072x128xf32, #tpu.memory_space<hbm>> -> memref<256x128xf32, #tpu.memory_space<hbm>>
        tpu.wait_dma2 semaphore(%run_scoped3A : memref<!tpu.dma_semaphore, #tpu.memory_space<semaphore_mem>>) src(%arg6 : memref<256x128xf32, #tpu.memory_space<vmem>>) dst(%dma_wait3A_56 : memref<256x128xf32, #tpu.memory_space<hbm>>)
        tpu.yield
      }) : () -> ()
      %add3A_33 = arith.constant 1 : i32
      %add3A_34 = arith.addi %scan3A_12, %add3A_33 : i32
      %lt3A = arith.constant 8 : i32
      %lt3A_35 = arith.cmpi slt, %add3A_34, %lt3A : i32
      %convert_element_type3A = arith.extui %lt3A_35 : i1 to i32
      %cond3A = arith.constant 0 : i32
      %cond3A_36 = arith.cmpi ne, %convert_element_type3A, %cond3A : i32
      scf.if %cond3A_36 {
        %add3A_49 = arith.constant 2 : i32
        %add3A_50 = arith.addi %mul3A_14, %add3A_49 : i32
        %mul3A_51 = arith.constant 256 : i32
        %mul3A_52 = arith.muli %add3A_50, %mul3A_51 : i32
        %multiple_of3A_53 = tpu.assume_multiple %mul3A_52, 256 : i32
        %dma_start3A_54 = tpu.memref_slice %arg5[%multiple_of3A_53] : memref<4096xi32, #tpu.memory_space<vmem>> -> memref<256xi32, #tpu.memory_space<vmem>>
        %dma_start3A_55 = arith.constant 0 : i32
        %dma_start3A_56 = arith.constant 0 : i32
        %dma_start3A_57 = tpu.memref_slice %arg2[%dma_start3A_55, %dma_start3A_56] : memref<1000000x128xf32, #tpu.memory_space<hbm>> -> memref<1000000x128xf32, #tpu.memory_space<hbm>>
        tpu.enqueue_indirect_dma source(%dma_start3A_57 : memref<1000000x128xf32, #tpu.memory_space<hbm>>) target(%arg6 : memref<256x128xf32, #tpu.memory_space<vmem>>) offsets(%dma_start3A_54 : memref<256xi32, #tpu.memory_space<vmem>>) semaphore(%arg8 : memref<!tpu.dma_semaphore, #tpu.memory_space<semaphore_mem>>)
      } else {
      }
      %dma_wait3A_37 = arith.constant 0 : i32
      %dma_wait3A_38 = arith.constant 0 : i32
      %dma_wait3A_39 = tpu.memref_slice %arg2[%dma_wait3A_37, %dma_wait3A_38] : memref<1000000x128xf32, #tpu.memory_space<hbm>> -> memref<256x128xf32, #tpu.memory_space<hbm>>
      %dma_wait3A_40 = arith.constant 0 : i32
      %dma_wait3A_41 = arith.constant 0 : i32
      %dma_wait3A_42 = tpu.memref_slice %arg2[%dma_wait3A_40, %dma_wait3A_41] : memref<1000000x128xf32, #tpu.memory_space<hbm>> -> memref<256x128xf32, #tpu.memory_space<hbm>>
      tpu.wait_dma2 semaphore(%arg9 : memref<!tpu.dma_semaphore, #tpu.memory_space<semaphore_mem>>) src(%dma_wait3A_42 : memref<256x128xf32, #tpu.memory_space<hbm>>) dst(%arg7 : memref<256x128xf32, #tpu.memory_space<vmem>>)
      %add3A_43 = arith.constant 1 : i32
      %add3A_44 = arith.addi %mul3A_14, %add3A_43 : i32
      %mul3A_45 = arith.constant 256 : i32
      %mul3A_46 = arith.muli %add3A_44, %mul3A_45 : i32
      %multiple_of3A_47 = tpu.assume_multiple %mul3A_46, 256 : i32
      %add3A_48 = arith.addi %mul3A_2, %multiple_of3A_47 : i32
      "tpu.region"() ({
        %run_scoped3A = tpu.sem_alloc : memref<!tpu.dma_semaphore, #tpu.memory_space<semaphore_mem>>
        %dma_start3A_49 = arith.constant 0 : i32
        %dma_start3A_50 = tpu.memref_slice %arg4[%add3A_48, %dma_start3A_49] : memref<131072x128xf32, #tpu.memory_space<hbm>> -> memref<256x128xf32, #tpu.memory_space<hbm>>
        %dma_start3A_51 = arith.constant 0 : i32
        %dma_start3A_52 = tpu.memref_slice %arg4[%add3A_48, %dma_start3A_51] : memref<131072x128xf32, #tpu.memory_space<hbm>> -> memref<256x128xf32, #tpu.memory_space<hbm>>
        tpu.enqueue_dma source(%arg7 : memref<256x128xf32, #tpu.memory_space<vmem>>) target(%dma_start3A_52 : memref<256x128xf32, #tpu.memory_space<hbm>>) target_semaphore(%run_scoped3A : memref<!tpu.dma_semaphore, #tpu.memory_space<semaphore_mem>>)
        %dma_wait3A_53 = arith.constant 0 : i32
        %dma_wait3A_54 = tpu.memref_slice %arg4[%add3A_48, %dma_wait3A_53] : memref<131072x128xf32, #tpu.memory_space<hbm>> -> memref<256x128xf32, #tpu.memory_space<hbm>>
        %dma_wait3A_55 = arith.constant 0 : i32
        %dma_wait3A_56 = tpu.memref_slice %arg4[%add3A_48, %dma_wait3A_55] : memref<131072x128xf32, #tpu.memory_space<hbm>> -> memref<256x128xf32, #tpu.memory_space<hbm>>
        tpu.wait_dma2 semaphore(%run_scoped3A : memref<!tpu.dma_semaphore, #tpu.memory_space<semaphore_mem>>) src(%arg7 : memref<256x128xf32, #tpu.memory_space<vmem>>) dst(%dma_wait3A_56 : memref<256x128xf32, #tpu.memory_space<hbm>>)
        tpu.yield
      }) : () -> ()
    }
    %scan3A_11 = arith.constant 8 : i32
    return
  }
}

#map = affine_map<(d0, d1) -> (0, 0)>
#map1 = affine_map<(d0, d1) -> (0)>
module attributes {stable_mosaic.version = 14 : i64} {
  func.func @_sc_gather(%arg0: i32, %arg1: i32, %arg2: memref<1000000x128xf32, #tpu.memory_space<hbm>>, %arg3: memref<131072xi32, #tpu.memory_space<hbm>>, %arg4: memref<131072x128xf32, #tpu.memory_space<hbm>>, %arg5: memref<4096xi32, #tpu.memory_space<vmem>>, %arg6: memref<256x128xf32, #tpu.memory_space<vmem>>, %arg7: memref<256x128xf32, #tpu.memory_space<vmem>>, %arg8: memref<!tpu.dma_semaphore, #tpu.memory_space<semaphore_mem>>, %arg9: memref<!tpu.dma_semaphore, #tpu.memory_space<semaphore_mem>>) attributes {dimension_semantics = [#tpu.dimension_semantics<core_parallel>, #tpu.dimension_semantics<subcore_parallel>], iteration_bounds = array<i64: 2, 16>, scalar_prefetch = 0 : i64, scratch_operands = 5 : i64, tpu.core_type = #tpu.core_type<sc_vector_subcore>, window_params = [{transform_indices = #map}, {transform_indices = #map1}, {transform_indices = #map}]} {
    %mul3A = arith.constant 2 : i32
    %mul3A_0 = arith.muli %arg1, %mul3A : i32
    %add3A = arith.addi %mul3A_0, %arg0 : i32
    %mul3A_1 = arith.constant 4096 : i32
    %mul3A_2 = arith.muli %add3A, %mul3A_1 : i32
    "tpu.region"() ({
      %run_scoped3A = tpu.sem_alloc : memref<!tpu.dma_semaphore, #tpu.memory_space<semaphore_mem>>
      %dma_start3A_12 = tpu.memref_slice %arg3[%mul3A_2] : memref<131072xi32, #tpu.memory_space<hbm>> -> memref<4096xi32, #tpu.memory_space<hbm>>
      %dma_start3A_13 = tpu.memref_slice %arg3[%mul3A_2] : memref<131072xi32, #tpu.memory_space<hbm>> -> memref<4096xi32, #tpu.memory_space<hbm>>
      tpu.enqueue_dma source(%dma_start3A_13 : memref<4096xi32, #tpu.memory_space<hbm>>) target(%arg5 : memref<4096xi32, #tpu.memory_space<vmem>>) target_semaphore(%run_scoped3A : memref<!tpu.dma_semaphore, #tpu.memory_space<semaphore_mem>>)
      %dma_wait3A = tpu.memref_slice %arg3[%mul3A_2] : memref<131072xi32, #tpu.memory_space<hbm>> -> memref<4096xi32, #tpu.memory_space<hbm>>
      %dma_wait3A_14 = tpu.memref_slice %arg3[%mul3A_2] : memref<131072xi32, #tpu.memory_space<hbm>> -> memref<4096xi32, #tpu.memory_space<hbm>>
      tpu.wait_dma2 semaphore(%run_scoped3A : memref<!tpu.dma_semaphore, #tpu.memory_space<semaphore_mem>>) src(%dma_wait3A_14 : memref<4096xi32, #tpu.memory_space<hbm>>) dst(%arg5 : memref<4096xi32, #tpu.memory_space<vmem>>)
      tpu.yield
    }) : () -> ()
    %multiple_of3A = arith.constant 0 : i32
    %multiple_of3A_3 = tpu.assume_multiple %multiple_of3A, 256 : i32
    %dma_start3A = tpu.memref_slice %arg5[%multiple_of3A_3] : memref<4096xi32, #tpu.memory_space<vmem>> -> memref<256xi32, #tpu.memory_space<vmem>>
    %dma_start3A_4 = arith.constant 0 : i32
    %dma_start3A_5 = arith.constant 0 : i32
    %dma_start3A_6 = tpu.memref_slice %arg2[%dma_start3A_4, %dma_start3A_5] : memref<1000000x128xf32, #tpu.memory_space<hbm>> -> memref<1000000x128xf32, #tpu.memory_space<hbm>>
    tpu.enqueue_indirect_dma source(%dma_start3A_6 : memref<1000000x128xf32, #tpu.memory_space<hbm>>) target(%arg6 : memref<256x128xf32, #tpu.memory_space<vmem>>) offsets(%dma_start3A : memref<256xi32, #tpu.memory_space<vmem>>) semaphore(%arg8 : memref<!tpu.dma_semaphore, #tpu.memory_space<semaphore_mem>>)
    %scan3A = arith.constant 0 : i32
    %scan3A_7 = arith.constant 0 : i32
    %scan3A_8 = arith.constant 8 : i32
    %scan3A_9 = arith.addi %scan3A_7, %scan3A_8 : i32
    %scan3A_10 = arith.constant 1 : i32
    scf.for %scan3A_12 = %scan3A_7 to %scan3A_9 step %scan3A_10  : i32 {
      %mul3A_13 = arith.constant 2 : i32
      %mul3A_14 = arith.muli %scan3A_12, %mul3A_13 : i32
      %add3A_15 = arith.constant 1 : i32
      %add3A_16 = arith.addi %mul3A_14, %add3A_15 : i32
      %mul3A_17 = arith.constant 256 : i32
      %mul3A_18 = arith.muli %add3A_16, %mul3A_17 : i32
      %multiple_of3A_19 = tpu.assume_multiple %mul3A_18, 256 : i32
      %dma_start3A_20 = tpu.memref_slice %arg5[%multiple_of3A_19] : memref<4096xi32, #tpu.memory_space<vmem>> -> memref<256xi32, #tpu.memory_space<vmem>>
      %dma_start3A_21 = arith.constant 0 : i32
      %dma_start3A_22 = arith.constant 0 : i32
      %dma_start3A_23 = tpu.memref_slice %arg2[%dma_start3A_21, %dma_start3A_22] : memref<1000000x128xf32, #tpu.memory_space<hbm>> -> memref<1000000x128xf32, #tpu.memory_space<hbm>>
      tpu.enqueue_indirect_dma source(%dma_start3A_23 : memref<1000000x128xf32, #tpu.memory_space<hbm>>) target(%arg7 : memref<256x128xf32, #tpu.memory_space<vmem>>) offsets(%dma_start3A_20 : memref<256xi32, #tpu.memory_space<vmem>>) semaphore(%arg9 : memref<!tpu.dma_semaphore, #tpu.memory_space<semaphore_mem>>)
      %dma_wait3A = arith.constant 0 : i32
      %dma_wait3A_24 = arith.constant 0 : i32
      %dma_wait3A_25 = tpu.memref_slice %arg2[%dma_wait3A, %dma_wait3A_24] : memref<1000000x128xf32, #tpu.memory_space<hbm>> -> memref<256x128xf32, #tpu.memory_space<hbm>>
      %dma_wait3A_26 = arith.constant 0 : i32
      %dma_wait3A_27 = arith.constant 0 : i32
      %dma_wait3A_28 = tpu.memref_slice %arg2[%dma_wait3A_26, %dma_wait3A_27] : memref<1000000x128xf32, #tpu.memory_space<hbm>> -> memref<256x128xf32, #tpu.memory_space<hbm>>
      tpu.wait_dma2 semaphore(%arg8 : memref<!tpu.dma_semaphore, #tpu.memory_space<semaphore_mem>>) src(%dma_wait3A_28 : memref<256x128xf32, #tpu.memory_space<hbm>>) dst(%arg6 : memref<256x128xf32, #tpu.memory_space<vmem>>)
      %mul3A_29 = arith.constant 256 : i32
      %mul3A_30 = arith.muli %mul3A_14, %mul3A_29 : i32
      %multiple_of3A_31 = tpu.assume_multiple %mul3A_30, 256 : i32
      %add3A_32 = arith.addi %mul3A_2, %multiple_of3A_31 : i32
      "tpu.region"() ({
        %run_scoped3A = tpu.sem_alloc : memref<!tpu.dma_semaphore, #tpu.memory_space<semaphore_mem>>
        %dma_start3A_49 = arith.constant 0 : i32
        %dma_start3A_50 = tpu.memref_slice %arg4[%add3A_32, %dma_start3A_49] : memref<131072x128xf32, #tpu.memory_space<hbm>> -> memref<256x128xf32, #tpu.memory_space<hbm>>
        %dma_start3A_51 = arith.constant 0 : i32
        %dma_start3A_52 = tpu.memref_slice %arg4[%add3A_32, %dma_start3A_51] : memref<131072x128xf32, #tpu.memory_space<hbm>> -> memref<256x128xf32, #tpu.memory_space<hbm>>
        tpu.enqueue_dma source(%arg6 : memref<256x128xf32, #tpu.memory_space<vmem>>) target(%dma_start3A_52 : memref<256x128xf32, #tpu.memory_space<hbm>>) target_semaphore(%run_scoped3A : memref<!tpu.dma_semaphore, #tpu.memory_space<semaphore_mem>>)
        %dma_wait3A_53 = arith.constant 0 : i32
        %dma_wait3A_54 = tpu.memref_slice %arg4[%add3A_32, %dma_wait3A_53] : memref<131072x128xf32, #tpu.memory_space<hbm>> -> memref<256x128xf32, #tpu.memory_space<hbm>>
        %dma_wait3A_55 = arith.constant 0 : i32
        %dma_wait3A_56 = tpu.memref_slice %arg4[%add3A_32, %dma_wait3A_55] : memref<131072x128xf32, #tpu.memory_space<hbm>> -> memref<256x128xf32, #tpu.memory_space<hbm>>
        tpu.wait_dma2 semaphore(%run_scoped3A : memref<!tpu.dma_semaphore, #tpu.memory_space<semaphore_mem>>) src(%arg6 : memref<256x128xf32, #tpu.memory_space<vmem>>) dst(%dma_wait3A_56 : memref<256x128xf32, #tpu.memory_space<hbm>>)
        tpu.yield
      }) : () -> ()
      %add3A_33 = arith.constant 1 : i32
      %add3A_34 = arith.addi %scan3A_12, %add3A_33 : i32
      %lt3A = arith.constant 8 : i32
      %lt3A_35 = arith.cmpi slt, %add3A_34, %lt3A : i32
      %convert_element_type3A = arith.extui %lt3A_35 : i1 to i32
      %cond3A = arith.constant 0 : i32
      %cond3A_36 = arith.cmpi ne, %convert_element_type3A, %cond3A : i32
      scf.if %cond3A_36 {
        %add3A_49 = arith.constant 2 : i32
        %add3A_50 = arith.addi %mul3A_14, %add3A_49 : i32
        %mul3A_51 = arith.constant 256 : i32
        %mul3A_52 = arith.muli %add3A_50, %mul3A_51 : i32
        %multiple_of3A_53 = tpu.assume_multiple %mul3A_52, 256 : i32
        %dma_start3A_54 = tpu.memref_slice %arg5[%multiple_of3A_53] : memref<4096xi32, #tpu.memory_space<vmem>> -> memref<256xi32, #tpu.memory_space<vmem>>
        %dma_start3A_55 = arith.constant 0 : i32
        %dma_start3A_56 = arith.constant 0 : i32
        %dma_start3A_57 = tpu.memref_slice %arg2[%dma_start3A_55, %dma_start3A_56] : memref<1000000x128xf32, #tpu.memory_space<hbm>> -> memref<1000000x128xf32, #tpu.memory_space<hbm>>
        tpu.enqueue_indirect_dma source(%dma_start3A_57 : memref<1000000x128xf32, #tpu.memory_space<hbm>>) target(%arg6 : memref<256x128xf32, #tpu.memory_space<vmem>>) offsets(%dma_start3A_54 : memref<256xi32, #tpu.memory_space<vmem>>) semaphore(%arg8 : memref<!tpu.dma_semaphore, #tpu.memory_space<semaphore_mem>>)
      } else {
      }
      %dma_wait3A_37 = arith.constant 0 : i32
      %dma_wait3A_38 = arith.constant 0 : i32
      %dma_wait3A_39 = tpu.memref_slice %arg2[%dma_wait3A_37, %dma_wait3A_38] : memref<1000000x128xf32, #tpu.memory_space<hbm>> -> memref<256x128xf32, #tpu.memory_space<hbm>>
      %dma_wait3A_40 = arith.constant 0 : i32
      %dma_wait3A_41 = arith.constant 0 : i32
      %dma_wait3A_42 = tpu.memref_slice %arg2[%dma_wait3A_40, %dma_wait3A_41] : memref<1000000x128xf32, #tpu.memory_space<hbm>> -> memref<256x128xf32, #tpu.memory_space<hbm>>
      tpu.wait_dma2 semaphore(%arg9 : memref<!tpu.dma_semaphore, #tpu.memory_space<semaphore_mem>>) src(%dma_wait3A_42 : memref<256x128xf32, #tpu.memory_space<hbm>>) dst(%arg7 : memref<256x128xf32, #tpu.memory_space<vmem>>)
      %add3A_43 = arith.constant 1 : i32
      %add3A_44 = arith.addi %mul3A_14, %add3A_43 : i32
      %mul3A_45 = arith.constant 256 : i32
      %mul3A_46 = arith.muli %add3A_44, %mul3A_45 : i32
      %multiple_of3A_47 = tpu.assume_multiple %mul3A_46, 256 : i32
      %add3A_48 = arith.addi %mul3A_2, %multiple_of3A_47 : i32
      "tpu.region"() ({
        %run_scoped3A = tpu.sem_alloc : memref<!tpu.dma_semaphore, #tpu.memory_space<semaphore_mem>>
        %dma_start3A_49 = arith.constant 0 : i32
        %dma_start3A_50 = tpu.memref_slice %arg4[%add3A_48, %dma_start3A_49] : memref<131072x128xf32, #tpu.memory_space<hbm>> -> memref<256x128xf32, #tpu.memory_space<hbm>>
        %dma_start3A_51 = arith.constant 0 : i32
        %dma_start3A_52 = tpu.memref_slice %arg4[%add3A_48, %dma_start3A_51] : memref<131072x128xf32, #tpu.memory_space<hbm>> -> memref<256x128xf32, #tpu.memory_space<hbm>>
        tpu.enqueue_dma source(%arg7 : memref<256x128xf32, #tpu.memory_space<vmem>>) target(%dma_start3A_52 : memref<256x128xf32, #tpu.memory_space<hbm>>) target_semaphore(%run_scoped3A : memref<!tpu.dma_semaphore, #tpu.memory_space<semaphore_mem>>)
        %dma_wait3A_53 = arith.constant 0 : i32
        %dma_wait3A_54 = tpu.memref_slice %arg4[%add3A_48, %dma_wait3A_53] : memref<131072x128xf32, #tpu.memory_space<hbm>> -> memref<256x128xf32, #tpu.memory_space<hbm>>
        %dma_wait3A_55 = arith.constant 0 : i32
        %dma_wait3A_56 = tpu.memref_slice %arg4[%add3A_48, %dma_wait3A_55] : memref<131072x128xf32, #tpu.memory_space<hbm>> -> memref<256x128xf32, #tpu.memory_space<hbm>>
        tpu.wait_dma2 semaphore(%run_scoped3A : memref<!tpu.dma_semaphore, #tpu.memory_space<semaphore_mem>>) src(%arg7 : memref<256x128xf32, #tpu.memory_space<vmem>>) dst(%dma_wait3A_56 : memref<256x128xf32, #tpu.memory_space<hbm>>)
        tpu.yield
      }) : () -> ()
    }
    %scan3A_11 = arith.constant 8 : i32
    return
  }
}

#map = affine_map<(d0, d1) -> (0, 0)>
#map1 = affine_map<(d0, d1) -> (0)>
module attributes {stable_mosaic.version = 14 : i64} {
  func.func @_sc_gather(%arg0: i32, %arg1: i32, %arg2: memref<1000000x128xf32, #tpu.memory_space<hbm>>, %arg3: memref<131072xi32, #tpu.memory_space<hbm>>, %arg4: memref<131072x128xf32, #tpu.memory_space<hbm>>, %arg5: memref<4096xi32, #tpu.memory_space<vmem>>, %arg6: memref<256x128xf32, #tpu.memory_space<vmem>>, %arg7: memref<256x128xf32, #tpu.memory_space<vmem>>, %arg8: memref<!tpu.dma_semaphore, #tpu.memory_space<semaphore_mem>>, %arg9: memref<!tpu.dma_semaphore, #tpu.memory_space<semaphore_mem>>) attributes {dimension_semantics = [#tpu.dimension_semantics<core_parallel>, #tpu.dimension_semantics<subcore_parallel>], iteration_bounds = array<i64: 2, 16>, scalar_prefetch = 0 : i64, scratch_operands = 5 : i64, tpu.core_type = #tpu.core_type<sc_vector_subcore>, window_params = [{transform_indices = #map}, {transform_indices = #map1}, {transform_indices = #map}]} {
    %mul3A = arith.constant 2 : i32
    %mul3A_0 = arith.muli %arg1, %mul3A : i32
    %add3A = arith.addi %mul3A_0, %arg0 : i32
    %mul3A_1 = arith.constant 4096 : i32
    %mul3A_2 = arith.muli %add3A, %mul3A_1 : i32
    "tpu.region"() ({
      %run_scoped3A = tpu.sem_alloc : memref<!tpu.dma_semaphore, #tpu.memory_space<semaphore_mem>>
      %dma_start3A_12 = tpu.memref_slice %arg3[%mul3A_2] : memref<131072xi32, #tpu.memory_space<hbm>> -> memref<4096xi32, #tpu.memory_space<hbm>>
      %dma_start3A_13 = tpu.memref_slice %arg3[%mul3A_2] : memref<131072xi32, #tpu.memory_space<hbm>> -> memref<4096xi32, #tpu.memory_space<hbm>>
      tpu.enqueue_dma source(%dma_start3A_13 : memref<4096xi32, #tpu.memory_space<hbm>>) target(%arg5 : memref<4096xi32, #tpu.memory_space<vmem>>) target_semaphore(%run_scoped3A : memref<!tpu.dma_semaphore, #tpu.memory_space<semaphore_mem>>)
      %dma_wait3A = tpu.memref_slice %arg3[%mul3A_2] : memref<131072xi32, #tpu.memory_space<hbm>> -> memref<4096xi32, #tpu.memory_space<hbm>>
      %dma_wait3A_14 = tpu.memref_slice %arg3[%mul3A_2] : memref<131072xi32, #tpu.memory_space<hbm>> -> memref<4096xi32, #tpu.memory_space<hbm>>
      tpu.wait_dma2 semaphore(%run_scoped3A : memref<!tpu.dma_semaphore, #tpu.memory_space<semaphore_mem>>) src(%dma_wait3A_14 : memref<4096xi32, #tpu.memory_space<hbm>>) dst(%arg5 : memref<4096xi32, #tpu.memory_space<vmem>>)
      tpu.yield
    }) : () -> ()
    %multiple_of3A = arith.constant 0 : i32
    %multiple_of3A_3 = tpu.assume_multiple %multiple_of3A, 256 : i32
    %dma_start3A = tpu.memref_slice %arg5[%multiple_of3A_3] : memref<4096xi32, #tpu.memory_space<vmem>> -> memref<256xi32, #tpu.memory_space<vmem>>
    %dma_start3A_4 = arith.constant 0 : i32
    %dma_start3A_5 = arith.constant 0 : i32
    %dma_start3A_6 = tpu.memref_slice %arg2[%dma_start3A_4, %dma_start3A_5] : memref<1000000x128xf32, #tpu.memory_space<hbm>> -> memref<1000000x128xf32, #tpu.memory_space<hbm>>
    tpu.enqueue_indirect_dma source(%dma_start3A_6 : memref<1000000x128xf32, #tpu.memory_space<hbm>>) target(%arg6 : memref<256x128xf32, #tpu.memory_space<vmem>>) offsets(%dma_start3A : memref<256xi32, #tpu.memory_space<vmem>>) semaphore(%arg8 : memref<!tpu.dma_semaphore, #tpu.memory_space<semaphore_mem>>)
    %scan3A = arith.constant 0 : i32
    %scan3A_7 = arith.constant 0 : i32
    %scan3A_8 = arith.constant 8 : i32
    %scan3A_9 = arith.addi %scan3A_7, %scan3A_8 : i32
    %scan3A_10 = arith.constant 1 : i32
    scf.for %scan3A_12 = %scan3A_7 to %scan3A_9 step %scan3A_10  : i32 {
      %mul3A_13 = arith.constant 2 : i32
      %mul3A_14 = arith.muli %scan3A_12, %mul3A_13 : i32
      %add3A_15 = arith.constant 1 : i32
      %add3A_16 = arith.addi %mul3A_14, %add3A_15 : i32
      %mul3A_17 = arith.constant 256 : i32
      %mul3A_18 = arith.muli %add3A_16, %mul3A_17 : i32
      %multiple_of3A_19 = tpu.assume_multiple %mul3A_18, 256 : i32
      %dma_start3A_20 = tpu.memref_slice %arg5[%multiple_of3A_19] : memref<4096xi32, #tpu.memory_space<vmem>> -> memref<256xi32, #tpu.memory_space<vmem>>
      %dma_start3A_21 = arith.constant 0 : i32
      %dma_start3A_22 = arith.constant 0 : i32
      %dma_start3A_23 = tpu.memref_slice %arg2[%dma_start3A_21, %dma_start3A_22] : memref<1000000x128xf32, #tpu.memory_space<hbm>> -> memref<1000000x128xf32, #tpu.memory_space<hbm>>
      tpu.enqueue_indirect_dma source(%dma_start3A_23 : memref<1000000x128xf32, #tpu.memory_space<hbm>>) target(%arg7 : memref<256x128xf32, #tpu.memory_space<vmem>>) offsets(%dma_start3A_20 : memref<256xi32, #tpu.memory_space<vmem>>) semaphore(%arg9 : memref<!tpu.dma_semaphore, #tpu.memory_space<semaphore_mem>>)
      %dma_wait3A = arith.constant 0 : i32
      %dma_wait3A_24 = arith.constant 0 : i32
      %dma_wait3A_25 = tpu.memref_slice %arg2[%dma_wait3A, %dma_wait3A_24] : memref<1000000x128xf32, #tpu.memory_space<hbm>> -> memref<256x128xf32, #tpu.memory_space<hbm>>
      %dma_wait3A_26 = arith.constant 0 : i32
      %dma_wait3A_27 = arith.constant 0 : i32
      %dma_wait3A_28 = tpu.memref_slice %arg2[%dma_wait3A_26, %dma_wait3A_27] : memref<1000000x128xf32, #tpu.memory_space<hbm>> -> memref<256x128xf32, #tpu.memory_space<hbm>>
      tpu.wait_dma2 semaphore(%arg8 : memref<!tpu.dma_semaphore, #tpu.memory_space<semaphore_mem>>) src(%dma_wait3A_28 : memref<256x128xf32, #tpu.memory_space<hbm>>) dst(%arg6 : memref<256x128xf32, #tpu.memory_space<vmem>>)
      %mul3A_29 = arith.constant 256 : i32
      %mul3A_30 = arith.muli %mul3A_14, %mul3A_29 : i32
      %multiple_of3A_31 = tpu.assume_multiple %mul3A_30, 256 : i32
      %add3A_32 = arith.addi %mul3A_2, %multiple_of3A_31 : i32
      "tpu.region"() ({
        %run_scoped3A = tpu.sem_alloc : memref<!tpu.dma_semaphore, #tpu.memory_space<semaphore_mem>>
        %dma_start3A_49 = arith.constant 0 : i32
        %dma_start3A_50 = tpu.memref_slice %arg4[%add3A_32, %dma_start3A_49] : memref<131072x128xf32, #tpu.memory_space<hbm>> -> memref<256x128xf32, #tpu.memory_space<hbm>>
        %dma_start3A_51 = arith.constant 0 : i32
        %dma_start3A_52 = tpu.memref_slice %arg4[%add3A_32, %dma_start3A_51] : memref<131072x128xf32, #tpu.memory_space<hbm>> -> memref<256x128xf32, #tpu.memory_space<hbm>>
        tpu.enqueue_dma source(%arg6 : memref<256x128xf32, #tpu.memory_space<vmem>>) target(%dma_start3A_52 : memref<256x128xf32, #tpu.memory_space<hbm>>) target_semaphore(%run_scoped3A : memref<!tpu.dma_semaphore, #tpu.memory_space<semaphore_mem>>)
        %dma_wait3A_53 = arith.constant 0 : i32
        %dma_wait3A_54 = tpu.memref_slice %arg4[%add3A_32, %dma_wait3A_53] : memref<131072x128xf32, #tpu.memory_space<hbm>> -> memref<256x128xf32, #tpu.memory_space<hbm>>
        %dma_wait3A_55 = arith.constant 0 : i32
        %dma_wait3A_56 = tpu.memref_slice %arg4[%add3A_32, %dma_wait3A_55] : memref<131072x128xf32, #tpu.memory_space<hbm>> -> memref<256x128xf32, #tpu.memory_space<hbm>>
        tpu.wait_dma2 semaphore(%run_scoped3A : memref<!tpu.dma_semaphore, #tpu.memory_space<semaphore_mem>>) src(%arg6 : memref<256x128xf32, #tpu.memory_space<vmem>>) dst(%dma_wait3A_56 : memref<256x128xf32, #tpu.memory_space<hbm>>)
        tpu.yield
      }) : () -> ()
      %add3A_33 = arith.constant 1 : i32
      %add3A_34 = arith.addi %scan3A_12, %add3A_33 : i32
      %lt3A = arith.constant 8 : i32
      %lt3A_35 = arith.cmpi slt, %add3A_34, %lt3A : i32
      %convert_element_type3A = arith.extui %lt3A_35 : i1 to i32
      %cond3A = arith.constant 0 : i32
      %cond3A_36 = arith.cmpi ne, %convert_element_type3A, %cond3A : i32
      scf.if %cond3A_36 {
        %add3A_49 = arith.constant 2 : i32
        %add3A_50 = arith.addi %mul3A_14, %add3A_49 : i32
        %mul3A_51 = arith.constant 256 : i32
        %mul3A_52 = arith.muli %add3A_50, %mul3A_51 : i32
        %multiple_of3A_53 = tpu.assume_multiple %mul3A_52, 256 : i32
        %dma_start3A_54 = tpu.memref_slice %arg5[%multiple_of3A_53] : memref<4096xi32, #tpu.memory_space<vmem>> -> memref<256xi32, #tpu.memory_space<vmem>>
        %dma_start3A_55 = arith.constant 0 : i32
        %dma_start3A_56 = arith.constant 0 : i32
        %dma_start3A_57 = tpu.memref_slice %arg2[%dma_start3A_55, %dma_start3A_56] : memref<1000000x128xf32, #tpu.memory_space<hbm>> -> memref<1000000x128xf32, #tpu.memory_space<hbm>>
        tpu.enqueue_indirect_dma source(%dma_start3A_57 : memref<1000000x128xf32, #tpu.memory_space<hbm>>) target(%arg6 : memref<256x128xf32, #tpu.memory_space<vmem>>) offsets(%dma_start3A_54 : memref<256xi32, #tpu.memory_space<vmem>>) semaphore(%arg8 : memref<!tpu.dma_semaphore, #tpu.memory_space<semaphore_mem>>)
      } else {
      }
      %dma_wait3A_37 = arith.constant 0 : i32
      %dma_wait3A_38 = arith.constant 0 : i32
      %dma_wait3A_39 = tpu.memref_slice %arg2[%dma_wait3A_37, %dma_wait3A_38] : memref<1000000x128xf32, #tpu.memory_space<hbm>> -> memref<256x128xf32, #tpu.memory_space<hbm>>
      %dma_wait3A_40 = arith.constant 0 : i32
      %dma_wait3A_41 = arith.constant 0 : i32
      %dma_wait3A_42 = tpu.memref_slice %arg2[%dma_wait3A_40, %dma_wait3A_41] : memref<1000000x128xf32, #tpu.memory_space<hbm>> -> memref<256x128xf32, #tpu.memory_space<hbm>>
      tpu.wait_dma2 semaphore(%arg9 : memref<!tpu.dma_semaphore, #tpu.memory_space<semaphore_mem>>) src(%dma_wait3A_42 : memref<256x128xf32, #tpu.memory_space<hbm>>) dst(%arg7 : memref<256x128xf32, #tpu.memory_space<vmem>>)
      %add3A_43 = arith.constant 1 : i32
      %add3A_44 = arith.addi %mul3A_14, %add3A_43 : i32
      %mul3A_45 = arith.constant 256 : i32
      %mul3A_46 = arith.muli %add3A_44, %mul3A_45 : i32
      %multiple_of3A_47 = tpu.assume_multiple %mul3A_46, 256 : i32
      %add3A_48 = arith.addi %mul3A_2, %multiple_of3A_47 : i32
      "tpu.region"() ({
        %run_scoped3A = tpu.sem_alloc : memref<!tpu.dma_semaphore, #tpu.memory_space<semaphore_mem>>
        %dma_start3A_49 = arith.constant 0 : i32
        %dma_start3A_50 = tpu.memref_slice %arg4[%add3A_48, %dma_start3A_49] : memref<131072x128xf32, #tpu.memory_space<hbm>> -> memref<256x128xf32, #tpu.memory_space<hbm>>
        %dma_start3A_51 = arith.constant 0 : i32
        %dma_start3A_52 = tpu.memref_slice %arg4[%add3A_48, %dma_start3A_51] : memref<131072x128xf32, #tpu.memory_space<hbm>> -> memref<256x128xf32, #tpu.memory_space<hbm>>
        tpu.enqueue_dma source(%arg7 : memref<256x128xf32, #tpu.memory_space<vmem>>) target(%dma_start3A_52 : memref<256x128xf32, #tpu.memory_space<hbm>>) target_semaphore(%run_scoped3A : memref<!tpu.dma_semaphore, #tpu.memory_space<semaphore_mem>>)
        %dma_wait3A_53 = arith.constant 0 : i32
        %dma_wait3A_54 = tpu.memref_slice %arg4[%add3A_48, %dma_wait3A_53] : memref<131072x128xf32, #tpu.memory_space<hbm>> -> memref<256x128xf32, #tpu.memory_space<hbm>>
        %dma_wait3A_55 = arith.constant 0 : i32
        %dma_wait3A_56 = tpu.memref_slice %arg4[%add3A_48, %dma_wait3A_55] : memref<131072x128xf32, #tpu.memory_space<hbm>> -> memref<256x128xf32, #tpu.memory_space<hbm>>
        tpu.wait_dma2 semaphore(%run_scoped3A : memref<!tpu.dma_semaphore, #tpu.memory_space<semaphore_mem>>) src(%arg7 : memref<256x128xf32, #tpu.memory_space<vmem>>) dst(%dma_wait3A_56 : memref<256x128xf32, #tpu.memory_space<hbm>>)
        tpu.yield
      }) : () -> ()
    }
    %scan3A_11 = arith.constant 8 : i32
    return
  }
}

module attributes {stable_mosaic.version = 14 : i64} {
  func.func @_tc_dense_body(%arg0: i32, %arg1: memref<512x13xf32, #tpu.memory_space<vmem>>, %arg2: memref<16384x128xf32, #tpu.memory_space<vmem>>, %arg3: memref<13x512xf32, #tpu.memory_space<vmem>>, %arg4: memref<1x512xf32, #tpu.memory_space<vmem>>, %arg5: memref<512x256xf32, #tpu.memory_space<vmem>>, %arg6: memref<1x256xf32, #tpu.memory_space<vmem>>, %arg7: memref<256x128xf32, #tpu.memory_space<vmem>>, %arg8: memref<1x128xf32, #tpu.memory_space<vmem>>, %arg9: memref<128x1024xf32, #tpu.memory_space<vmem>>, %arg10: memref<1024x1024xf32, #tpu.memory_space<vmem>>, %arg11: memref<1x1024xf32, #tpu.memory_space<vmem>>, %arg12: memref<1024x1024xf32, #tpu.memory_space<vmem>>, %arg13: memref<1x1024xf32, #tpu.memory_space<vmem>>, %arg14: memref<1024x512xf32, #tpu.memory_space<vmem>>, %arg15: memref<1x512xf32, #tpu.memory_space<vmem>>, %arg16: memref<512x256xf32, #tpu.memory_space<vmem>>, %arg17: memref<1x256xf32, #tpu.memory_space<vmem>>, %arg18: memref<256x1xf32, #tpu.memory_space<vmem>>, %arg19: memref<1x1xf32, #tpu.memory_space<vmem>>, %arg20: memref<512x1xf32, #tpu.memory_space<vmem>>) attributes {dimension_semantics = [#tpu.dimension_semantics<arbitrary>], iteration_bounds = array<i64: 8>, scalar_prefetch = 0 : i64, scratch_operands = 0 : i64, tpu.core_type = #tpu.core_type<tc>, window_params = [{transform_indices = @transform_0, window_bounds = array<i64: 512, 13>}, {transform_indices = @transform_1, window_bounds = array<i64: 16384, 128>}, {pipeline_mode = #tpu.pipeline_mode<synchronous>, transform_indices = @transform_2, window_bounds = array<i64: 13, 512>}, {pipeline_mode = #tpu.pipeline_mode<synchronous>, transform_indices = @transform_3, window_bounds = array<i64: 1, 512>}, {pipeline_mode = #tpu.pipeline_mode<synchronous>, transform_indices = @transform_4, window_bounds = array<i64: 512, 256>}, {pipeline_mode = #tpu.pipeline_mode<synchronous>, transform_indices = @transform_5, window_bounds = array<i64: 1, 256>}, {pipeline_mode = #tpu.pipeline_mode<synchronous>, transform_indices = @transform_6, window_bounds = array<i64: 256, 128>}, {pipeline_mode = #tpu.pipeline_mode<synchronous>, transform_indices = @transform_7, window_bounds = array<i64: 1, 128>}, {pipeline_mode = #tpu.pipeline_mode<synchronous>, transform_indices = @transform_8, window_bounds = array<i64: 128, 1024>}, {pipeline_mode = #tpu.pipeline_mode<synchronous>, transform_indices = @transform_9, window_bounds = array<i64: 1024, 1024>}, {pipeline_mode = #tpu.pipeline_mode<synchronous>, transform_indices = @transform_10, window_bounds = array<i64: 1, 1024>}, {pipeline_mode = #tpu.pipeline_mode<synchronous>, transform_indices = @transform_11, window_bounds = array<i64: 1024, 1024>}, {pipeline_mode = #tpu.pipeline_mode<synchronous>, transform_indices = @transform_12, window_bounds = array<i64: 1, 1024>}, {pipeline_mode = #tpu.pipeline_mode<synchronous>, transform_indices = @transform_13, window_bounds = array<i64: 1024, 512>}, {pipeline_mode = #tpu.pipeline_mode<synchronous>, transform_indices = @transform_14, window_bounds = array<i64: 1, 512>}, {pipeline_mode = #tpu.pipeline_mode<synchronous>, transform_indices = @transform_15, window_bounds = array<i64: 512, 256>}, {pipeline_mode = #tpu.pipeline_mode<synchronous>, transform_indices = @transform_16, window_bounds = array<i64: 1, 256>}, {pipeline_mode = #tpu.pipeline_mode<synchronous>, transform_indices = @transform_17, window_bounds = array<i64: 256, 1>}, {pipeline_mode = #tpu.pipeline_mode<synchronous>, transform_indices = @transform_18, window_bounds = array<i64: 1, 1>}, {transform_indices = @transform_19, window_bounds = array<i64: 512, 1>}]} {
    %get3A = arith.constant 0 : index
    %get3A_0 = arith.constant 0 : index
    %get3A_1 = vector.load %arg1[%get3A, %get3A_0] : memref<512x13xf32, #tpu.memory_space<vmem>>, vector<512x13xf32>
    %get3A_2 = arith.constant 0 : index
    %get3A_3 = arith.constant 0 : index
    %get3A_4 = vector.load %arg3[%get3A_2, %get3A_3] : memref<13x512xf32, #tpu.memory_space<vmem>>, vector<13x512xf32>
    %dot_general3A = arith.constant dense<0.000000e+00> : vector<512x512xf32>
    %dot_general3A_5 = tpu.matmul %get3A_1, %get3A_4, %dot_general3A {dimension_numbers = #tpu.dot_dimension_numbers<[1], [0], [0], [1], [0, 0, 1, 1], [], []>, transpose_lhs_hint = false} : vector<512x13xf32>, vector<13x512xf32>, vector<512x512xf32> -> vector<512x512xf32>
    %get3A_6 = arith.constant 0 : index
    %get3A_7 = arith.constant 0 : index
    %get3A_8 = vector.load %arg4[%get3A_6, %get3A_7] : memref<1x512xf32, #tpu.memory_space<vmem>>, vector<1x512xf32>
    %add3A = vector.broadcast %get3A_8 : vector<1x512xf32> to vector<512x512xf32>
    %add3A_9 = arith.addf %dot_general3A_5, %add3A : vector<512x512xf32>
    %max3A = arith.constant 0.000000e+00 : f32
    %max3A_10 = vector.broadcast %max3A : f32 to vector<512x512xf32>
    %max3A_11 = arith.maximumf %add3A_9, %max3A_10 : vector<512x512xf32>
    %get3A_12 = arith.constant 0 : index
    %get3A_13 = arith.constant 0 : index
    %get3A_14 = vector.load %arg5[%get3A_12, %get3A_13] : memref<512x256xf32, #tpu.memory_space<vmem>>, vector<512x256xf32>
    %dot_general3A_15 = arith.constant dense<0.000000e+00> : vector<512x256xf32>
    %dot_general3A_16 = tpu.matmul %max3A_11, %get3A_14, %dot_general3A_15 {dimension_numbers = #tpu.dot_dimension_numbers<[1], [0], [0], [1], [0, 0, 1, 1], [], []>, transpose_lhs_hint = false} : vector<512x512xf32>, vector<512x256xf32>, vector<512x256xf32> -> vector<512x256xf32>
    %get3A_17 = arith.constant 0 : index
    %get3A_18 = arith.constant 0 : index
    %get3A_19 = vector.load %arg6[%get3A_17, %get3A_18] : memref<1x256xf32, #tpu.memory_space<vmem>>, vector<1x256xf32>
    %add3A_20 = vector.broadcast %get3A_19 : vector<1x256xf32> to vector<512x256xf32>
    %add3A_21 = arith.addf %dot_general3A_16, %add3A_20 : vector<512x256xf32>
    %max3A_22 = arith.constant 0.000000e+00 : f32
    %max3A_23 = vector.broadcast %max3A_22 : f32 to vector<512x256xf32>
    %max3A_24 = arith.maximumf %add3A_21, %max3A_23 : vector<512x256xf32>
    %get3A_25 = arith.constant 0 : index
    %get3A_26 = arith.constant 0 : index
    %get3A_27 = vector.load %arg7[%get3A_25, %get3A_26] : memref<256x128xf32, #tpu.memory_space<vmem>>, vector<256x128xf32>
    %dot_general3A_28 = arith.constant dense<0.000000e+00> : vector<512x128xf32>
    %dot_general3A_29 = tpu.matmul %max3A_24, %get3A_27, %dot_general3A_28 {dimension_numbers = #tpu.dot_dimension_numbers<[1], [0], [0], [1], [0, 0, 1, 1], [], []>, transpose_lhs_hint = false} : vector<512x256xf32>, vector<256x128xf32>, vector<512x128xf32> -> vector<512x128xf32>
    %get3A_30 = arith.constant 0 : index
    %get3A_31 = arith.constant 0 : index
    %get3A_32 = vector.load %arg8[%get3A_30, %get3A_31] : memref<1x128xf32, #tpu.memory_space<vmem>>, vector<1x128xf32>
    %add3A_33 = vector.broadcast %get3A_32 : vector<1x128xf32> to vector<512x128xf32>
    %add3A_34 = arith.addf %dot_general3A_29, %add3A_33 : vector<512x128xf32>
    %max3A_35 = arith.constant 0.000000e+00 : f32
    %max3A_36 = vector.broadcast %max3A_35 : f32 to vector<512x128xf32>
    %max3A_37 = arith.maximumf %add3A_34, %max3A_36 : vector<512x128xf32>
    %get3A_38 = arith.constant 0 : index
    %get3A_39 = arith.constant 0 : index
    %get3A_40 = vector.load %arg2[%get3A_38, %get3A_39] : memref<16384x128xf32, #tpu.memory_space<vmem>>, vector<16384x128xf32>
    %reshape3A = vector.shape_cast %get3A_40 : vector<16384x128xf32> to vector<512x32x128xf32>
    %iota3A = tpu.iota {dimensions = array<i32: 1>} : vector<512x32x128xi32>
    %lt3A = arith.constant 26 : i32
    %lt3A_41 = vector.broadcast %lt3A : i32 to vector<512x32x128xi32>
    %lt3A_42 = arith.cmpi slt, %iota3A, %lt3A_41 : vector<512x32x128xi32>
    %eq3A = arith.constant 26 : i32
    %eq3A_43 = vector.broadcast %eq3A : i32 to vector<512x32x128xi32>
    %eq3A_44 = arith.cmpi eq, %iota3A, %eq3A_43 : vector<512x32x128xi32>
    %reshape3A_45 = vector.shape_cast %max3A_37 : vector<512x128xf32> to vector<512x1x128xf32>
    %jit3A = arith.constant 0.000000e+00 : f32
    %broadcast_in_dim3A = vector.shape_cast %reshape3A_45 : vector<512x1x128xf32> to vector<512x1x128xf32>
    %broadcast_in_dim3A_46 = vector.broadcast %broadcast_in_dim3A : vector<512x1x128xf32> to vector<512x32x128xf32>
    %broadcast_in_dim3A_47 = vector.broadcast %jit3A : f32 to vector<512x32x128xf32>
    %select_n3A = arith.select %eq3A_44, %broadcast_in_dim3A_46, %broadcast_in_dim3A_47 : vector<512x32x128xi1>, vector<512x32x128xf32>
    %select_n3A_48 = arith.select %lt3A_42, %reshape3A, %select_n3A : vector<512x32x128xi1>, vector<512x32x128xf32>
    %dot_general3A_49 = arith.constant dense<0.000000e+00> : vector<512x32x32xf32>
    %dot_general3A_50 = tpu.matmul %select_n3A_48, %select_n3A_48, %dot_general3A_49 {dimension_numbers = #tpu.dot_dimension_numbers<[2], [2], [1], [1], [0, 0, 0, 1, 1, 1], [0], [0]>, transpose_lhs_hint = false} : vector<512x32x128xf32>, vector<512x32x128xf32>, vector<512x32x32xf32> -> vector<512x32x32xf32>
    %reshape3A_51 = vector.shape_cast %dot_general3A_50 : vector<512x32x32xf32> to vector<512x1024xf32>
    %get3A_52 = arith.constant 0 : index
    %get3A_53 = arith.constant 0 : index
    %get3A_54 = vector.load %arg9[%get3A_52, %get3A_53] : memref<128x1024xf32, #tpu.memory_space<vmem>>, vector<128x1024xf32>
    %dot_general3A_55 = arith.constant dense<0.000000e+00> : vector<512x1024xf32>
    %dot_general3A_56 = tpu.matmul %max3A_37, %get3A_54, %dot_general3A_55 {dimension_numbers = #tpu.dot_dimension_numbers<[1], [0], [0], [1], [0, 0, 1, 1], [], []>, transpose_lhs_hint = false} : vector<512x128xf32>, vector<128x1024xf32>, vector<512x1024xf32> -> vector<512x1024xf32>
    %get3A_57 = arith.constant 0 : index
    %get3A_58 = arith.constant 0 : index
    %get3A_59 = vector.load %arg10[%get3A_57, %get3A_58] : memref<1024x1024xf32, #tpu.memory_space<vmem>>, vector<1024x1024xf32>
    %dot_general3A_60 = arith.constant dense<0.000000e+00> : vector<512x1024xf32>
    %dot_general3A_61 = tpu.matmul %reshape3A_51, %get3A_59, %dot_general3A_60 {dimension_numbers = #tpu.dot_dimension_numbers<[1], [0], [0], [1], [0, 0, 1, 1], [], []>, transpose_lhs_hint = false} : vector<512x1024xf32>, vector<1024x1024xf32>, vector<512x1024xf32> -> vector<512x1024xf32>
    %add3A_62 = arith.addf %dot_general3A_56, %dot_general3A_61 : vector<512x1024xf32>
    %get3A_63 = arith.constant 0 : index
    %get3A_64 = arith.constant 0 : index
    %get3A_65 = vector.load %arg11[%get3A_63, %get3A_64] : memref<1x1024xf32, #tpu.memory_space<vmem>>, vector<1x1024xf32>
    %add3A_66 = vector.broadcast %get3A_65 : vector<1x1024xf32> to vector<512x1024xf32>
    %add3A_67 = arith.addf %add3A_62, %add3A_66 : vector<512x1024xf32>
    %max3A_68 = arith.constant 0.000000e+00 : f32
    %max3A_69 = vector.broadcast %max3A_68 : f32 to vector<512x1024xf32>
    %max3A_70 = arith.maximumf %add3A_67, %max3A_69 : vector<512x1024xf32>
    %get3A_71 = arith.constant 0 : index
    %get3A_72 = arith.constant 0 : index
    %get3A_73 = vector.load %arg12[%get3A_71, %get3A_72] : memref<1024x1024xf32, #tpu.memory_space<vmem>>, vector<1024x1024xf32>
    %dot_general3A_74 = arith.constant dense<0.000000e+00> : vector<512x1024xf32>
    %dot_general3A_75 = tpu.matmul %max3A_70, %get3A_73, %dot_general3A_74 {dimension_numbers = #tpu.dot_dimension_numbers<[1], [0], [0], [1], [0, 0, 1, 1], [], []>, transpose_lhs_hint = false} : vector<512x1024xf32>, vector<1024x1024xf32>, vector<512x1024xf32> -> vector<512x1024xf32>
    %get3A_76 = arith.constant 0 : index
    %get3A_77 = arith.constant 0 : index
    %get3A_78 = vector.load %arg13[%get3A_76, %get3A_77] : memref<1x1024xf32, #tpu.memory_space<vmem>>, vector<1x1024xf32>
    %add3A_79 = vector.broadcast %get3A_78 : vector<1x1024xf32> to vector<512x1024xf32>
    %add3A_80 = arith.addf %dot_general3A_75, %add3A_79 : vector<512x1024xf32>
    %max3A_81 = arith.constant 0.000000e+00 : f32
    %max3A_82 = vector.broadcast %max3A_81 : f32 to vector<512x1024xf32>
    %max3A_83 = arith.maximumf %add3A_80, %max3A_82 : vector<512x1024xf32>
    %get3A_84 = arith.constant 0 : index
    %get3A_85 = arith.constant 0 : index
    %get3A_86 = vector.load %arg14[%get3A_84, %get3A_85] : memref<1024x512xf32, #tpu.memory_space<vmem>>, vector<1024x512xf32>
    %dot_general3A_87 = arith.constant dense<0.000000e+00> : vector<512x512xf32>
    %dot_general3A_88 = tpu.matmul %max3A_83, %get3A_86, %dot_general3A_87 {dimension_numbers = #tpu.dot_dimension_numbers<[1], [0], [0], [1], [0, 0, 1, 1], [], []>, transpose_lhs_hint = false} : vector<512x1024xf32>, vector<1024x512xf32>, vector<512x512xf32> -> vector<512x512xf32>
    %get3A_89 = arith.constant 0 : index
    %get3A_90 = arith.constant 0 : index
    %get3A_91 = vector.load %arg15[%get3A_89, %get3A_90] : memref<1x512xf32, #tpu.memory_space<vmem>>, vector<1x512xf32>
    %add3A_92 = vector.broadcast %get3A_91 : vector<1x512xf32> to vector<512x512xf32>
    %add3A_93 = arith.addf %dot_general3A_88, %add3A_92 : vector<512x512xf32>
    %max3A_94 = arith.constant 0.000000e+00 : f32
    %max3A_95 = vector.broadcast %max3A_94 : f32 to vector<512x512xf32>
    %max3A_96 = arith.maximumf %add3A_93, %max3A_95 : vector<512x512xf32>
    %get3A_97 = arith.constant 0 : index
    %get3A_98 = arith.constant 0 : index
    %get3A_99 = vector.load %arg16[%get3A_97, %get3A_98] : memref<512x256xf32, #tpu.memory_space<vmem>>, vector<512x256xf32>
    %dot_general3A_100 = arith.constant dense<0.000000e+00> : vector<512x256xf32>
    %dot_general3A_101 = tpu.matmul %max3A_96, %get3A_99, %dot_general3A_100 {dimension_numbers = #tpu.dot_dimension_numbers<[1], [0], [0], [1], [0, 0, 1, 1], [], []>, transpose_lhs_hint = false} : vector<512x512xf32>, vector<512x256xf32>, vector<512x256xf32> -> vector<512x256xf32>
    %get3A_102 = arith.constant 0 : index
    %get3A_103 = arith.constant 0 : index
    %get3A_104 = vector.load %arg17[%get3A_102, %get3A_103] : memref<1x256xf32, #tpu.memory_space<vmem>>, vector<1x256xf32>
    %add3A_105 = vector.broadcast %get3A_104 : vector<1x256xf32> to vector<512x256xf32>
    %add3A_106 = arith.addf %dot_general3A_101, %add3A_105 : vector<512x256xf32>
    %max3A_107 = arith.constant 0.000000e+00 : f32
    %max3A_108 = vector.broadcast %max3A_107 : f32 to vector<512x256xf32>
    %max3A_109 = arith.maximumf %add3A_106, %max3A_108 : vector<512x256xf32>
    %get3A_110 = arith.constant 0 : index
    %get3A_111 = arith.constant 0 : index
    %get3A_112 = vector.load %arg18[%get3A_110, %get3A_111] : memref<256x1xf32, #tpu.memory_space<vmem>>, vector<256x1xf32>
    %dot_general3A_113 = arith.constant dense<0.000000e+00> : vector<512x1xf32>
    %dot_general3A_114 = tpu.matmul %max3A_109, %get3A_112, %dot_general3A_113 {dimension_numbers = #tpu.dot_dimension_numbers<[1], [0], [0], [1], [0, 0, 1, 1], [], []>, transpose_lhs_hint = false} : vector<512x256xf32>, vector<256x1xf32>, vector<512x1xf32> -> vector<512x1xf32>
    %get3A_115 = arith.constant 0 : index
    %get3A_116 = arith.constant 0 : index
    %get3A_117 = vector.load %arg19[%get3A_115, %get3A_116] : memref<1x1xf32, #tpu.memory_space<vmem>>, vector<1x1xf32>
    %add3A_118 = vector.broadcast %get3A_117 : vector<1x1xf32> to vector<512x1xf32>
    %add3A_119 = arith.addf %dot_general3A_114, %add3A_118 : vector<512x1xf32>
    %swap3A = arith.constant 0 : index
    %swap3A_120 = arith.constant 0 : index
    %swap3A_121 = vector.load %arg20[%swap3A, %swap3A_120] : memref<512x1xf32, #tpu.memory_space<vmem>>, vector<512x1xf32>
    tpu.vector_store %arg20[%swap3A, %swap3A_120], %add3A_119 {strides = array<i32>} : memref<512x1xf32, #tpu.memory_space<vmem>>, vector<512x1xf32>,
    return
  }
  func.func @transform_0(%arg0: i32) -> (i32, i32) {
    %c0_i32 = arith.constant 0 : i32
    %c0_i32_0 = arith.constant 0 : i32
    return %arg0, %c0_i32 : i32, i32
  }
  func.func @transform_1(%arg0: i32) -> (i32, i32) {
    %c0_i32 = arith.constant 0 : i32
    %c0_i32_0 = arith.constant 0 : i32
    return %arg0, %c0_i32 : i32, i32
  }
  func.func @transform_2(%arg0: i32) -> (i32, i32) {
    %c0_i32 = arith.constant 0 : i32
    %c0_i32_0 = arith.constant 0 : i32
    %c0_i32_1 = arith.constant 0 : i32
    return %c0_i32, %c0_i32_0 : i32, i32
  }
  func.func @transform_3(%arg0: i32) -> (i32, i32) {
    %c0_i32 = arith.constant 0 : i32
    %c0_i32_0 = arith.constant 0 : i32
    %c0_i32_1 = arith.constant 0 : i32
    return %c0_i32, %c0_i32_0 : i32, i32
  }
  func.func @transform_4(%arg0: i32) -> (i32, i32) {
    %c0_i32 = arith.constant 0 : i32
    %c0_i32_0 = arith.constant 0 : i32
    %c0_i32_1 = arith.constant 0 : i32
    return %c0_i32, %c0_i32_0 : i32, i32
  }
  func.func @transform_5(%arg0: i32) -> (i32, i32) {
    %c0_i32 = arith.constant 0 : i32
    %c0_i32_0 = arith.constant 0 : i32
    %c0_i32_1 = arith.constant 0 : i32
    return %c0_i32, %c0_i32_0 : i32, i32
  }
  func.func @transform_6(%arg0: i32) -> (i32, i32) {
    %c0_i32 = arith.constant 0 : i32
    %c0_i32_0 = arith.constant 0 : i32
    %c0_i32_1 = arith.constant 0 : i32
    return %c0_i32, %c0_i32_0 : i32, i32
  }
  func.func @transform_7(%arg0: i32) -> (i32, i32) {
    %c0_i32 = arith.constant 0 : i32
    %c0_i32_0 = arith.constant 0 : i32
    %c0_i32_1 = arith.constant 0 : i32
    return %c0_i32, %c0_i32_0 : i32, i32
  }
  func.func @transform_8(%arg0: i32) -> (i32, i32) {
    %c0_i32 = arith.constant 0 : i32
    %c0_i32_0 = arith.constant 0 : i32
    %c0_i32_1 = arith.constant 0 : i32
    return %c0_i32, %c0_i32_0 : i32, i32
  }
  func.func @transform_9(%arg0: i32) -> (i32, i32) {
    %c0_i32 = arith.constant 0 : i32
    %c0_i32_0 = arith.constant 0 : i32
    %c0_i32_1 = arith.constant 0 : i32
    return %c0_i32, %c0_i32_0 : i32, i32
  }
  func.func @transform_10(%arg0: i32) -> (i32, i32) {
    %c0_i32 = arith.constant 0 : i32
    %c0_i32_0 = arith.constant 0 : i32
    %c0_i32_1 = arith.constant 0 : i32
    return %c0_i32, %c0_i32_0 : i32, i32
  }
  func.func @transform_11(%arg0: i32) -> (i32, i32) {
    %c0_i32 = arith.constant 0 : i32
    %c0_i32_0 = arith.constant 0 : i32
    %c0_i32_1 = arith.constant 0 : i32
    return %c0_i32, %c0_i32_0 : i32, i32
  }
  func.func @transform_12(%arg0: i32) -> (i32, i32) {
    %c0_i32 = arith.constant 0 : i32
    %c0_i32_0 = arith.constant 0 : i32
    %c0_i32_1 = arith.constant 0 : i32
    return %c0_i32, %c0_i32_0 : i32, i32
  }
  func.func @transform_13(%arg0: i32) -> (i32, i32) {
    %c0_i32 = arith.constant 0 : i32
    %c0_i32_0 = arith.constant 0 : i32
    %c0_i32_1 = arith.constant 0 : i32
    return %c0_i32, %c0_i32_0 : i32, i32
  }
  func.func @transform_14(%arg0: i32) -> (i32, i32) {
    %c0_i32 = arith.constant 0 : i32
    %c0_i32_0 = arith.constant 0 : i32
    %c0_i32_1 = arith.constant 0 : i32
    return %c0_i32, %c0_i32_0 : i32, i32
  }
  func.func @transform_15(%arg0: i32) -> (i32, i32) {
    %c0_i32 = arith.constant 0 : i32
    %c0_i32_0 = arith.constant 0 : i32
    %c0_i32_1 = arith.constant 0 : i32
    return %c0_i32, %c0_i32_0 : i32, i32
  }
  func.func @transform_16(%arg0: i32) -> (i32, i32) {
    %c0_i32 = arith.constant 0 : i32
    %c0_i32_0 = arith.constant 0 : i32
    %c0_i32_1 = arith.constant 0 : i32
    return %c0_i32, %c0_i32_0 : i32, i32
  }
  func.func @transform_17(%arg0: i32) -> (i32, i32) {
    %c0_i32 = arith.constant 0 : i32
    %c0_i32_0 = arith.constant 0 : i32
    %c0_i32_1 = arith.constant 0 : i32
    return %c0_i32, %c0_i32_0 : i32, i32
  }
  func.func @transform_18(%arg0: i32) -> (i32, i32) {
    %c0_i32 = arith.constant 0 : i32
    %c0_i32_0 = arith.constant 0 : i32
    %c0_i32_1 = arith.constant 0 : i32
    return %c0_i32, %c0_i32_0 : i32, i32
  }
  func.func @transform_19(%arg0: i32) -> (i32, i32) {
    %c0_i32 = arith.constant 0 : i32
    %c0_i32_0 = arith.constant 0 : i32
    return %arg0, %c0_i32 : i32, i32
  }
}

</mosaic_0001>

<sc_bundles>
// kernel: kernel.10.cloned.1.call-start
scs
__scs_entry_jumppad:
0x0: {  	(pc) =	sbr.rel $0x88, $3  }
0x1: {  	(tag) =	ssettag $0x0;
	lr =	simm.s32 $0x1  }
0x2: {  	[smem:$0x3F8F] =	sst lr;
	_ =	strace $0xD0000000  }
0x3: {  	_ = 	snop  }
0x4: {  	_ = 	snop  }
0x5: {  	_ = 	snop  }
0x6: {  	_ = 	snop  }
0x7: {  	_ = 	snop  }
__scs_overlays_trampoline_lowered:
0x8: {  	[smem:$0x3F9E] =	sst s0  }
0x9: {  	[smem:$0x3F9F] =	sst s1  }
0xa: {  	[smem:$0x3FA0] =	sst s2  }
0xb: {  	[smem:$0x3FA1] =	sst s3  }
0xc: {  	[smem:$0x3FA2] =	sst s4  }
0xd: {  	[smem:$0x3FA3] =	sst s5  }
0xe: {  	[smem:$0x3FA4] =	sst s6  }
0xf: {  	[smem:$0x3FA5] =	sst s7  }
0x10: {  	[smem:$0x3FA6] =	sst s8  }
0x11: {  	[smem:$0x3FA7] =	sst s9;
	s0 =	simm.s32 @!p0 $0x0  }
0x12: {  	s1 =	sld [smem:$0x3F8D];
	s0 =	simm.s32 @p0 $0x1  }
0x13: {  	[smem:$0x3FA8] =	sst s0;
	s0 =	simm.s32 @!p1 $0x0  }
0x14: {  	s2 =	sld [smem:$0x3F8C];
	s0 =	simm.s32 @p1 $0x1  }
0x15: {  	[smem:$0x3FA9] =	sst s0;
	s0 =	simm.s32 @!p2 $0x0  }
0x16: {  	s3 =	sld [smem:$0x3FDB];
	s0 =	simm.s32 @p2 $0x1  }
0x17: {  	s4 =	simm.s32 $0x1BF5;
	[smem:$0x3FAB] =	sst s0  }
0x18: {  	s0 =	sld [smem:$0x3F8E];
	_ =	swait.ge [sflag:s4], $0x0  }
0x19: {  	s7 =	sld [smem:$0x3F8F]  }
0x1a: {  	s8 =	sadd.s32 $0xFFFFE003, lr  }
0x1b: {  	s9 =	sadd.s32 $0xFFFFFEF7, lr;
	s5 =	simm.s32 $0xFFFFFFFF;
	p2 =	slt.u32 s8, $0xFFFFF086  }
0x1c: {  	p1 =	slt.u32 s9, $0xF7A;
	s5 =	simm.s32 @!p2 $0x0  }
0x1d: {  	s5 =	simm.s32 @p1 $0x1;
	p0 =	seq.s32 s7, s2  }
0x1e: {  	s7 =	smul.u32 @!p0 $0xF7A, s2;
	p2 =	seq.s32 @!p0 s5, $0x0  }
0x1f: {  	s9 =	smul.u32 $0xF7A, s1;
	s8 =	simm.s32 @!p0 $0x1BF5;
	p2 =	por !p2, p0  }
0x20: {  	[sflag:s8] =	ssyncset.s32 @!p0 $0xFFFFF086;
	s6 =	sadd.s32 @!p0 s3, s7;
	s7 =	simm.s32 @!p0 $0x108  }
0x21: {  	s3 =	sadd.s32 s3, s9;
	s6 =	sadd.s32 @!p0 $0x88, s6;
	s7 =	simm.s32 @p2 $0x1082  }
0x22: {  	[simem:s7], [sflag:s8] =	dma.local @!p0 [hbm:s6], $0xF7A  }
0x23: {  	s9 =	sor.u32 $0xD0000000, s2;
	s6 =	simm.s32 $0x108;
	_ =	swait.ge @!p0 [sflag:s8], $0x0  }
0x24: {  	s3 =	sadd.s32 $0x88, s3;
	s6 =	simm.s32 @!p1 $0x1082;
	[sflag:s4] =	ssyncset.s32 $0xFFFFF086  }
0x25: {  	[simem:s6], [sflag:s4] =	dma.local [hbm:s3], $0xF7A  }
0x26: {  	[smem:$0x3F8F] =	sst s1;
	(tag) =	ssettag s2;
	_ =	strace s9  }
0x27: {  	s1 =	sld [smem:$0x3F9F]  }
0x28: {  	s2 =	sld [smem:$0x3FA0]  }
0x29: {  	s4 =	sld [smem:$0x3FA2]  }
0x2a: {  	p0 =	seq.s32 s5, $0x0;
	s5 =	sld [smem:$0x3FA3]  }
0x2b: {  	s6 =	sld [smem:$0x3FA4]  }
0x2c: {  	s7 =	sld [smem:$0x3FA5]  }
0x2d: {  	s3 =	simm.s32 $0x108;
	s8 =	sld [smem:$0x3FA6]  }
0x2e: {  	s3 =	simm.s32 @!p0 $0x1082;
	s9 =	sld [smem:$0x3FA7]  }
0x2f: {  	lr =	sadd.s32 s0, s3;
	s0 =	sld [smem:$0x3F9E]  }
0x30: {  	s3 =	sld [smem:$0x3FA1]  }
0x31: {  	[smem:$0x3FAA] =	sst s10  }
0x32: {  	s10 =	sld [smem:$0x3FA8];
	_ =	sdelay $0x3  }
0x33: {  	p0 =	seq.s32 s10, $0x1;
	s10 =	sld [smem:$0x3FAA];
	_ =	sdelay $0x3  }
0x34: {  	[smem:$0x3FAA] =	sst s10  }
0x35: {  	s10 =	sld [smem:$0x3FA9];
	_ =	sdelay $0x3  }
0x36: {  	p1 =	seq.s32 s10, $0x1;
	s10 =	sld [smem:$0x3FAA];
	_ =	sdelay $0x3  }
0x37: {  	[smem:$0x3FAA] =	sst s10  }
0x38: {  	s10 =	sld [smem:$0x3FAB]  }
0x39: {  	_ = 	snop;
	(pc) =	sbr.ind lr, $3  }
0x3a: {  	_ = 	snop  }
0x3b: {  	_ = 	snop  }
0x3c: {  	p2 =	seq.s32 s10, $0x1;
	s10 =	sld [smem:$0x3FAA]  }
0x3d: {  	_ =	shalt  }
0x3e: {  	_ =	shalt  }
0x3f: {  	_ =	shalt  }
0x40: {  	_ =	shalt  }
0x41: {  	_ =	shalt  }
0x42: {  	_ =	shalt  }
0x43: {  	_ =	shalt  }
0x44: {  	_ =	shalt  }
0x45: {  	_ =	shalt  }
0x46: {  	_ =	shalt  }
0x47: {  	_ =	shalt  }
0x48: {  	_ =	shalt  }
0x49: {  	_ =	shalt  }
0x4a: {  	_ =	shalt  }
0x4b: {  	_ =	shalt  }
0x4c: {  	_ =	shalt  }
0x4d: {  	_ =	shalt  }
0x4e: {  	_ =	shalt  }
0x4f: {  	_ =	shalt  }
0x50: {  	_ =	shalt  }
0x51: {  	_ =	shalt  }
0x52: {  	_ =	shalt  }
0x53: {  	_ =	shalt  }
0x54: {  	_ =	shalt  }
0x55: {  	_ =	shalt  }
0x56: {  	_ =	shalt  }
0x57: {  	_ =	shalt  }
0x58: {  	_ =	shalt  }
0x59: {  	_ =	shalt  }
0x5a: {  	_ =	shalt  }
0x5b: {  	_ =	shalt  }
0x5c: {  	_ =	shalt  }
0x5d: {  	_ =	shalt  }
0x5e: {  	_ =	shalt  }
0x5f: {  	_ =	shalt  }
0x60: {  	_ =	shalt  }
0x61: {  	_ =	shalt  }
0x62: {  	_ =	shalt  }
0x63: {  	_ =	shalt  }
0x64: {  	_ =	shalt  }
0x65: {  	_ =	shalt  }
0x66: {  	_ =	shalt  }
0x67: {  	_ =	shalt  }
0x68: {  	_ =	shalt  }
0x69: {  	_ =	shalt  }
0x6a: {  	_ =	shalt  }
0x6b: {  	_ =	shalt  }
0x6c: {  	_ =	shalt  }
0x6d: {  	_ =	shalt  }
0x6e: {  	_ =	shalt  }
0x6f: {  	_ =	shalt  }
0x70: {  	_ =	shalt  }
0x71: {  	_ =	shalt  }
0x72: {  	_ =	shalt  }
0x73: {  	_ =	shalt  }
0x74: {  	_ =	shalt  }
0x75: {  	_ =	shalt  }
0x76: {  	_ =	shalt  }
0x77: {  	_ =	shalt  }
0x78: {  	_ =	shalt  }
0x79: {  	_ =	shalt  }
0x7a: {  	_ =	shalt  }
0x7b: {  	_ =	shalt  }
0x7c: {  	_ =	shalt  }
0x7d: {  	_ =	shalt  }
0x7e: {  	_ =	shalt  }
0x7f: {  	_ =	shalt  }
0x80: {  	_ =	shalt  }
0x81: {  	_ =	shalt  }
0x82: {  	_ =	shalt  }
0x83: {  	_ =	shalt  }
0x84: {  	_ =	shalt  }
0x85: {  	_ =	shalt  }
0x86: {  	_ =	shalt  }
0x87: {  	_ =	shalt  }
.Lfunc_end0:
.L_simem_size_0:
called_computation_lowered:
.L_overlay_start_0:
0x88: {  	s2 =	sld [smem:$0x3FD9]  }
0x89: {  	s3 =	sld [smem:$0x3FFE];
	_ =	sdelay $0x1  }
0x8a: {  	s1 =	srdreg.scid  }
0x8b: {  	s0 =	sand.u32 $0x1, s1  }
0x8c: {  	s17 =	sshll.u32 s0, $0xA;
	s2 =	sadd.s32 s3, s2  }
0x8d: {  	s2 =	sadd.s32 s2, s17  }
0x8e: {  	[smem:$0x3FB6] =	sst s2  }
0x8f: {  	_ = 	snop  }
0x90: {  	s18 =	sld [smem:$0x3FC2];
	(tm) =	ssettm $0x1  }
0x91: {  	s19 =	sld [smem:$0x3FFB];
	_ =	sdelay $0x3  }
0x92: {  	_ =	strace s19  }
0x93: {  	s2 =	sld [smem:$0x3FFC];
	_ =	sdelay $0x3  }
0x94: {  	_ =	strace s2  }
0x95: {  	s2 =	sld [smem:$0x3FFD];
	_ =	sdelay $0x3  }
0x96: {  	_ =	strace s2  }
0x97: {  	_ =	strace $0x8FFFFFFF  }
0x98: {  	s20 =	sld [smem:$0x3FDB];
	_ =	sdelay $0x1  }
0x99: {  	s4 =	simm.s32 $_scs_section_size  }
0x9a: {  	s5 =	simm.s32 $_size__tile_overlayer_lowered;
	s6 =	simm.s32 $_tile_overlayer_lowered  }
0x9b: {  	s7 =	simm.s32 $0x1BFF;
	s21 =	sshll.u32 s6, $0x1;
	s4 =	sadd.s32 s4, s20  }
0x9c: {  	s22 =	simm.s32 $0x0;
	s5 =	sshll.u32 s5, $0x1;
	s6 =	sadd.s32 s21, s4  }
0x9d: {  	[timem:s22], [sflag:s7] =	dma.local [hbm:s6], s5  }
0x9e: {  	_ =	swait.ge [sflag:s7], s5  }
0x9f: {  	s5 =	ssub.s32 $0x0, s5;
	[sflag:s7] =	ssyncset.done $0x0  }
0xa0: {  	[sflag:s7] =	ssyncadd.s32 s5;
	_ =	sdelay $0x1  }
0xa1: {  	s23 =	simm.s32 $0x1B8B  }
0xa2: {  	_ =	swait.ge [sflag:s23], $0x1  }
0xa3: {  	[sflag:s23] =	ssyncset.done $0x0  }
0xa4: {  	[sflag:s23] =	ssyncadd.s32 $0xFFFFFFFF  }
0xa5: {  	s5 =	sld [smem:$0x0]  }
0xa6: {  	s6 =	sand.u32 $0xFFFFFFFE, s1  }
0xa7: {  	p0 =	sne.s32 s1, s6  }
0xa8: {  	s6 =	sshll.u32 @p0 s6, $0xE  }
0xa9: {  	s6 =	sadd.s32 @p0 $0x11B8D, s6;
	s7 =	sshll.u32 @p0 s5, $0x11  }
0xaa: {  	s6 =	sor.u32 @p0 s7, s6  }
0xab: {  	[sflag:s6] =	ssyncadd.remote.s32 @p0 $0x1;
	_ =	sdelay $0x1  }
0xac: {  	s6 =	simm.s32 @p0 $0x1B8D  }
0xad: {  	_ =	swait.eq @p0 [sflag:s6], $0x1  }
0xae: {  	[sflag:s6] =	ssyncadd.s32 @p0 $0xFFFFFFFF  }
0xaf: {  	s7 =	sshll.u32 @!p0 s1, $0xE  }
0xb0: {  	s7 =	sor.u32 @!p0 $0x4000, s7;
	s6 =	simm.s32 @!p0 $0x1B8D  }
0xb1: {  	s5 =	sshll.u32 @!p0 s5, $0x11;
	s7 =	sadd.s32 @!p0 $0x11B8D, s7;
	_ =	swait.eq @!p0 [sflag:s6], $0x1  }
0xb2: {  	s5 =	sor.u32 @!p0 s5, s7;
	[sflag:s6] =	ssyncadd.s32 @!p0 $0xFFFFFFFF  }
0xb3: {  	s25 =	simm.s32 $0x1B8E;
	s24 =	sld [smem:$0x3FFE];
	[sflag:s5] =	ssyncadd.remote.s32 @!p0 $0x1  }
0xb4: {  	s26 =	simm.s32 $execute0_lowered;
	[smem:$0x3FD2] =	sst s25  }
0xb5: {  	s6 =	sshll.u32 s26, $0x1;
	_ =	strace $0x8000004F;
	[dreg:$0x1] =	wrdreg $0xFFFFFFFF  }
0xb6: {  	s28 =	simm.s32 $_size_execute0_lowered;
	s4 =	sadd.s32 s4, s6;
	[dreg:$0x0] =	wrdreg $0x0  }
0xb7: {  	s6 =	sshll.u32 s28, $0x1;
	[dreg:$0x2] =	wrdreg s4  }
0xb8: {  	[dreg:$0x3] =	wrdreg s6  }
0xb9: {  	[dreg:$0x4] =	wrdreg $0xC0  }
0xba: {  	_ =	task [dreg:s22], $0x5FFFF  }
0xbb: {  	[dreg:$0x1] =	wrdreg $0xFFFFFFFF  }
0xbc: {  	[dreg:$0x0] =	wrdreg $0x60  }
0xbd: {  	[dreg:$0x2] =	wrdreg s18  }
0xbe: {  	[dreg:$0x3] =	wrdreg s24  }
0xbf: {  	[dreg:$0x4] =	wrdreg $0x9  }
0xc0: {  	_ =	task.clear_ibuf [dreg:s22], $0x5FFFF;
	_ =	strace $0x9000004F  }
0xc1: {  	s29 =	simm.s32 $0x9;
	_ =	strace $0x80000051  }
0xc2: {  	_ =	swait.ge [sflag:s29], $0x1  }
0xc3: {  	[sflag:s29] =	ssyncadd.s32 $0xFFFFFFFF  }
0xc4: {  	_ =	strace $0x90000051  }
0xc5: {  	_ =	sfence  }
0xc6: {  	s30 =	sld [smem:$0x0];
	_ =	sdelay $0x2  }
0xc7: {  	s31 =	sshll.u32 s1, $0xD;
	s1 =	sshrl.u32 s1, $0x2  }
0xc8: {  	s4 =	sand.u32 $0x4000, s31;
	s1 =	sadd.s32 s1, s30  }
0xc9: {  	s0 =	sor.u32 s4, s0;
	s1 =	sshll.u32 s1, $0x11  }
0xca: {  	s0 =	sor.u32 s1, s0  }
0xcb: {  	s0 =	sadd.s32 $0x8F2B, s0  }
0xcc: {  	[sflag:s0] =	ssyncadd.remote.s32 $0x1  }
0xcd: {  	_ =	sfence.sel $0xFFFF  }
0xce: {  	[dreg:$0x0] =	wrdreg $0xFFFFFFFF;
	(pc) =	sbr.abs _section_cstart, $3  }
0xcf: {  	[dreg:$0x1] =	wrdreg $0xFFFFFFFF  }
0xd0: {  	_ =	task.clear_ibuf [dreg:s22], $0x2FFFF;
	_ =	strace $0x9FFFFFFF  }
0xd1: {  	(tm) =	ssettm $0x7FFFFFFF  }
tec
execute0_lowered:
.L_overlay_start_1:
0x0: {  	(tag) =	ssettag $0x1  }
0x1: {  	s1 =	srdreg.scid  }
0x2: {  	s0 =	stileid.u32;
	s1 =	sand.u32 $0x1, s1  }
0x3: {  	s3 =	sshll.u32 s0, $0xD;
	s4 =	sshll.u32 s1, $0xC  }
0x4: {  	s2 =	rddreg [dreg:$0x0];
	s4 =	sor.u32 s4, s3  }
0x5: {  	s5 =	rddreg [dreg:$0x1];
	s6 =	sshrl.u32 s4, $0x3  }
0x6: {  	s3 =	simm.s32 $0x0;
	s4 =	sshll.u32 s4, $0x4;
	s6 =	sadd.s32 s6, s5  }
0x7: {  	[smem:$0x7FF] =	sst s3;
	s30 =	sadd.s32 s4, s5;
	s16 =	sadd.s32 $0x4000, s6  }
0x8: {  	_ =	strace $0x80000050;
	s17 =	sadd.s32 $0x624000, s30;
	[dreg:$0x3] =	wrdreg s16  }
0x9: {  	s18 =	sadd.s32 $0x632000, s30;
	[dreg:$0x4] =	wrdreg s17  }
0xa: {  	s19 =	sadd.s32 $0x633000, s30;
	[dreg:$0x5] =	wrdreg s18  }
0xb: {  	s20 =	sadd.s32 $0x625000, s30;
	[dreg:$0x6] =	wrdreg s19  }
0xc: {  	s21 =	sadd.s32 $0x626000, s30;
	[dreg:$0x7] =	wrdreg s20  }
0xd: {  	s22 =	sadd.s32 $0x627000, s30;
	[dreg:$0x8] =	wrdreg s21  }
0xe: {  	s23 =	sadd.s32 $0x628000, s30;
	[dreg:$0x9] =	wrdreg s22  }
0xf: {  	s24 =	sadd.s32 $0x629000, s30;
	[dreg:$0xa] =	wrdreg s23  }
0x10: {  	s26 =	sadd.s32 $0x62A000, s30;
	[dreg:$0xb] =	wrdreg s24  }
0x11: {  	[dreg:$0xc] =	wrdreg s26  }
0x12: {  	s4 =	simm.s32 $0x3;
	s25 =	rddreg [dreg:$0x3]  }
0x13: {  	[tilespmem:s3], [sflag:$0x3] =	stream.linear.gather [hbm4b:s25+s3], $0x1000, $0x38;
	[tilespmem:$0x11000] =	vst v63  }
0x14: {  	_ =	swait.ge [sflag:s4], $0x1000  }
0x15: {  	[sflag:s4] =	ssyncset.done $0x0  }
0x16: {  	s5 =	simm.s32 $0x100;
	s6 =	simm.s32 $0x1000;
	[sflag:s4] =	ssyncadd.s32 $0xFFFFF000  }
0x17: {  	[tilespmem:s6], [sflag:$0x1] =	stream.indirect.gather [hbm4b:s2+s5], $0x80, s3, s5, $0xb8;
	[tilespmem:$0x11000] =	vst v63  }
0x18: {  	s7 =	simm.s32 $0x9000;
	s8 =	simm.s32 $0x1  }
0x19: {  	[tilespmem:s7], [sflag:$0x2] =	stream.indirect.gather [hbm4b:s2+s5], $0x80, s5, s5, $0xb8;
	[tilespmem:$0x11000] =	vst v63  }
0x1a: {  	_ =	swait.ge [sflag:s8], $0x8000  }
0x1b: {  	[sflag:s8] =	ssyncset.done $0x0  }
0x1c: {  	s9 =	rddreg [dreg:$0x4];
	[sflag:s8] =	ssyncadd.s32 $0xFFFF8000  }
0x1d: {  	[hbm4b:s9+s3] =	stream.linear.scatter [tilespmem:s6], [sflag:$0x3], $0x8000, $0x38;
	[tilespmem:$0x11000] =	vst v63  }
0x1e: {  	_ =	swait.ge [sflag:s4], $0x8000  }
0x1f: {  	[sflag:s4] =	ssyncset.done $0x0  }
0x20: {  	s10 =	simm.s32 $0x2;
	s9 =	simm.s32 $0x200;
	[sflag:s4] =	ssyncadd.s32 $0xFFFF8000  }
0x21: {  	[tilespmem:s6], [sflag:$0x1] =	stream.indirect.gather [hbm4b:s2+s5], $0x80, s9, s5, $0xb8;
	[tilespmem:$0x11000] =	vst v63  }
0x22: {  	_ =	swait.ge [sflag:s10], $0x8000  }
0x23: {  	[sflag:s10] =	ssyncset.done $0x0  }
0x24: {  	s11 =	rddreg [dreg:$0x7];
	[sflag:s10] =	ssyncadd.s32 $0xFFFF8000  }
0x25: {  	[hbm4b:s11+s3] =	stream.linear.scatter [tilespmem:s7], [sflag:$0x3], $0x8000, $0x38;
	[tilespmem:$0x11000] =	vst v63  }
0x26: {  	_ =	swait.ge [sflag:s4], $0x8000  }
0x27: {  	[sflag:s4] =	ssyncset.done $0x0  }
0x28: {  	s11 =	simm.s32 $0x300;
	[sflag:s4] =	ssyncadd.s32 $0xFFFF8000  }
0x29: {  	[tilespmem:s7], [sflag:$0x2] =	stream.indirect.gather [hbm4b:s2+s5], $0x80, s11, s5, $0xb8;
	[tilespmem:$0x11000] =	vst v63  }
0x2a: {  	_ =	swait.ge [sflag:s8], $0x8000  }
0x2b: {  	[sflag:s8] =	ssyncset.done $0x0  }
0x2c: {  	s12 =	rddreg [dreg:$0x8];
	[sflag:s8] =	ssyncadd.s32 $0xFFFF8000  }
0x2d: {  	[hbm4b:s12+s3] =	stream.linear.scatter [tilespmem:s6], [sflag:$0x3], $0x8000, $0x38;
	[tilespmem:$0x11000] =	vst v63  }
0x2e: {  	_ =	swait.ge [sflag:s4], $0x8000  }
0x2f: {  	[sflag:s4] =	ssyncset.done $0x0  }
0x30: {  	s12 =	simm.s32 $0x400;
	[sflag:s4] =	ssyncadd.s32 $0xFFFF8000  }
0x31: {  	[tilespmem:s6], [sflag:$0x1] =	stream.indirect.gather [hbm4b:s2+s5], $0x80, s12, s5, $0xb8;
	[tilespmem:$0x11000] =	vst v63  }
0x32: {  	_ =	swait.ge [sflag:s10], $0x8000  }
0x33: {  	[sflag:s10] =	ssyncset.done $0x0  }
0x34: {  	s13 =	rddreg [dreg:$0x9];
	[sflag:s10] =	ssyncadd.s32 $0xFFFF8000  }
0x35: {  	[hbm4b:s13+s3] =	stream.linear.scatter [tilespmem:s7], [sflag:$0x3], $0x8000, $0x38;
	[tilespmem:$0x11000] =	vst v63  }
0x36: {  	_ =	swait.ge [sflag:s4], $0x8000  }
0x37: {  	[sflag:s4] =	ssyncset.done $0x0  }
0x38: {  	s13 =	simm.s32 $0x500;
	[sflag:s4] =	ssyncadd.s32 $0xFFFF8000  }
0x39: {  	[tilespmem:s7], [sflag:$0x2] =	stream.indirect.gather [hbm4b:s2+s5], $0x80, s13, s5, $0xb8;
	[tilespmem:$0x11000] =	vst v63  }
0x3a: {  	_ =	swait.ge [sflag:s8], $0x8000  }
0x3b: {  	[sflag:s8] =	ssyncset.done $0x0  }
0x3c: {  	s14 =	rddreg [dreg:$0xa];
	[sflag:s8] =	ssyncadd.s32 $0xFFFF8000  }
0x3d: {  	[hbm4b:s14+s3] =	stream.linear.scatter [tilespmem:s6], [sflag:$0x3], $0x8000, $0x38;
	[tilespmem:$0x11000] =	vst v63  }
0x3e: {  	_ =	swait.ge [sflag:s4], $0x8000  }
0x3f: {  	[sflag:s4] =	ssyncset.done $0x0  }
0x40: {  	s14 =	simm.s32 $0x600;
	[sflag:s4] =	ssyncadd.s32 $0xFFFF8000  }
0x41: {  	[tilespmem:s6], [sflag:$0x1] =	stream.indirect.gather [hbm4b:s2+s5], $0x80, s14, s5, $0xb8;
	[tilespmem:$0x11000] =	vst v63  }
0x42: {  	_ =	swait.ge [sflag:s10], $0x8000  }
0x43: {  	[sflag:s10] =	ssyncset.done $0x0  }
0x44: {  	s15 =	rddreg [dreg:$0xb];
	[sflag:s10] =	ssyncadd.s32 $0xFFFF8000  }
0x45: {  	[hbm4b:s15+s3] =	stream.linear.scatter [tilespmem:s7], [sflag:$0x3], $0x8000, $0x38;
	[tilespmem:$0x11000] =	vst v63  }
0x46: {  	_ =	swait.ge [sflag:s4], $0x8000  }
0x47: {  	[sflag:s4] =	ssyncset.done $0x0  }
0x48: {  	s15 =	simm.s32 $0x700;
	[sflag:s4] =	ssyncadd.s32 $0xFFFF8000  }
0x49: {  	[tilespmem:s7], [sflag:$0x2] =	stream.indirect.gather [hbm4b:s2+s5], $0x80, s15, s5, $0xb8;
	[tilespmem:$0x11000] =	vst v63  }
0x4a: {  	_ =	swait.ge [sflag:s8], $0x8000  }
0x4b: {  	[sflag:s8] =	ssyncset.done $0x0  }
0x4c: {  	s16 =	rddreg [dreg:$0xc];
	[sflag:s8] =	ssyncadd.s32 $0xFFFF8000  }
0x4d: {  	[hbm4b:s16+s3] =	stream.linear.scatter [tilespmem:s6], [sflag:$0x3], $0x8000, $0x38;
	[tilespmem:$0x11000] =	vst v63  }
0x4e: {  	_ =	swait.ge [sflag:s4], $0x8000  }
0x4f: {  	[sflag:s4] =	ssyncset.done $0x0  }
0x50: {  	s16 =	simm.s32 $0x800;
	[sflag:s4] =	ssyncadd.s32 $0xFFFF8000  }
0x51: {  	[tilespmem:s6], [sflag:$0x1] =	stream.indirect.gather [hbm4b:s2+s5], $0x80, s16, s5, $0xb8;
	[tilespmem:$0x11000] =	vst v63  }
0x52: {  	_ =	swait.ge [sflag:s10], $0x8000  }
0x53: {  	[sflag:s10] =	ssyncset.done $0x0  }
0x54: {  	s17 =	sadd.s32 $0x62B000, s30;
	[sflag:s10] =	ssyncadd.s32 $0xFFFF8000  }
0x55: {  	[hbm4b:s17+s3] =	stream.linear.scatter [tilespmem:s7], [sflag:$0x3], $0x8000, $0x38;
	[tilespmem:$0x11000] =	vst v63  }
0x56: {  	_ =	swait.ge [sflag:s4], $0x8000  }
0x57: {  	[sflag:s4] =	ssyncset.done $0x0  }
0x58: {  	s18 =	simm.s32 $0x900;
	[sflag:s4] =	ssyncadd.s32 $0xFFFF8000  }
0x59: {  	[tilespmem:s7], [sflag:$0x2] =	stream.indirect.gather [hbm4b:s2+s5], $0x80, s18, s5, $0xb8;
	[tilespmem:$0x11000] =	vst v63  }
0x5a: {  	_ =	swait.ge [sflag:s8], $0x8000  }
0x5b: {  	[sflag:s8] =	ssyncset.done $0x0  }
0x5c: {  	s19 =	sadd.s32 $0x62C000, s30;
	[sflag:s8] =	ssyncadd.s32 $0xFFFF8000  }
0x5d: {  	[hbm4b:s19+s3] =	stream.linear.scatter [tilespmem:s6], [sflag:$0x3], $0x8000, $0x38;
	[tilespmem:$0x11000] =	vst v63  }
0x5e: {  	_ =	swait.ge [sflag:s4], $0x8000  }
0x5f: {  	[sflag:s4] =	ssyncset.done $0x0  }
0x60: {  	s20 =	simm.s32 $0xA00;
	[sflag:s4] =	ssyncadd.s32 $0xFFFF8000  }
0x61: {  	[tilespmem:s6], [sflag:$0x1] =	stream.indirect.gather [hbm4b:s2+s5], $0x80, s20, s5, $0xb8;
	[tilespmem:$0x11000] =	vst v63  }
0x62: {  	_ =	swait.ge [sflag:s10], $0x8000  }
0x63: {  	[sflag:s10] =	ssyncset.done $0x0  }
0x64: {  	s21 =	sadd.s32 $0x62D000, s30;
	[sflag:s10] =	ssyncadd.s32 $0xFFFF8000  }
0x65: {  	[hbm4b:s21+s3] =	stream.linear.scatter [tilespmem:s7], [sflag:$0x3], $0x8000, $0x38;
	[tilespmem:$0x11000] =	vst v63  }
0x66: {  	_ =	swait.ge [sflag:s4], $0x8000  }
0x67: {  	[sflag:s4] =	ssyncset.done $0x0  }
0x68: {  	s22 =	simm.s32 $0xB00;
	[sflag:s4] =	ssyncadd.s32 $0xFFFF8000  }
0x69: {  	[tilespmem:s7], [sflag:$0x2] =	stream.indirect.gather [hbm4b:s2+s5], $0x80, s22, s5, $0xb8;
	[tilespmem:$0x11000] =	vst v63  }
0x6a: {  	_ =	swait.ge [sflag:s8], $0x8000  }
0x6b: {  	[sflag:s8] =	ssyncset.done $0x0  }
0x6c: {  	s23 =	sadd.s32 $0x62E000, s30;
	[sflag:s8] =	ssyncadd.s32 $0xFFFF8000  }
0x6d: {  	[hbm4b:s23+s3] =	stream.linear.scatter [tilespmem:s6], [sflag:$0x3], $0x8000, $0x38;
	[tilespmem:$0x11000] =	vst v63  }
0x6e: {  	_ =	swait.ge [sflag:s4], $0x8000  }
0x6f: {  	[sflag:s4] =	ssyncset.done $0x0  }
0x70: {  	s24 =	simm.s32 $0xC00;
	[sflag:s4] =	ssyncadd.s32 $0xFFFF8000  }
0x71: {  	[tilespmem:s6], [sflag:$0x1] =	stream.indirect.gather [hbm4b:s2+s5], $0x80, s24, s5, $0xb8;
	[tilespmem:$0x11000] =	vst v63  }
0x72: {  	_ =	swait.ge [sflag:s10], $0x8000  }
0x73: {  	[sflag:s10] =	ssyncset.done $0x0  }
0x74: {  	s25 =	sadd.s32 $0x62F000, s30;
	[sflag:s10] =	ssyncadd.s32 $0xFFFF8000  }
0x75: {  	[hbm4b:s25+s3] =	stream.linear.scatter [tilespmem:s7], [sflag:$0x3], $0x8000, $0x38;
	[tilespmem:$0x11000] =	vst v63  }
0x76: {  	_ =	swait.ge [sflag:s4], $0x8000  }
0x77: {  	[sflag:s4] =	ssyncset.done $0x0  }
0x78: {  	s26 =	simm.s32 $0xD00;
	[sflag:s4] =	ssyncadd.s32 $0xFFFF8000  }
0x79: {  	[tilespmem:s7], [sflag:$0x2] =	stream.indirect.gather [hbm4b:s2+s5], $0x80, s26, s5, $0xb8;
	[tilespmem:$0x11000] =	vst v63  }
0x7a: {  	_ =	swait.ge [sflag:s8], $0x8000  }
0x7b: {  	[sflag:s8] =	ssyncset.done $0x0  }
0x7c: {  	s28 =	sadd.s32 $0x630000, s30;
	[sflag:s8] =	ssyncadd.s32 $0xFFFF8000  }
0x7d: {  	[hbm4b:s28+s3] =	stream.linear.scatter [tilespmem:s6], [sflag:$0x3], $0x8000, $0x38;
	[tilespmem:$0x11000] =	vst v63  }
0x7e: {  	_ =	swait.ge [sflag:s4], $0x8000  }
0x7f: {  	[sflag:s4] =	ssyncset.done $0x0  }
0x80: {  	s29 =	simm.s32 $0xE00;
	[sflag:s4] =	ssyncadd.s32 $0xFFFF8000  }
0x81: {  	[tilespmem:s6], [sflag:$0x1] =	stream.indirect.gather [hbm4b:s2+s5], $0x80, s29, s5, $0xb8;
	[tilespmem:$0x11000] =	vst v63  }
0x82: {  	_ =	swait.ge [sflag:s10], $0x8000  }
0x83: {  	[sflag:s10] =	ssyncset.done $0x0  }
0x84: {  	s30 =	sadd.s32 $0x631000, s30;
	[sflag:s10] =	ssyncadd.s32 $0xFFFF8000  }
0x85: {  	[hbm4b:s30+s3] =	stream.linear.scatter [tilespmem:s7], [sflag:$0x3], $0x8000, $0x38;
	[tilespmem:$0x11000] =	vst v63  }
0x86: {  	_ =	swait.ge [sflag:s4], $0x8000  }
0x87: {  	[sflag:s4] =	ssyncset.done $0x0  }
0x88: {  	s31 =	simm.s32 $0xF00;
	[sflag:s4] =	ssyncadd.s32 $0xFFFF8000  }
0x89: {  	[tilespmem:s7], [sflag:$0x2] =	stream.indirect.gather [hbm4b:s2+s5], $0x80, s31, s5, $0xb8;
	[tilespmem:$0x11000] =	vst v63  }
0x8a: {  	_ =	swait.ge [sflag:s8], $0x8000  }
0x8b: {  	[sflag:s8] =	ssyncset.done $0x0  }
0x8c: {  	s0 =	rddreg [dreg:$0x5];
	[sflag:s8] =	ssyncadd.s32 $0xFFFF8000  }
0x8d: {  	[hbm4b:s0+s3] =	stream.linear.scatter [tilespmem:s6], [sflag:$0x3], $0x8000, $0x38;
	[tilespmem:$0x11000] =	vst v63  }
0x8e: {  	_ =	swait.ge [sflag:s4], $0x8000  }
0x8f: {  	[sflag:s4] =	ssyncset.done $0x0  }
0x90: {  	[sflag:s4] =	ssyncadd.s32 $0xFFFF8000  }
0x91: {  	_ =	swait.ge [sflag:s10], $0x8000  }
0x92: {  	s0 =	ssub.s32 $0x2, s1;
	s1 =	rddreg [dreg:$0x6]  }
0x93: {  	[dreg:$0xd] =	wrdreg s1;
	s1 =	sshrl.u32 s0, $0x1  }
0x94: {  	s0 =	ssub.s32 s0, s1  }
0x95: {  	s0 =	smax.u32 s0, $0x1  }
0x96: {  	p0 =	sne.s32 s0, $0x1  }
.Ltmp0:
0x97: {  	_ = 	snop;
	(pc) =	sbr.rel @!p0 .LBB2_2-.Ltmp0, $4  }
0x98: {  	[sflag:s10] =	ssyncset.done $0x0  }
0x99: {  	[sflag:s10] =	ssyncadd.s32 $0xFFFF8000;
	s1 =	rddreg [dreg:$0xd]  }
0x9a: {  	[hbm4b:s1+s3] =	stream.linear.scatter [tilespmem:s7], [sflag:$0x3], $0x8000, $0x38;
	[tilespmem:$0x11000] =	vst v63  }
0x9b: {  	s1 =	sadd.s32 $0xFFFFFFFF, s0;
	_ =	swait.ge [sflag:s4], $0x8000  }
.LBB2_1:
0x9c: {  	[sflag:s4] =	ssyncset.done $0x0  }
0x9d: {  	s0 =	rddreg [dreg:$0x3];
	[sflag:s4] =	ssyncadd.s32 $0xFFFF8000  }
0x9e: {  	[tilespmem:s3], [sflag:$0x3] =	stream.linear.gather [hbm4b:s0+s3], $0x1000, $0x38;
	[tilespmem:$0x11000] =	vst v63  }
0x9f: {  	_ =	swait.ge [sflag:s4], $0x1000  }
0xa0: {  	[sflag:s4] =	ssyncset.done $0x0  }
0xa1: {  	[sflag:s4] =	ssyncadd.s32 $0xFFFFF000  }
0xa2: {  	[tilespmem:s6], [sflag:$0x1] =	stream.indirect.gather [hbm4b:s2+s5], $0x80, s3, s5, $0xb8;
	[tilespmem:$0x11000] =	vst v63  }
0xa3: {  	_ = 	snop  }
0xa4: {  	[tilespmem:s7], [sflag:$0x2] =	stream.indirect.gather [hbm4b:s2+s5], $0x80, s5, s5, $0xb8;
	[tilespmem:$0x11000] =	vst v63  }
0xa5: {  	_ =	swait.ge [sflag:s8], $0x8000  }
0xa6: {  	[sflag:s8] =	ssyncset.done $0x0  }
0xa7: {  	s0 =	rddreg [dreg:$0x4];
	[sflag:s8] =	ssyncadd.s32 $0xFFFF8000  }
0xa8: {  	[hbm4b:s0+s3] =	stream.linear.scatter [tilespmem:s6], [sflag:$0x3], $0x8000, $0x38;
	[tilespmem:$0x11000] =	vst v63  }
0xa9: {  	_ =	swait.ge [sflag:s4], $0x8000  }
0xaa: {  	[sflag:s4] =	ssyncset.done $0x0  }
0xab: {  	[sflag:s4] =	ssyncadd.s32 $0xFFFF8000  }
0xac: {  	[tilespmem:s6], [sflag:$0x1] =	stream.indirect.gather [hbm4b:s2+s5], $0x80, s9, s5, $0xb8;
	[tilespmem:$0x11000] =	vst v63  }
0xad: {  	_ =	swait.ge [sflag:s10], $0x8000  }
0xae: {  	[sflag:s10] =	ssyncset.done $0x0  }
0xaf: {  	s0 =	rddreg [dreg:$0x7];
	[sflag:s10] =	ssyncadd.s32 $0xFFFF8000  }
0xb0: {  	[hbm4b:s0+s3] =	stream.linear.scatter [tilespmem:s7], [sflag:$0x3], $0x8000, $0x38;
	[tilespmem:$0x11000] =	vst v63  }
0xb1: {  	_ =	swait.ge [sflag:s4], $0x8000  }
0xb2: {  	[sflag:s4] =	ssyncset.done $0x0  }
0xb3: {  	[sflag:s4] =	ssyncadd.s32 $0xFFFF8000  }
0xb4: {  	[tilespmem:s7], [sflag:$0x2] =	stream.indirect.gather [hbm4b:s2+s5], $0x80, s11, s5, $0xb8;
	[tilespmem:$0x11000] =	vst v63  }
0xb5: {  	_ =	swait.ge [sflag:s8], $0x8000  }
0xb6: {  	[sflag:s8] =	ssyncset.done $0x0  }
0xb7: {  	s0 =	rddreg [dreg:$0x8];
	[sflag:s8] =	ssyncadd.s32 $0xFFFF8000  }
0xb8: {  	[hbm4b:s0+s3] =	stream.linear.scatter [tilespmem:s6], [sflag:$0x3], $0x8000, $0x38;
	[tilespmem:$0x11000] =	vst v63  }
0xb9: {  	_ =	swait.ge [sflag:s4], $0x8000  }
0xba: {  	[sflag:s4] =	ssyncset.done $0x0  }
0xbb: {  	[sflag:s4] =	ssyncadd.s32 $0xFFFF8000  }
0xbc: {  	[tilespmem:s6], [sflag:$0x1] =	stream.indirect.gather [hbm4b:s2+s5], $0x80, s12, s5, $0xb8;
	[tilespmem:$0x11000] =	vst v63  }
0xbd: {  	_ =	swait.ge [sflag:s10], $0x8000  }
0xbe: {  	[sflag:s10] =	ssyncset.done $0x0  }
0xbf: {  	s0 =	rddreg [dreg:$0x9];
	[sflag:s10] =	ssyncadd.s32 $0xFFFF8000  }
0xc0: {  	[hbm4b:s0+s3] =	stream.linear.scatter [tilespmem:s7], [sflag:$0x3], $0x8000, $0x38;
	[tilespmem:$0x11000] =	vst v63  }
0xc1: {  	_ =	swait.ge [sflag:s4], $0x8000  }
0xc2: {  	[sflag:s4] =	ssyncset.done $0x0  }
0xc3: {  	[sflag:s4] =	ssyncadd.s32 $0xFFFF8000  }
0xc4: {  	[tilespmem:s7], [sflag:$0x2] =	stream.indirect.gather [hbm4b:s2+s5], $0x80, s13, s5, $0xb8;
	[tilespmem:$0x11000] =	vst v63  }
0xc5: {  	_ =	swait.ge [sflag:s8], $0x8000  }
0xc6: {  	[sflag:s8] =	ssyncset.done $0x0  }
0xc7: {  	s0 =	rddreg [dreg:$0xa];
	[sflag:s8] =	ssyncadd.s32 $0xFFFF8000  }
0xc8: {  	[hbm4b:s0+s3] =	stream.linear.scatter [tilespmem:s6], [sflag:$0x3], $0x8000, $0x38;
	[tilespmem:$0x11000] =	vst v63  }
0xc9: {  	_ =	swait.ge [sflag:s4], $0x8000  }
0xca: {  	[sflag:s4] =	ssyncset.done $0x0  }
0xcb: {  	[sflag:s4] =	ssyncadd.s32 $0xFFFF8000  }
0xcc: {  	[tilespmem:s6], [sflag:$0x1] =	stream.indirect.gather [hbm4b:s2+s5], $0x80, s14, s5, $0xb8;
	[tilespmem:$0x11000] =	vst v63  }
0xcd: {  	_ =	swait.ge [sflag:s10], $0x8000  }
0xce: {  	[sflag:s10] =	ssyncset.done $0x0  }
0xcf: {  	s0 =	rddreg [dreg:$0xb];
	[sflag:s10] =	ssyncadd.s32 $0xFFFF8000  }
0xd0: {  	[hbm4b:s0+s3] =	stream.linear.scatter [tilespmem:s7], [sflag:$0x3], $0x8000, $0x38;
	[tilespmem:$0x11000] =	vst v63  }
0xd1: {  	_ =	swait.ge [sflag:s4], $0x8000  }
0xd2: {  	[sflag:s4] =	ssyncset.done $0x0  }
0xd3: {  	[sflag:s4] =	ssyncadd.s32 $0xFFFF8000  }
0xd4: {  	[tilespmem:s7], [sflag:$0x2] =	stream.indirect.gather [hbm4b:s2+s5], $0x80, s15, s5, $0xb8;
	[tilespmem:$0x11000] =	vst v63  }
0xd5: {  	_ =	swait.ge [sflag:s8], $0x8000  }
0xd6: {  	[sflag:s8] =	ssyncset.done $0x0  }
0xd7: {  	s0 =	rddreg [dreg:$0xc];
	[sflag:s8] =	ssyncadd.s32 $0xFFFF8000  }
0xd8: {  	[hbm4b:s0+s3] =	stream.linear.scatter [tilespmem:s6], [sflag:$0x3], $0x8000, $0x38;
	[tilespmem:$0x11000] =	vst v63  }
0xd9: {  	_ =	swait.ge [sflag:s4], $0x8000  }
0xda: {  	[sflag:s4] =	ssyncset.done $0x0  }
0xdb: {  	[sflag:s4] =	ssyncadd.s32 $0xFFFF8000  }
0xdc: {  	[tilespmem:s6], [sflag:$0x1] =	stream.indirect.gather [hbm4b:s2+s5], $0x80, s16, s5, $0xb8;
	[tilespmem:$0x11000] =	vst v63  }
0xdd: {  	_ =	swait.ge [sflag:s10], $0x8000  }
0xde: {  	[sflag:s10] =	ssyncset.done $0x0  }
0xdf: {  	[sflag:s10] =	ssyncadd.s32 $0xFFFF8000  }
0xe0: {  	[hbm4b:s17+s3] =	stream.linear.scatter [tilespmem:s7], [sflag:$0x3], $0x8000, $0x38;
	[tilespmem:$0x11000] =	vst v63  }
0xe1: {  	_ =	swait.ge [sflag:s4], $0x8000  }
0xe2: {  	[sflag:s4] =	ssyncset.done $0x0  }
0xe3: {  	[sflag:s4] =	ssyncadd.s32 $0xFFFF8000  }
0xe4: {  	[tilespmem:s7], [sflag:$0x2] =	stream.indirect.gather [hbm4b:s2+s5], $0x80, s18, s5, $0xb8;
	[tilespmem:$0x11000] =	vst v63  }
0xe5: {  	_ =	swait.ge [sflag:s8], $0x8000  }
0xe6: {  	[sflag:s8] =	ssyncset.done $0x0  }
0xe7: {  	[sflag:s8] =	ssyncadd.s32 $0xFFFF8000  }
0xe8: {  	[hbm4b:s19+s3] =	stream.linear.scatter [tilespmem:s6], [sflag:$0x3], $0x8000, $0x38;
	[tilespmem:$0x11000] =	vst v63  }
0xe9: {  	_ =	swait.ge [sflag:s4], $0x8000  }
0xea: {  	[sflag:s4] =	ssyncset.done $0x0  }
0xeb: {  	[sflag:s4] =	ssyncadd.s32 $0xFFFF8000  }
0xec: {  	[tilespmem:s6], [sflag:$0x1] =	stream.indirect.gather [hbm4b:s2+s5], $0x80, s20, s5, $0xb8;
	[tilespmem:$0x11000] =	vst v63  }
0xed: {  	_ =	swait.ge [sflag:s10], $0x8000  }
0xee: {  	[sflag:s10] =	ssyncset.done $0x0  }
0xef: {  	[sflag:s10] =	ssyncadd.s32 $0xFFFF8000  }
0xf0: {  	[hbm4b:s21+s3] =	stream.linear.scatter [tilespmem:s7], [sflag:$0x3], $0x8000, $0x38;
	[tilespmem:$0x11000] =	vst v63  }
0xf1: {  	_ =	swait.ge [sflag:s4], $0x8000  }
0xf2: {  	[sflag:s4] =	ssyncset.done $0x0  }
0xf3: {  	[sflag:s4] =	ssyncadd.s32 $0xFFFF8000  }
0xf4: {  	[tilespmem:s7], [sflag:$0x2] =	stream.indirect.gather [hbm4b:s2+s5], $0x80, s22, s5, $0xb8;
	[tilespmem:$0x11000] =	vst v63  }
0xf5: {  	_ =	swait.ge [sflag:s8], $0x8000  }
0xf6: {  	[sflag:s8] =	ssyncset.done $0x0  }
0xf7: {  	[sflag:s8] =	ssyncadd.s32 $0xFFFF8000  }
0xf8: {  	[hbm4b:s23+s3] =	stream.linear.scatter [tilespmem:s6], [sflag:$0x3], $0x8000, $0x38;
	[tilespmem:$0x11000] =	vst v63  }
0xf9: {  	_ =	swait.ge [sflag:s4], $0x8000  }
0xfa: {  	[sflag:s4] =	ssyncset.done $0x0  }
0xfb: {  	[sflag:s4] =	ssyncadd.s32 $0xFFFF8000  }
0xfc: {  	[tilespmem:s6], [sflag:$0x1] =	stream.indirect.gather [hbm4b:s2+s5], $0x80, s24, s5, $0xb8;
	[tilespmem:$0x11000] =	vst v63  }
0xfd: {  	_ =	swait.ge [sflag:s10], $0x8000  }
0xfe: {  	[sflag:s10] =	ssyncset.done $0x0  }
0xff: {  	[sflag:s10] =	ssyncadd.s32 $0xFFFF8000  }
0x100: {  	[hbm4b:s25+s3] =	stream.linear.scatter [tilespmem:s7], [sflag:$0x3], $0x8000, $0x38;
	[tilespmem:$0x11000] =	vst v63  }
0x101: {  	_ =	swait.ge [sflag:s4], $0x8000  }
0x102: {  	[sflag:s4] =	ssyncset.done $0x0  }
0x103: {  	[sflag:s4] =	ssyncadd.s32 $0xFFFF8000  }
0x104: {  	[tilespmem:s7], [sflag:$0x2] =	stream.indirect.gather [hbm4b:s2+s5], $0x80, s26, s5, $0xb8;
	[tilespmem:$0x11000] =	vst v63  }
0x105: {  	_ =	swait.ge [sflag:s8], $0x8000  }
0x106: {  	[sflag:s8] =	ssyncset.done $0x0  }
0x107: {  	[sflag:s8] =	ssyncadd.s32 $0xFFFF8000  }
0x108: {  	[hbm4b:s28+s3] =	stream.linear.scatter [tilespmem:s6], [sflag:$0x3], $0x8000, $0x38;
	[tilespmem:$0x11000] =	vst v63  }
0x109: {  	_ =	swait.ge [sflag:s4], $0x8000  }
0x10a: {  	[sflag:s4] =	ssyncset.done $0x0  }
0x10b: {  	[sflag:s4] =	ssyncadd.s32 $0xFFFF8000  }
0x10c: {  	[tilespmem:s6], [sflag:$0x1] =	stream.indirect.gather [hbm4b:s2+s5], $0x80, s29, s5, $0xb8;
	[tilespmem:$0x11000] =	vst v63  }
0x10d: {  	_ =	swait.ge [sflag:s10], $0x8000  }
0x10e: {  	[sflag:s10] =	ssyncset.done $0x0  }
0x10f: {  	[sflag:s10] =	ssyncadd.s32 $0xFFFF8000  }
0x110: {  	[hbm4b:s30+s3] =	stream.linear.scatter [tilespmem:s7], [sflag:$0x3], $0x8000, $0x38;
	[tilespmem:$0x11000] =	vst v63  }
0x111: {  	_ =	swait.ge [sflag:s4], $0x8000  }
0x112: {  	[sflag:s4] =	ssyncset.done $0x0  }
0x113: {  	[sflag:s4] =	ssyncadd.s32 $0xFFFF8000  }
0x114: {  	[tilespmem:s7], [sflag:$0x2] =	stream.indirect.gather [hbm4b:s2+s5], $0x80, s31, s5, $0xb8;
	[tilespmem:$0x11000] =	vst v63  }
0x115: {  	_ =	swait.ge [sflag:s8], $0x8000  }
0x116: {  	[sflag:s8] =	ssyncset.done $0x0  }
0x117: {  	s0 =	rddreg [dreg:$0x5];
	[sflag:s8] =	ssyncadd.s32 $0xFFFF8000  }
0x118: {  	[hbm4b:s0+s3] =	stream.linear.scatter [tilespmem:s6], [sflag:$0x3], $0x8000, $0x38;
	[tilespmem:$0x11000] =	vst v63  }
0x119: {  	_ =	swait.ge [sflag:s4], $0x8000  }
0x11a: {  	[sflag:s4] =	ssyncset.done $0x0  }
0x11b: {  	p0 =	sne.s32 s1, $0x1;
	[sflag:s4] =	ssyncadd.s32 $0xFFFF8000  }
.Ltmp1:
0x11c: {  	_ =	swait.ge [sflag:s10], $0x8000;
	(pc) =	sbr.rel @p0 .LBB2_1-.Ltmp1, $4  }
0x11d: {  	[sflag:s10] =	ssyncset.done $0x0  }
0x11e: {  	s0 =	rddreg [dreg:$0x6];
	[sflag:s10] =	ssyncadd.s32 $0xFFFF8000  }
0x11f: {  	[hbm4b:s0+s3] =	stream.linear.scatter [tilespmem:s7], [sflag:$0x3], $0x8000, $0x38;
	[tilespmem:$0x11000] =	vst v63  }
0x120: {  	s1 =	sadd.s32 $0xFFFFFFFF, s1;
	_ =	swait.ge [sflag:s4], $0x8000  }
.LBB2_2:
0x121: {  	[sflag:s4] =	ssyncset.done $0x0  }
0x122: {  	[sflag:s4] =	ssyncadd.s32 $0xFFFF8000  }
0x123: {  	_ =	sfence.sel $0x180000  }
0x124: {  	[bflag:$0x0] =	sbarrier.arrive $0xFFFF  }
0x125: {  	_ =	strace $0x90000050  }
0x126: {  	s0 =	stileid.u32;
	[bflag:$0x2] =	sbarrier.arrive $0xFFFF  }
0x127: {  	p0 =	sne.s32 s0, $0x0;
	s0 =	rddreg [dreg:$0x2]  }
0x128: {  	s0 =	sadd.s32 @!p0 $0x100000, s0  }
0x129: {  	[sflag:s0] =	ssyncadd.tile.s32 @!p0 $0x1;
	_ =	shalt  }
.Lfunc_end2:
_tile_overlayer_lowered:
.L_overlay_start_2:
0x12a: {  	(tag) =	ssettag $0x2  }
0x12b: {  	s0 =	rddreg [dreg:$0x0];
	s2 =	stileid.u32  }
0x12c: {  	s1 =	rddreg [dreg:$0x1];
	p0 =	sne.s32 s2, $0x0  }
0x12d: {  	s3 =	rddreg [dreg:$0x2];
	[bflag:$0x3] =	sbarrier.arrive $0xFFFF;
	s2 =	simm.s32 @!p0 $0x1C03  }
0x12e: {  	[timem:s3], [sflag:s2] =	dma.local @!p0 [hbm:s0], s1  }
0x12f: {  	s0 =	simm.s32 @!p0 $0x3  }
0x130: {  	_ =	swait.ge @!p0 [sflag:s0], s1  }
0x131: {  	s1 =	ssub.s32 @!p0 $0x0, s1;
	[sflag:s0] =	ssyncset.done @!p0 $0x0  }
0x132: {  	[sflag:s0] =	ssyncadd.s32 @!p0 s1  }
0x133: {  	[bflag:$0x3] =	sbarrier.arrive $0xFFFF  }
0x134: {  	_ =	shalt  }

// kernel: kernel.13.cloned.1.call-start
scs
__scs_entry_jumppad:
0x0: {  	(pc) =	sbr.rel $0x88, $3  }
0x1: {  	(tag) =	ssettag $0x0;
	lr =	simm.s32 $0x1  }
0x2: {  	[smem:$0x3F8F] =	sst lr;
	_ =	strace $0xD0000000  }
0x3: {  	_ = 	snop  }
0x4: {  	_ = 	snop  }
0x5: {  	_ = 	snop  }
0x6: {  	_ = 	snop  }
0x7: {  	_ = 	snop  }
__scs_overlays_trampoline_lowered:
0x8: {  	[smem:$0x3F9E] =	sst s0  }
0x9: {  	[smem:$0x3F9F] =	sst s1  }
0xa: {  	[smem:$0x3FA0] =	sst s2  }
0xb: {  	[smem:$0x3FA1] =	sst s3  }
0xc: {  	[smem:$0x3FA2] =	sst s4  }
0xd: {  	[smem:$0x3FA3] =	sst s5  }
0xe: {  	[smem:$0x3FA4] =	sst s6  }
0xf: {  	[smem:$0x3FA5] =	sst s7  }
0x10: {  	[smem:$0x3FA6] =	sst s8  }
0x11: {  	[smem:$0x3FA7] =	sst s9;
	s0 =	simm.s32 @!p0 $0x0  }
0x12: {  	s1 =	sld [smem:$0x3F8D];
	s0 =	simm.s32 @p0 $0x1  }
0x13: {  	[smem:$0x3FA8] =	sst s0;
	s0 =	simm.s32 @!p1 $0x0  }
0x14: {  	s2 =	sld [smem:$0x3F8C];
	s0 =	simm.s32 @p1 $0x1  }
0x15: {  	[smem:$0x3FA9] =	sst s0;
	s0 =	simm.s32 @!p2 $0x0  }
0x16: {  	s3 =	sld [smem:$0x3FDB];
	s0 =	simm.s32 @p2 $0x1  }
0x17: {  	s4 =	simm.s32 $0x1BF5;
	[smem:$0x3FAB] =	sst s0  }
0x18: {  	s0 =	sld [smem:$0x3F8E];
	_ =	swait.ge [sflag:s4], $0x0  }
0x19: {  	s7 =	sld [smem:$0x3F8F]  }
0x1a: {  	s8 =	sadd.s32 $0xFFFFE003, lr  }
0x1b: {  	s9 =	sadd.s32 $0xFFFFFEF7, lr;
	s5 =	simm.s32 $0xFFFFFFFF;
	p2 =	slt.u32 s8, $0xFFFFF086  }
0x1c: {  	p1 =	slt.u32 s9, $0xF7A;
	s5 =	simm.s32 @!p2 $0x0  }
0x1d: {  	s5 =	simm.s32 @p1 $0x1;
	p0 =	seq.s32 s7, s2  }
0x1e: {  	s7 =	smul.u32 @!p0 $0xF7A, s2;
	p2 =	seq.s32 @!p0 s5, $0x0  }
0x1f: {  	s9 =	smul.u32 $0xF7A, s1;
	s8 =	simm.s32 @!p0 $0x1BF5;
	p2 =	por !p2, p0  }
0x20: {  	[sflag:s8] =	ssyncset.s32 @!p0 $0xFFFFF086;
	s6 =	sadd.s32 @!p0 s3, s7;
	s7 =	simm.s32 @!p0 $0x108  }
0x21: {  	s3 =	sadd.s32 s3, s9;
	s6 =	sadd.s32 @!p0 $0x88, s6;
	s7 =	simm.s32 @p2 $0x1082  }
0x22: {  	[simem:s7], [sflag:s8] =	dma.local @!p0 [hbm:s6], $0xF7A  }
0x23: {  	s9 =	sor.u32 $0xD0000000, s2;
	s6 =	simm.s32 $0x108;
	_ =	swait.ge @!p0 [sflag:s8], $0x0  }
0x24: {  	s3 =	sadd.s32 $0x88, s3;
	s6 =	simm.s32 @!p1 $0x1082;
	[sflag:s4] =	ssyncset.s32 $0xFFFFF086  }
0x25: {  	[simem:s6], [sflag:s4] =	dma.local [hbm:s3], $0xF7A  }
0x26: {  	[smem:$0x3F8F] =	sst s1;
	(tag) =	ssettag s2;
	_ =	strace s9  }
0x27: {  	s1 =	sld [smem:$0x3F9F]  }
0x28: {  	s2 =	sld [smem:$0x3FA0]  }
0x29: {  	s4 =	sld [smem:$0x3FA2]  }
0x2a: {  	p0 =	seq.s32 s5, $0x0;
	s5 =	sld [smem:$0x3FA3]  }
0x2b: {  	s6 =	sld [smem:$0x3FA4]  }
0x2c: {  	s7 =	sld [smem:$0x3FA5]  }
0x2d: {  	s3 =	simm.s32 $0x108;
	s8 =	sld [smem:$0x3FA6]  }
0x2e: {  	s3 =	simm.s32 @!p0 $0x1082;
	s9 =	sld [smem:$0x3FA7]  }
0x2f: {  	lr =	sadd.s32 s0, s3;
	s0 =	sld [smem:$0x3F9E]  }
0x30: {  	s3 =	sld [smem:$0x3FA1]  }
0x31: {  	[smem:$0x3FAA] =	sst s10  }
0x32: {  	s10 =	sld [smem:$0x3FA8];
	_ =	sdelay $0x3  }
0x33: {  	p0 =	seq.s32 s10, $0x1;
	s10 =	sld [smem:$0x3FAA];
	_ =	sdelay $0x3  }
0x34: {  	[smem:$0x3FAA] =	sst s10  }
0x35: {  	s10 =	sld [smem:$0x3FA9];
	_ =	sdelay $0x3  }
0x36: {  	p1 =	seq.s32 s10, $0x1;
	s10 =	sld [smem:$0x3FAA];
	_ =	sdelay $0x3  }
0x37: {  	[smem:$0x3FAA] =	sst s10  }
0x38: {  	s10 =	sld [smem:$0x3FAB]  }
0x39: {  	_ = 	snop;
	(pc) =	sbr.ind lr, $3  }
0x3a: {  	_ = 	snop  }
0x3b: {  	_ = 	snop  }
0x3c: {  	p2 =	seq.s32 s10, $0x1;
	s10 =	sld [smem:$0x3FAA]  }
0x3d: {  	_ =	shalt  }
0x3e: {  	_ =	shalt  }
0x3f: {  	_ =	shalt  }
0x40: {  	_ =	shalt  }
0x41: {  	_ =	shalt  }
0x42: {  	_ =	shalt  }
0x43: {  	_ =	shalt  }
0x44: {  	_ =	shalt  }
0x45: {  	_ =	shalt  }
0x46: {  	_ =	shalt  }
0x47: {  	_ =	shalt  }
0x48: {  	_ =	shalt  }
0x49: {  	_ =	shalt  }
0x4a: {  	_ =	shalt  }
0x4b: {  	_ =	shalt  }
0x4c: {  	_ =	shalt  }
0x4d: {  	_ =	shalt  }
0x4e: {  	_ =	shalt  }
0x4f: {  	_ =	shalt  }
0x50: {  	_ =	shalt  }
0x51: {  	_ =	shalt  }
0x52: {  	_ =	shalt  }
0x53: {  	_ =	shalt  }
0x54: {  	_ =	shalt  }
0x55: {  	_ =	shalt  }
0x56: {  	_ =	shalt  }
0x57: {  	_ =	shalt  }
0x58: {  	_ =	shalt  }
0x59: {  	_ =	shalt  }
0x5a: {  	_ =	shalt  }
0x5b: {  	_ =	shalt  }
0x5c: {  	_ =	shalt  }
0x5d: {  	_ =	shalt  }
0x5e: {  	_ =	shalt  }
0x5f: {  	_ =	shalt  }
0x60: {  	_ =	shalt  }
0x61: {  	_ =	shalt  }
0x62: {  	_ =	shalt  }
0x63: {  	_ =	shalt  }
0x64: {  	_ =	shalt  }
0x65: {  	_ =	shalt  }
0x66: {  	_ =	shalt  }
0x67: {  	_ =	shalt  }
0x68: {  	_ =	shalt  }
0x69: {  	_ =	shalt  }
0x6a: {  	_ =	shalt  }
0x6b: {  	_ =	shalt  }
0x6c: {  	_ =	shalt  }
0x6d: {  	_ =	shalt  }
0x6e: {  	_ =	shalt  }
0x6f: {  	_ =	shalt  }
0x70: {  	_ =	shalt  }
0x71: {  	_ =	shalt  }
0x72: {  	_ =	shalt  }
0x73: {  	_ =	shalt  }
0x74: {  	_ =	shalt  }
0x75: {  	_ =	shalt  }
0x76: {  	_ =	shalt  }
0x77: {  	_ =	shalt  }
0x78: {  	_ =	shalt  }
0x79: {  	_ =	shalt  }
0x7a: {  	_ =	shalt  }
0x7b: {  	_ =	shalt  }
0x7c: {  	_ =	shalt  }
0x7d: {  	_ =	shalt  }
0x7e: {  	_ =	shalt  }
0x7f: {  	_ =	shalt  }
0x80: {  	_ =	shalt  }
0x81: {  	_ =	shalt  }
0x82: {  	_ =	shalt  }
0x83: {  	_ =	shalt  }
0x84: {  	_ =	shalt  }
0x85: {  	_ =	shalt  }
0x86: {  	_ =	shalt  }
0x87: {  	_ =	shalt  }
.Lfunc_end0:
.L_simem_size_0:
called_computation.1_lowered:
.L_overlay_start_0:
0x88: {  	s2 =	sld [smem:$0x3FD9]  }
0x89: {  	s3 =	sld [smem:$0x3FFE];
	_ =	sdelay $0x1  }
0x8a: {  	s1 =	srdreg.scid  }
0x8b: {  	s0 =	sand.u32 $0x1, s1  }
0x8c: {  	s17 =	sshll.u32 s0, $0xA;
	s2 =	sadd.s32 s3, s2  }
0x8d: {  	s2 =	sadd.s32 s2, s17  }
0x8e: {  	[smem:$0x3FB6] =	sst s2  }
0x8f: {  	_ = 	snop  }
0x90: {  	s2 =	sld [smem:$0x3FC2];
	(tm) =	ssettm $0x1  }
0x91: {  	s18 =	sld [smem:$0x3FFB];
	_ =	sdelay $0x3  }
0x92: {  	_ =	strace s18  }
0x93: {  	s3 =	sld [smem:$0x3FFC];
	_ =	sdelay $0x3  }
0x94: {  	_ =	strace s3  }
0x95: {  	s3 =	sld [smem:$0x3FFD];
	_ =	sdelay $0x3  }
0x96: {  	_ =	strace s3  }
0x97: {  	_ =	strace $0x8FFFFFFF  }
0x98: {  	s19 =	sld [smem:$0x3FDB];
	_ =	sdelay $0x1  }
0x99: {  	s4 =	simm.s32 $_scs_section_size  }
0x9a: {  	s5 =	simm.s32 $_size__tile_overlayer_lowered;
	s6 =	simm.s32 $_tile_overlayer_lowered  }
0x9b: {  	s22 =	simm.s32 $0x1BFF;
	s21 =	sshll.u32 s6, $0x1;
	s3 =	sadd.s32 s4, s19  }
0x9c: {  	s7 =	simm.s32 $0x0;
	s20 =	sshll.u32 s5, $0x1;
	s5 =	sadd.s32 s21, s3  }
0x9d: {  	[timem:s7], [sflag:s22] =	dma.local [hbm:s5], s20  }
0x9e: {  	_ =	swait.ge [sflag:s22], s20  }
0x9f: {  	s4 =	ssub.s32 $0x0, s20;
	[sflag:s22] =	ssyncset.done $0x0  }
0xa0: {  	[sflag:s22] =	ssyncadd.s32 s4;
	_ =	sdelay $0x1  }
0xa1: {  	s23 =	simm.s32 $0x1B8B  }
0xa2: {  	_ =	swait.ge [sflag:s23], $0x1  }
0xa3: {  	[sflag:s23] =	ssyncset.done $0x0  }
0xa4: {  	s25 =	simm.s32 $0x1B8E;
	s24 =	sld [smem:$0x3FFE];
	[sflag:s23] =	ssyncadd.s32 $0xFFFFFFFF  }
0xa5: {  	s26 =	simm.s32 $execute0_lowered;
	[smem:$0x3FD2] =	sst s25  }
0xa6: {  	s5 =	sshll.u32 s26, $0x1;
	_ =	strace $0x80000046;
	[dreg:$0x1] =	wrdreg $0xFFFFFFFF  }
0xa7: {  	s28 =	simm.s32 $_size_execute0_lowered;
	s3 =	sadd.s32 s3, s5;
	[dreg:$0x0] =	wrdreg $0x0  }
0xa8: {  	s5 =	sshll.u32 s28, $0x1;
	[dreg:$0x2] =	wrdreg s3  }
0xa9: {  	[dreg:$0x3] =	wrdreg s5  }
0xaa: {  	[dreg:$0x4] =	wrdreg $0xC0  }
0xab: {  	_ =	task [dreg:s7], $0x5FFFF  }
0xac: {  	[dreg:$0x1] =	wrdreg $0xFFFFFFFF  }
0xad: {  	[dreg:$0x0] =	wrdreg $0x60  }
0xae: {  	[dreg:$0x2] =	wrdreg s2  }
0xaf: {  	[dreg:$0x3] =	wrdreg s24  }
0xb0: {  	[dreg:$0x4] =	wrdreg $0xA  }
0xb1: {  	_ =	task.clear_ibuf [dreg:s7], $0x5FFFF;
	_ =	strace $0x90000046  }
0xb2: {  	s29 =	simm.s32 $0xA;
	_ =	strace $0x80000048  }
0xb3: {  	_ =	swait.ge [sflag:s29], $0x1  }
0xb4: {  	[sflag:s29] =	ssyncadd.s32 $0xFFFFFFFF  }
0xb5: {  	_ =	strace $0x90000048  }
0xb6: {  	_ =	sfence  }
0xb7: {  	s30 =	sld [smem:$0x0];
	_ =	sdelay $0x2  }
0xb8: {  	s31 =	sshll.u32 s1, $0xD;
	s1 =	sshrl.u32 s1, $0x2  }
0xb9: {  	s3 =	sand.u32 $0x4000, s31;
	s1 =	sadd.s32 s1, s30  }
0xba: {  	s0 =	sor.u32 s3, s0;
	s1 =	sshll.u32 s1, $0x11  }
0xbb: {  	s0 =	sor.u32 s1, s0  }
0xbc: {  	s0 =	sadd.s32 $0x8F2B, s0  }
0xbd: {  	[sflag:s0] =	ssyncadd.remote.s32 $0x1  }
0xbe: {  	_ =	sfence.sel $0xFFFF  }
0xbf: {  	[dreg:$0x0] =	wrdreg $0xFFFFFFFF;
	(pc) =	sbr.abs _section_cstart, $3  }
0xc0: {  	[dreg:$0x1] =	wrdreg $0xFFFFFFFF  }
0xc1: {  	_ =	task.clear_ibuf [dreg:s7], $0x2FFFF;
	_ =	strace $0x9FFFFFFF  }
0xc2: {  	(tm) =	ssettm $0x7FFFFFFF  }
0xc3: {  	_ =	shalt  }
tec
execute0_lowered:
.L_overlay_start_1:
0x0: {  	(tag) =	ssettag $0x1  }
0x1: {  	s1 =	srdreg.scid  }
0x2: {  	s0 =	stileid.u32;
	s1 =	sand.u32 $0x1, s1  }
0x3: {  	s3 =	sshll.u32 s0, $0xD;
	s4 =	sshll.u32 s1, $0xC  }
0x4: {  	s2 =	rddreg [dreg:$0x0];
	s4 =	sor.u32 s4, s3  }
0x5: {  	s5 =	rddreg [dreg:$0x1];
	s6 =	sshrl.u32 s4, $0x3  }
0x6: {  	s3 =	simm.s32 $0x0;
	s4 =	sshll.u32 s4, $0x4;
	s6 =	sadd.s32 s6, s5  }
0x7: {  	[smem:$0x7FF] =	sst s3;
	s30 =	sadd.s32 s4, s5;
	s16 =	sadd.s32 $0x18000, s6  }
0x8: {  	_ =	strace $0x80000047;
	s17 =	sadd.s32 $0x24000, s30;
	[dreg:$0x3] =	wrdreg s16  }
0x9: {  	s18 =	sadd.s32 $0x32000, s30;
	[dreg:$0x4] =	wrdreg s17  }
0xa: {  	s19 =	sadd.s32 $0x33000, s30;
	[dreg:$0x5] =	wrdreg s18  }
0xb: {  	s20 =	sadd.s32 $0x25000, s30;
	[dreg:$0x6] =	wrdreg s19  }
0xc: {  	s21 =	sadd.s32 $0x26000, s30;
	[dreg:$0x7] =	wrdreg s20  }
0xd: {  	s22 =	sadd.s32 $0x27000, s30;
	[dreg:$0x8] =	wrdreg s21  }
0xe: {  	s23 =	sadd.s32 $0x28000, s30;
	[dreg:$0x9] =	wrdreg s22  }
0xf: {  	s24 =	sadd.s32 $0x29000, s30;
	[dreg:$0xa] =	wrdreg s23  }
0x10: {  	s26 =	sadd.s32 $0x2A000, s30;
	[dreg:$0xb] =	wrdreg s24  }
0x11: {  	[dreg:$0xc] =	wrdreg s26  }
0x12: {  	s4 =	simm.s32 $0x3;
	s25 =	rddreg [dreg:$0x3]  }
0x13: {  	[tilespmem:s3], [sflag:$0x3] =	stream.linear.gather [hbm4b:s25+s3], $0x1000, $0x38;
	[tilespmem:$0x11000] =	vst v63  }
0x14: {  	_ =	swait.ge [sflag:s4], $0x1000  }
0x15: {  	[sflag:s4] =	ssyncset.done $0x0  }
0x16: {  	s5 =	simm.s32 $0x100;
	s6 =	simm.s32 $0x1000;
	[sflag:s4] =	ssyncadd.s32 $0xFFFFF000  }
0x17: {  	[tilespmem:s6], [sflag:$0x1] =	stream.indirect.gather [hbm4b:s2+s5], $0x80, s3, s5, $0xb8;
	[tilespmem:$0x11000] =	vst v63  }
0x18: {  	s7 =	simm.s32 $0x9000;
	s8 =	simm.s32 $0x1  }
0x19: {  	[tilespmem:s7], [sflag:$0x2] =	stream.indirect.gather [hbm4b:s2+s5], $0x80, s5, s5, $0xb8;
	[tilespmem:$0x11000] =	vst v63  }
0x1a: {  	_ =	swait.ge [sflag:s8], $0x8000  }
0x1b: {  	[sflag:s8] =	ssyncset.done $0x0  }
0x1c: {  	s9 =	rddreg [dreg:$0x4];
	[sflag:s8] =	ssyncadd.s32 $0xFFFF8000  }
0x1d: {  	[hbm4b:s9+s3] =	stream.linear.scatter [tilespmem:s6], [sflag:$0x3], $0x8000, $0x38;
	[tilespmem:$0x11000] =	vst v63  }
0x1e: {  	_ =	swait.ge [sflag:s4], $0x8000  }
0x1f: {  	[sflag:s4] =	ssyncset.done $0x0  }
0x20: {  	s10 =	simm.s32 $0x2;
	s9 =	simm.s32 $0x200;
	[sflag:s4] =	ssyncadd.s32 $0xFFFF8000  }
0x21: {  	[tilespmem:s6], [sflag:$0x1] =	stream.indirect.gather [hbm4b:s2+s5], $0x80, s9, s5, $0xb8;
	[tilespmem:$0x11000] =	vst v63  }
0x22: {  	_ =	swait.ge [sflag:s10], $0x8000  }
0x23: {  	[sflag:s10] =	ssyncset.done $0x0  }
0x24: {  	s11 =	rddreg [dreg:$0x7];
	[sflag:s10] =	ssyncadd.s32 $0xFFFF8000  }
0x25: {  	[hbm4b:s11+s3] =	stream.linear.scatter [tilespmem:s7], [sflag:$0x3], $0x8000, $0x38;
	[tilespmem:$0x11000] =	vst v63  }
0x26: {  	_ =	swait.ge [sflag:s4], $0x8000  }
0x27: {  	[sflag:s4] =	ssyncset.done $0x0  }
0x28: {  	s11 =	simm.s32 $0x300;
	[sflag:s4] =	ssyncadd.s32 $0xFFFF8000  }
0x29: {  	[tilespmem:s7], [sflag:$0x2] =	stream.indirect.gather [hbm4b:s2+s5], $0x80, s11, s5, $0xb8;
	[tilespmem:$0x11000] =	vst v63  }
0x2a: {  	_ =	swait.ge [sflag:s8], $0x8000  }
0x2b: {  	[sflag:s8] =	ssyncset.done $0x0  }
0x2c: {  	s12 =	rddreg [dreg:$0x8];
	[sflag:s8] =	ssyncadd.s32 $0xFFFF8000  }
0x2d: {  	[hbm4b:s12+s3] =	stream.linear.scatter [tilespmem:s6], [sflag:$0x3], $0x8000, $0x38;
	[tilespmem:$0x11000] =	vst v63  }
0x2e: {  	_ =	swait.ge [sflag:s4], $0x8000  }
0x2f: {  	[sflag:s4] =	ssyncset.done $0x0  }
0x30: {  	s12 =	simm.s32 $0x400;
	[sflag:s4] =	ssyncadd.s32 $0xFFFF8000  }
0x31: {  	[tilespmem:s6], [sflag:$0x1] =	stream.indirect.gather [hbm4b:s2+s5], $0x80, s12, s5, $0xb8;
	[tilespmem:$0x11000] =	vst v63  }
0x32: {  	_ =	swait.ge [sflag:s10], $0x8000  }
0x33: {  	[sflag:s10] =	ssyncset.done $0x0  }
0x34: {  	s13 =	rddreg [dreg:$0x9];
	[sflag:s10] =	ssyncadd.s32 $0xFFFF8000  }
0x35: {  	[hbm4b:s13+s3] =	stream.linear.scatter [tilespmem:s7], [sflag:$0x3], $0x8000, $0x38;
	[tilespmem:$0x11000] =	vst v63  }
0x36: {  	_ =	swait.ge [sflag:s4], $0x8000  }
0x37: {  	[sflag:s4] =	ssyncset.done $0x0  }
0x38: {  	s13 =	simm.s32 $0x500;
	[sflag:s4] =	ssyncadd.s32 $0xFFFF8000  }
0x39: {  	[tilespmem:s7], [sflag:$0x2] =	stream.indirect.gather [hbm4b:s2+s5], $0x80, s13, s5, $0xb8;
	[tilespmem:$0x11000] =	vst v63  }
0x3a: {  	_ =	swait.ge [sflag:s8], $0x8000  }
0x3b: {  	[sflag:s8] =	ssyncset.done $0x0  }
0x3c: {  	s14 =	rddreg [dreg:$0xa];
	[sflag:s8] =	ssyncadd.s32 $0xFFFF8000  }
0x3d: {  	[hbm4b:s14+s3] =	stream.linear.scatter [tilespmem:s6], [sflag:$0x3], $0x8000, $0x38;
	[tilespmem:$0x11000] =	vst v63  }
0x3e: {  	_ =	swait.ge [sflag:s4], $0x8000  }
0x3f: {  	[sflag:s4] =	ssyncset.done $0x0  }
0x40: {  	s14 =	simm.s32 $0x600;
	[sflag:s4] =	ssyncadd.s32 $0xFFFF8000  }
0x41: {  	[tilespmem:s6], [sflag:$0x1] =	stream.indirect.gather [hbm4b:s2+s5], $0x80, s14, s5, $0xb8;
	[tilespmem:$0x11000] =	vst v63  }
0x42: {  	_ =	swait.ge [sflag:s10], $0x8000  }
0x43: {  	[sflag:s10] =	ssyncset.done $0x0  }
0x44: {  	s15 =	rddreg [dreg:$0xb];
	[sflag:s10] =	ssyncadd.s32 $0xFFFF8000  }
0x45: {  	[hbm4b:s15+s3] =	stream.linear.scatter [tilespmem:s7], [sflag:$0x3], $0x8000, $0x38;
	[tilespmem:$0x11000] =	vst v63  }
0x46: {  	_ =	swait.ge [sflag:s4], $0x8000  }
0x47: {  	[sflag:s4] =	ssyncset.done $0x0  }
0x48: {  	s15 =	simm.s32 $0x700;
	[sflag:s4] =	ssyncadd.s32 $0xFFFF8000  }
0x49: {  	[tilespmem:s7], [sflag:$0x2] =	stream.indirect.gather [hbm4b:s2+s5], $0x80, s15, s5, $0xb8;
	[tilespmem:$0x11000] =	vst v63  }
0x4a: {  	_ =	swait.ge [sflag:s8], $0x8000  }
0x4b: {  	[sflag:s8] =	ssyncset.done $0x0  }
0x4c: {  	s16 =	rddreg [dreg:$0xc];
	[sflag:s8] =	ssyncadd.s32 $0xFFFF8000  }
0x4d: {  	[hbm4b:s16+s3] =	stream.linear.scatter [tilespmem:s6], [sflag:$0x3], $0x8000, $0x38;
	[tilespmem:$0x11000] =	vst v63  }
0x4e: {  	_ =	swait.ge [sflag:s4], $0x8000  }
0x4f: {  	[sflag:s4] =	ssyncset.done $0x0  }
0x50: {  	s16 =	simm.s32 $0x800;
	[sflag:s4] =	ssyncadd.s32 $0xFFFF8000  }
0x51: {  	[tilespmem:s6], [sflag:$0x1] =	stream.indirect.gather [hbm4b:s2+s5], $0x80, s16, s5, $0xb8;
	[tilespmem:$0x11000] =	vst v63  }
0x52: {  	_ =	swait.ge [sflag:s10], $0x8000  }
0x53: {  	[sflag:s10] =	ssyncset.done $0x0  }
0x54: {  	s17 =	sadd.s32 $0x2B000, s30;
	[sflag:s10] =	ssyncadd.s32 $0xFFFF8000  }
0x55: {  	[hbm4b:s17+s3] =	stream.linear.scatter [tilespmem:s7], [sflag:$0x3], $0x8000, $0x38;
	[tilespmem:$0x11000] =	vst v63  }
0x56: {  	_ =	swait.ge [sflag:s4], $0x8000  }
0x57: {  	[sflag:s4] =	ssyncset.done $0x0  }
0x58: {  	s18 =	simm.s32 $0x900;
	[sflag:s4] =	ssyncadd.s32 $0xFFFF8000  }
0x59: {  	[tilespmem:s7], [sflag:$0x2] =	stream.indirect.gather [hbm4b:s2+s5], $0x80, s18, s5, $0xb8;
	[tilespmem:$0x11000] =	vst v63  }
0x5a: {  	_ =	swait.ge [sflag:s8], $0x8000  }
0x5b: {  	[sflag:s8] =	ssyncset.done $0x0  }
0x5c: {  	s19 =	sadd.s32 $0x2C000, s30;
	[sflag:s8] =	ssyncadd.s32 $0xFFFF8000  }
0x5d: {  	[hbm4b:s19+s3] =	stream.linear.scatter [tilespmem:s6], [sflag:$0x3], $0x8000, $0x38;
	[tilespmem:$0x11000] =	vst v63  }
0x5e: {  	_ =	swait.ge [sflag:s4], $0x8000  }
0x5f: {  	[sflag:s4] =	ssyncset.done $0x0  }
0x60: {  	s20 =	simm.s32 $0xA00;
	[sflag:s4] =	ssyncadd.s32 $0xFFFF8000  }
0x61: {  	[tilespmem:s6], [sflag:$0x1] =	stream.indirect.gather [hbm4b:s2+s5], $0x80, s20, s5, $0xb8;
	[tilespmem:$0x11000] =	vst v63  }
0x62: {  	_ =	swait.ge [sflag:s10], $0x8000  }
0x63: {  	[sflag:s10] =	ssyncset.done $0x0  }
0x64: {  	s21 =	sadd.s32 $0x2D000, s30;
	[sflag:s10] =	ssyncadd.s32 $0xFFFF8000  }
0x65: {  	[hbm4b:s21+s3] =	stream.linear.scatter [tilespmem:s7], [sflag:$0x3], $0x8000, $0x38;
	[tilespmem:$0x11000] =	vst v63  }
0x66: {  	_ =	swait.ge [sflag:s4], $0x8000  }
0x67: {  	[sflag:s4] =	ssyncset.done $0x0  }
0x68: {  	s22 =	simm.s32 $0xB00;
	[sflag:s4] =	ssyncadd.s32 $0xFFFF8000  }
0x69: {  	[tilespmem:s7], [sflag:$0x2] =	stream.indirect.gather [hbm4b:s2+s5], $0x80, s22, s5, $0xb8;
	[tilespmem:$0x11000] =	vst v63  }
0x6a: {  	_ =	swait.ge [sflag:s8], $0x8000  }
0x6b: {  	[sflag:s8] =	ssyncset.done $0x0  }
0x6c: {  	s23 =	sadd.s32 $0x2E000, s30;
	[sflag:s8] =	ssyncadd.s32 $0xFFFF8000  }
0x6d: {  	[hbm4b:s23+s3] =	stream.linear.scatter [tilespmem:s6], [sflag:$0x3], $0x8000, $0x38;
	[tilespmem:$0x11000] =	vst v63  }
0x6e: {  	_ =	swait.ge [sflag:s4], $0x8000  }
0x6f: {  	[sflag:s4] =	ssyncset.done $0x0  }
0x70: {  	s24 =	simm.s32 $0xC00;
	[sflag:s4] =	ssyncadd.s32 $0xFFFF8000  }
0x71: {  	[tilespmem:s6], [sflag:$0x1] =	stream.indirect.gather [hbm4b:s2+s5], $0x80, s24, s5, $0xb8;
	[tilespmem:$0x11000] =	vst v63  }
0x72: {  	_ =	swait.ge [sflag:s10], $0x8000  }
0x73: {  	[sflag:s10] =	ssyncset.done $0x0  }
0x74: {  	s25 =	sadd.s32 $0x2F000, s30;
	[sflag:s10] =	ssyncadd.s32 $0xFFFF8000  }
0x75: {  	[hbm4b:s25+s3] =	stream.linear.scatter [tilespmem:s7], [sflag:$0x3], $0x8000, $0x38;
	[tilespmem:$0x11000] =	vst v63  }
0x76: {  	_ =	swait.ge [sflag:s4], $0x8000  }
0x77: {  	[sflag:s4] =	ssyncset.done $0x0  }
0x78: {  	s26 =	simm.s32 $0xD00;
	[sflag:s4] =	ssyncadd.s32 $0xFFFF8000  }
0x79: {  	[tilespmem:s7], [sflag:$0x2] =	stream.indirect.gather [hbm4b:s2+s5], $0x80, s26, s5, $0xb8;
	[tilespmem:$0x11000] =	vst v63  }
0x7a: {  	_ =	swait.ge [sflag:s8], $0x8000  }
0x7b: {  	[sflag:s8] =	ssyncset.done $0x0  }
0x7c: {  	s28 =	sadd.s32 $0x30000, s30;
	[sflag:s8] =	ssyncadd.s32 $0xFFFF8000  }
0x7d: {  	[hbm4b:s28+s3] =	stream.linear.scatter [tilespmem:s6], [sflag:$0x3], $0x8000, $0x38;
	[tilespmem:$0x11000] =	vst v63  }
0x7e: {  	_ =	swait.ge [sflag:s4], $0x8000  }
0x7f: {  	[sflag:s4] =	ssyncset.done $0x0  }
0x80: {  	s29 =	simm.s32 $0xE00;
	[sflag:s4] =	ssyncadd.s32 $0xFFFF8000  }
0x81: {  	[tilespmem:s6], [sflag:$0x1] =	stream.indirect.gather [hbm4b:s2+s5], $0x80, s29, s5, $0xb8;
	[tilespmem:$0x11000] =	vst v63  }
0x82: {  	_ =	swait.ge [sflag:s10], $0x8000  }
0x83: {  	[sflag:s10] =	ssyncset.done $0x0  }
0x84: {  	s30 =	sadd.s32 $0x31000, s30;
	[sflag:s10] =	ssyncadd.s32 $0xFFFF8000  }
0x85: {  	[hbm4b:s30+s3] =	stream.linear.scatter [tilespmem:s7], [sflag:$0x3], $0x8000, $0x38;
	[tilespmem:$0x11000] =	vst v63  }
0x86: {  	_ =	swait.ge [sflag:s4], $0x8000  }
0x87: {  	[sflag:s4] =	ssyncset.done $0x0  }
0x88: {  	s31 =	simm.s32 $0xF00;
	[sflag:s4] =	ssyncadd.s32 $0xFFFF8000  }
0x89: {  	[tilespmem:s7], [sflag:$0x2] =	stream.indirect.gather [hbm4b:s2+s5], $0x80, s31, s5, $0xb8;
	[tilespmem:$0x11000] =	vst v63  }
0x8a: {  	_ =	swait.ge [sflag:s8], $0x8000  }
0x8b: {  	[sflag:s8] =	ssyncset.done $0x0  }
0x8c: {  	s0 =	rddreg [dreg:$0x5];
	[sflag:s8] =	ssyncadd.s32 $0xFFFF8000  }
0x8d: {  	[hbm4b:s0+s3] =	stream.linear.scatter [tilespmem:s6], [sflag:$0x3], $0x8000, $0x38;
	[tilespmem:$0x11000] =	vst v63  }
0x8e: {  	_ =	swait.ge [sflag:s4], $0x8000  }
0x8f: {  	[sflag:s4] =	ssyncset.done $0x0  }
0x90: {  	[sflag:s4] =	ssyncadd.s32 $0xFFFF8000  }
0x91: {  	_ =	swait.ge [sflag:s10], $0x8000  }
0x92: {  	s0 =	ssub.s32 $0x2, s1;
	s1 =	rddreg [dreg:$0x6]  }
0x93: {  	[dreg:$0xd] =	wrdreg s1;
	s1 =	sshrl.u32 s0, $0x1  }
0x94: {  	s0 =	ssub.s32 s0, s1  }
0x95: {  	s0 =	smax.u32 s0, $0x1  }
0x96: {  	p0 =	sne.s32 s0, $0x1  }
.Ltmp0:
0x97: {  	_ = 	snop;
	(pc) =	sbr.rel @!p0 .LBB2_2-.Ltmp0, $4  }
0x98: {  	[sflag:s10] =	ssyncset.done $0x0  }
0x99: {  	[sflag:s10] =	ssyncadd.s32 $0xFFFF8000;
	s1 =	rddreg [dreg:$0xd]  }
0x9a: {  	[hbm4b:s1+s3] =	stream.linear.scatter [tilespmem:s7], [sflag:$0x3], $0x8000, $0x38;
	[tilespmem:$0x11000] =	vst v63  }
0x9b: {  	s1 =	sadd.s32 $0xFFFFFFFF, s0;
	_ =	swait.ge [sflag:s4], $0x8000  }
.LBB2_1:
0x9c: {  	[sflag:s4] =	ssyncset.done $0x0  }
0x9d: {  	s0 =	rddreg [dreg:$0x3];
	[sflag:s4] =	ssyncadd.s32 $0xFFFF8000  }
0x9e: {  	[tilespmem:s3], [sflag:$0x3] =	stream.linear.gather [hbm4b:s0+s3], $0x1000, $0x38;
	[tilespmem:$0x11000] =	vst v63  }
0x9f: {  	_ =	swait.ge [sflag:s4], $0x1000  }
0xa0: {  	[sflag:s4] =	ssyncset.done $0x0  }
0xa1: {  	[sflag:s4] =	ssyncadd.s32 $0xFFFFF000  }
0xa2: {  	[tilespmem:s6], [sflag:$0x1] =	stream.indirect.gather [hbm4b:s2+s5], $0x80, s3, s5, $0xb8;
	[tilespmem:$0x11000] =	vst v63  }
0xa3: {  	_ = 	snop  }
0xa4: {  	[tilespmem:s7], [sflag:$0x2] =	stream.indirect.gather [hbm4b:s2+s5], $0x80, s5, s5, $0xb8;
	[tilespmem:$0x11000] =	vst v63  }
0xa5: {  	_ =	swait.ge [sflag:s8], $0x8000  }
0xa6: {  	[sflag:s8] =	ssyncset.done $0x0  }
0xa7: {  	s0 =	rddreg [dreg:$0x4];
	[sflag:s8] =	ssyncadd.s32 $0xFFFF8000  }
0xa8: {  	[hbm4b:s0+s3] =	stream.linear.scatter [tilespmem:s6], [sflag:$0x3], $0x8000, $0x38;
	[tilespmem:$0x11000] =	vst v63  }
0xa9: {  	_ =	swait.ge [sflag:s4], $0x8000  }
0xaa: {  	[sflag:s4] =	ssyncset.done $0x0  }
0xab: {  	[sflag:s4] =	ssyncadd.s32 $0xFFFF8000  }
0xac: {  	[tilespmem:s6], [sflag:$0x1] =	stream.indirect.gather [hbm4b:s2+s5], $0x80, s9, s5, $0xb8;
	[tilespmem:$0x11000] =	vst v63  }
0xad: {  	_ =	swait.ge [sflag:s10], $0x8000  }
0xae: {  	[sflag:s10] =	ssyncset.done $0x0  }
0xaf: {  	s0 =	rddreg [dreg:$0x7];
	[sflag:s10] =	ssyncadd.s32 $0xFFFF8000  }
0xb0: {  	[hbm4b:s0+s3] =	stream.linear.scatter [tilespmem:s7], [sflag:$0x3], $0x8000, $0x38;
	[tilespmem:$0x11000] =	vst v63  }
0xb1: {  	_ =	swait.ge [sflag:s4], $0x8000  }
0xb2: {  	[sflag:s4] =	ssyncset.done $0x0  }
0xb3: {  	[sflag:s4] =	ssyncadd.s32 $0xFFFF8000  }
0xb4: {  	[tilespmem:s7], [sflag:$0x2] =	stream.indirect.gather [hbm4b:s2+s5], $0x80, s11, s5, $0xb8;
	[tilespmem:$0x11000] =	vst v63  }
0xb5: {  	_ =	swait.ge [sflag:s8], $0x8000  }
0xb6: {  	[sflag:s8] =	ssyncset.done $0x0  }
0xb7: {  	s0 =	rddreg [dreg:$0x8];
	[sflag:s8] =	ssyncadd.s32 $0xFFFF8000  }
0xb8: {  	[hbm4b:s0+s3] =	stream.linear.scatter [tilespmem:s6], [sflag:$0x3], $0x8000, $0x38;
	[tilespmem:$0x11000] =	vst v63  }
0xb9: {  	_ =	swait.ge [sflag:s4], $0x8000  }
0xba: {  	[sflag:s4] =	ssyncset.done $0x0  }
0xbb: {  	[sflag:s4] =	ssyncadd.s32 $0xFFFF8000  }
0xbc: {  	[tilespmem:s6], [sflag:$0x1] =	stream.indirect.gather [hbm4b:s2+s5], $0x80, s12, s5, $0xb8;
	[tilespmem:$0x11000] =	vst v63  }
0xbd: {  	_ =	swait.ge [sflag:s10], $0x8000  }
0xbe: {  	[sflag:s10] =	ssyncset.done $0x0  }
0xbf: {  	s0 =	rddreg [dreg:$0x9];
	[sflag:s10] =	ssyncadd.s32 $0xFFFF8000  }
0xc0: {  	[hbm4b:s0+s3] =	stream.linear.scatter [tilespmem:s7], [sflag:$0x3], $0x8000, $0x38;
	[tilespmem:$0x11000] =	vst v63  }
0xc1: {  	_ =	swait.ge [sflag:s4], $0x8000  }
0xc2: {  	[sflag:s4] =	ssyncset.done $0x0  }
0xc3: {  	[sflag:s4] =	ssyncadd.s32 $0xFFFF8000  }
0xc4: {  	[tilespmem:s7], [sflag:$0x2] =	stream.indirect.gather [hbm4b:s2+s5], $0x80, s13, s5, $0xb8;
	[tilespmem:$0x11000] =	vst v63  }
0xc5: {  	_ =	swait.ge [sflag:s8], $0x8000  }
0xc6: {  	[sflag:s8] =	ssyncset.done $0x0  }
0xc7: {  	s0 =	rddreg [dreg:$0xa];
	[sflag:s8] =	ssyncadd.s32 $0xFFFF8000  }
0xc8: {  	[hbm4b:s0+s3] =	stream.linear.scatter [tilespmem:s6], [sflag:$0x3], $0x8000, $0x38;
	[tilespmem:$0x11000] =	vst v63  }
0xc9: {  	_ =	swait.ge [sflag:s4], $0x8000  }
0xca: {  	[sflag:s4] =	ssyncset.done $0x0  }
0xcb: {  	[sflag:s4] =	ssyncadd.s32 $0xFFFF8000  }
0xcc: {  	[tilespmem:s6], [sflag:$0x1] =	stream.indirect.gather [hbm4b:s2+s5], $0x80, s14, s5, $0xb8;
	[tilespmem:$0x11000] =	vst v63  }
0xcd: {  	_ =	swait.ge [sflag:s10], $0x8000  }
0xce: {  	[sflag:s10] =	ssyncset.done $0x0  }
0xcf: {  	s0 =	rddreg [dreg:$0xb];
	[sflag:s10] =	ssyncadd.s32 $0xFFFF8000  }
0xd0: {  	[hbm4b:s0+s3] =	stream.linear.scatter [tilespmem:s7], [sflag:$0x3], $0x8000, $0x38;
	[tilespmem:$0x11000] =	vst v63  }
0xd1: {  	_ =	swait.ge [sflag:s4], $0x8000  }
0xd2: {  	[sflag:s4] =	ssyncset.done $0x0  }
0xd3: {  	[sflag:s4] =	ssyncadd.s32 $0xFFFF8000  }
0xd4: {  	[tilespmem:s7], [sflag:$0x2] =	stream.indirect.gather [hbm4b:s2+s5], $0x80, s15, s5, $0xb8;
	[tilespmem:$0x11000] =	vst v63  }
0xd5: {  	_ =	swait.ge [sflag:s8], $0x8000  }
0xd6: {  	[sflag:s8] =	ssyncset.done $0x0  }
0xd7: {  	s0 =	rddreg [dreg:$0xc];
	[sflag:s8] =	ssyncadd.s32 $0xFFFF8000  }
0xd8: {  	[hbm4b:s0+s3] =	stream.linear.scatter [tilespmem:s6], [sflag:$0x3], $0x8000, $0x38;
	[tilespmem:$0x11000] =	vst v63  }
0xd9: {  	_ =	swait.ge [sflag:s4], $0x8000  }
0xda: {  	[sflag:s4] =	ssyncset.done $0x0  }
0xdb: {  	[sflag:s4] =	ssyncadd.s32 $0xFFFF8000  }
0xdc: {  	[tilespmem:s6], [sflag:$0x1] =	stream.indirect.gather [hbm4b:s2+s5], $0x80, s16, s5, $0xb8;
	[tilespmem:$0x11000] =	vst v63  }
0xdd: {  	_ =	swait.ge [sflag:s10], $0x8000  }
0xde: {  	[sflag:s10] =	ssyncset.done $0x0  }
0xdf: {  	[sflag:s10] =	ssyncadd.s32 $0xFFFF8000  }
0xe0: {  	[hbm4b:s17+s3] =	stream.linear.scatter [tilespmem:s7], [sflag:$0x3], $0x8000, $0x38;
	[tilespmem:$0x11000] =	vst v63  }
0xe1: {  	_ =	swait.ge [sflag:s4], $0x8000  }
0xe2: {  	[sflag:s4] =	ssyncset.done $0x0  }
0xe3: {  	[sflag:s4] =	ssyncadd.s32 $0xFFFF8000  }
0xe4: {  	[tilespmem:s7], [sflag:$0x2] =	stream.indirect.gather [hbm4b:s2+s5], $0x80, s18, s5, $0xb8;
	[tilespmem:$0x11000] =	vst v63  }
0xe5: {  	_ =	swait.ge [sflag:s8], $0x8000  }
0xe6: {  	[sflag:s8] =	ssyncset.done $0x0  }
0xe7: {  	[sflag:s8] =	ssyncadd.s32 $0xFFFF8000  }
0xe8: {  	[hbm4b:s19+s3] =	stream.linear.scatter [tilespmem:s6], [sflag:$0x3], $0x8000, $0x38;
	[tilespmem:$0x11000] =	vst v63  }
0xe9: {  	_ =	swait.ge [sflag:s4], $0x8000  }
0xea: {  	[sflag:s4] =	ssyncset.done $0x0  }
0xeb: {  	[sflag:s4] =	ssyncadd.s32 $0xFFFF8000  }
0xec: {  	[tilespmem:s6], [sflag:$0x1] =	stream.indirect.gather [hbm4b:s2+s5], $0x80, s20, s5, $0xb8;
	[tilespmem:$0x11000] =	vst v63  }
0xed: {  	_ =	swait.ge [sflag:s10], $0x8000  }
0xee: {  	[sflag:s10] =	ssyncset.done $0x0  }
0xef: {  	[sflag:s10] =	ssyncadd.s32 $0xFFFF8000  }
0xf0: {  	[hbm4b:s21+s3] =	stream.linear.scatter [tilespmem:s7], [sflag:$0x3], $0x8000, $0x38;
	[tilespmem:$0x11000] =	vst v63  }
0xf1: {  	_ =	swait.ge [sflag:s4], $0x8000  }
0xf2: {  	[sflag:s4] =	ssyncset.done $0x0  }
0xf3: {  	[sflag:s4] =	ssyncadd.s32 $0xFFFF8000  }
0xf4: {  	[tilespmem:s7], [sflag:$0x2] =	stream.indirect.gather [hbm4b:s2+s5], $0x80, s22, s5, $0xb8;
	[tilespmem:$0x11000] =	vst v63  }
0xf5: {  	_ =	swait.ge [sflag:s8], $0x8000  }
0xf6: {  	[sflag:s8] =	ssyncset.done $0x0  }
0xf7: {  	[sflag:s8] =	ssyncadd.s32 $0xFFFF8000  }
0xf8: {  	[hbm4b:s23+s3] =	stream.linear.scatter [tilespmem:s6], [sflag:$0x3], $0x8000, $0x38;
	[tilespmem:$0x11000] =	vst v63  }
0xf9: {  	_ =	swait.ge [sflag:s4], $0x8000  }
0xfa: {  	[sflag:s4] =	ssyncset.done $0x0  }
0xfb: {  	[sflag:s4] =	ssyncadd.s32 $0xFFFF8000  }
0xfc: {  	[tilespmem:s6], [sflag:$0x1] =	stream.indirect.gather [hbm4b:s2+s5], $0x80, s24, s5, $0xb8;
	[tilespmem:$0x11000] =	vst v63  }
0xfd: {  	_ =	swait.ge [sflag:s10], $0x8000  }
0xfe: {  	[sflag:s10] =	ssyncset.done $0x0  }
0xff: {  	[sflag:s10] =	ssyncadd.s32 $0xFFFF8000  }
0x100: {  	[hbm4b:s25+s3] =	stream.linear.scatter [tilespmem:s7], [sflag:$0x3], $0x8000, $0x38;
	[tilespmem:$0x11000] =	vst v63  }
0x101: {  	_ =	swait.ge [sflag:s4], $0x8000  }
0x102: {  	[sflag:s4] =	ssyncset.done $0x0  }
0x103: {  	[sflag:s4] =	ssyncadd.s32 $0xFFFF8000  }
0x104: {  	[tilespmem:s7], [sflag:$0x2] =	stream.indirect.gather [hbm4b:s2+s5], $0x80, s26, s5, $0xb8;
	[tilespmem:$0x11000] =	vst v63  }
0x105: {  	_ =	swait.ge [sflag:s8], $0x8000  }
0x106: {  	[sflag:s8] =	ssyncset.done $0x0  }
0x107: {  	[sflag:s8] =	ssyncadd.s32 $0xFFFF8000  }
0x108: {  	[hbm4b:s28+s3] =	stream.linear.scatter [tilespmem:s6], [sflag:$0x3], $0x8000, $0x38;
	[tilespmem:$0x11000] =	vst v63  }
0x109: {  	_ =	swait.ge [sflag:s4], $0x8000  }
0x10a: {  	[sflag:s4] =	ssyncset.done $0x0  }
0x10b: {  	[sflag:s4] =	ssyncadd.s32 $0xFFFF8000  }
0x10c: {  	[tilespmem:s6], [sflag:$0x1] =	stream.indirect.gather [hbm4b:s2+s5], $0x80, s29, s5, $0xb8;
	[tilespmem:$0x11000] =	vst v63  }
0x10d: {  	_ =	swait.ge [sflag:s10], $0x8000  }
0x10e: {  	[sflag:s10] =	ssyncset.done $0x0  }
0x10f: {  	[sflag:s10] =	ssyncadd.s32 $0xFFFF8000  }
0x110: {  	[hbm4b:s30+s3] =	stream.linear.scatter [tilespmem:s7], [sflag:$0x3], $0x8000, $0x38;
	[tilespmem:$0x11000] =	vst v63  }
0x111: {  	_ =	swait.ge [sflag:s4], $0x8000  }
0x112: {  	[sflag:s4] =	ssyncset.done $0x0  }
0x113: {  	[sflag:s4] =	ssyncadd.s32 $0xFFFF8000  }
0x114: {  	[tilespmem:s7], [sflag:$0x2] =	stream.indirect.gather [hbm4b:s2+s5], $0x80, s31, s5, $0xb8;
	[tilespmem:$0x11000] =	vst v63  }
0x115: {  	_ =	swait.ge [sflag:s8], $0x8000  }
0x116: {  	[sflag:s8] =	ssyncset.done $0x0  }
0x117: {  	s0 =	rddreg [dreg:$0x5];
	[sflag:s8] =	ssyncadd.s32 $0xFFFF8000  }
0x118: {  	[hbm4b:s0+s3] =	stream.linear.scatter [tilespmem:s6], [sflag:$0x3], $0x8000, $0x38;
	[tilespmem:$0x11000] =	vst v63  }
0x119: {  	_ =	swait.ge [sflag:s4], $0x8000  }
0x11a: {  	[sflag:s4] =	ssyncset.done $0x0  }
0x11b: {  	p0 =	sne.s32 s1, $0x1;
	[sflag:s4] =	ssyncadd.s32 $0xFFFF8000  }
.Ltmp1:
0x11c: {  	_ =	swait.ge [sflag:s10], $0x8000;
	(pc) =	sbr.rel @p0 .LBB2_1-.Ltmp1, $4  }
0x11d: {  	[sflag:s10] =	ssyncset.done $0x0  }
0x11e: {  	s0 =	rddreg [dreg:$0x6];
	[sflag:s10] =	ssyncadd.s32 $0xFFFF8000  }
0x11f: {  	[hbm4b:s0+s3] =	stream.linear.scatter [tilespmem:s7], [sflag:$0x3], $0x8000, $0x38;
	[tilespmem:$0x11000] =	vst v63  }
0x120: {  	s1 =	sadd.s32 $0xFFFFFFFF, s1;
	_ =	swait.ge [sflag:s4], $0x8000  }
.LBB2_2:
0x121: {  	[sflag:s4] =	ssyncset.done $0x0  }
0x122: {  	[sflag:s4] =	ssyncadd.s32 $0xFFFF8000  }
0x123: {  	_ =	sfence.sel $0x180000  }
0x124: {  	[bflag:$0x0] =	sbarrier.arrive $0xFFFF  }
0x125: {  	_ =	strace $0x90000047  }
0x126: {  	s0 =	stileid.u32;
	[bflag:$0x2] =	sbarrier.arrive $0xFFFF  }
0x127: {  	p0 =	sne.s32 s0, $0x0;
	s0 =	rddreg [dreg:$0x2]  }
0x128: {  	s0 =	sadd.s32 @!p0 $0x100000, s0  }
0x129: {  	[sflag:s0] =	ssyncadd.tile.s32 @!p0 $0x1;
	_ =	shalt  }
.Lfunc_end2:
_tile_overlayer_lowered:
.L_overlay_start_2:
0x12a: {  	(tag) =	ssettag $0x2  }
0x12b: {  	s0 =	rddreg [dreg:$0x0];
	s2 =	stileid.u32  }
0x12c: {  	s1 =	rddreg [dreg:$0x1];
	p0 =	sne.s32 s2, $0x0  }
0x12d: {  	s3 =	rddreg [dreg:$0x2];
	[bflag:$0x3] =	sbarrier.arrive $0xFFFF;
	s2 =	simm.s32 @!p0 $0x1C03  }
0x12e: {  	[timem:s3], [sflag:s2] =	dma.local @!p0 [hbm:s0], s1  }
0x12f: {  	s0 =	simm.s32 @!p0 $0x3  }
0x130: {  	_ =	swait.ge @!p0 [sflag:s0], s1  }
0x131: {  	s1 =	ssub.s32 @!p0 $0x0, s1;
	[sflag:s0] =	ssyncset.done @!p0 $0x0  }
0x132: {  	[sflag:s0] =	ssyncadd.s32 @!p0 s1  }
0x133: {  	[bflag:$0x3] =	sbarrier.arrive $0xFFFF  }
0x134: {  	_ =	shalt  }

// kernel: kernel.16.cloned.1.call-start
scs
__scs_entry_jumppad:
0x0: {  	(pc) =	sbr.rel $0x88, $3  }
0x1: {  	(tag) =	ssettag $0x0;
	lr =	simm.s32 $0x1  }
0x2: {  	[smem:$0x3F8F] =	sst lr;
	_ =	strace $0xD0000000  }
0x3: {  	_ = 	snop  }
0x4: {  	_ = 	snop  }
0x5: {  	_ = 	snop  }
0x6: {  	_ = 	snop  }
0x7: {  	_ = 	snop  }
__scs_overlays_trampoline_lowered:
0x8: {  	[smem:$0x3F9E] =	sst s0  }
0x9: {  	[smem:$0x3F9F] =	sst s1  }
0xa: {  	[smem:$0x3FA0] =	sst s2  }
0xb: {  	[smem:$0x3FA1] =	sst s3  }
0xc: {  	[smem:$0x3FA2] =	sst s4  }
0xd: {  	[smem:$0x3FA3] =	sst s5  }
0xe: {  	[smem:$0x3FA4] =	sst s6  }
0xf: {  	[smem:$0x3FA5] =	sst s7  }
0x10: {  	[smem:$0x3FA6] =	sst s8  }
0x11: {  	[smem:$0x3FA7] =	sst s9;
	s0 =	simm.s32 @!p0 $0x0  }
0x12: {  	s1 =	sld [smem:$0x3F8D];
	s0 =	simm.s32 @p0 $0x1  }
0x13: {  	[smem:$0x3FA8] =	sst s0;
	s0 =	simm.s32 @!p1 $0x0  }
0x14: {  	s2 =	sld [smem:$0x3F8C];
	s0 =	simm.s32 @p1 $0x1  }
0x15: {  	[smem:$0x3FA9] =	sst s0;
	s0 =	simm.s32 @!p2 $0x0  }
0x16: {  	s3 =	sld [smem:$0x3FDB];
	s0 =	simm.s32 @p2 $0x1  }
0x17: {  	s4 =	simm.s32 $0x1BF5;
	[smem:$0x3FAB] =	sst s0  }
0x18: {  	s0 =	sld [smem:$0x3F8E];
	_ =	swait.ge [sflag:s4], $0x0  }
0x19: {  	s7 =	sld [smem:$0x3F8F]  }
0x1a: {  	s8 =	sadd.s32 $0xFFFFE003, lr  }
0x1b: {  	s9 =	sadd.s32 $0xFFFFFEF7, lr;
	s5 =	simm.s32 $0xFFFFFFFF;
	p2 =	slt.u32 s8, $0xFFFFF086  }
0x1c: {  	p1 =	slt.u32 s9, $0xF7A;
	s5 =	simm.s32 @!p2 $0x0  }
0x1d: {  	s5 =	simm.s32 @p1 $0x1;
	p0 =	seq.s32 s7, s2  }
0x1e: {  	s7 =	smul.u32 @!p0 $0xF7A, s2;
	p2 =	seq.s32 @!p0 s5, $0x0  }
0x1f: {  	s9 =	smul.u32 $0xF7A, s1;
	s8 =	simm.s32 @!p0 $0x1BF5;
	p2 =	por !p2, p0  }
0x20: {  	[sflag:s8] =	ssyncset.s32 @!p0 $0xFFFFF086;
	s6 =	sadd.s32 @!p0 s3, s7;
	s7 =	simm.s32 @!p0 $0x108  }
0x21: {  	s3 =	sadd.s32 s3, s9;
	s6 =	sadd.s32 @!p0 $0x88, s6;
	s7 =	simm.s32 @p2 $0x1082  }
0x22: {  	[simem:s7], [sflag:s8] =	dma.local @!p0 [hbm:s6], $0xF7A  }
0x23: {  	s9 =	sor.u32 $0xD0000000, s2;
	s6 =	simm.s32 $0x108;
	_ =	swait.ge @!p0 [sflag:s8], $0x0  }
0x24: {  	s3 =	sadd.s32 $0x88, s3;
	s6 =	simm.s32 @!p1 $0x1082;
	[sflag:s4] =	ssyncset.s32 $0xFFFFF086  }
0x25: {  	[simem:s6], [sflag:s4] =	dma.local [hbm:s3], $0xF7A  }
0x26: {  	[smem:$0x3F8F] =	sst s1;
	(tag) =	ssettag s2;
	_ =	strace s9  }
0x27: {  	s1 =	sld [smem:$0x3F9F]  }
0x28: {  	s2 =	sld [smem:$0x3FA0]  }
0x29: {  	s4 =	sld [smem:$0x3FA2]  }
0x2a: {  	p0 =	seq.s32 s5, $0x0;
	s5 =	sld [smem:$0x3FA3]  }
0x2b: {  	s6 =	sld [smem:$0x3FA4]  }
0x2c: {  	s7 =	sld [smem:$0x3FA5]  }
0x2d: {  	s3 =	simm.s32 $0x108;
	s8 =	sld [smem:$0x3FA6]  }
0x2e: {  	s3 =	simm.s32 @!p0 $0x1082;
	s9 =	sld [smem:$0x3FA7]  }
0x2f: {  	lr =	sadd.s32 s0, s3;
	s0 =	sld [smem:$0x3F9E]  }
0x30: {  	s3 =	sld [smem:$0x3FA1]  }
0x31: {  	[smem:$0x3FAA] =	sst s10  }
0x32: {  	s10 =	sld [smem:$0x3FA8];
	_ =	sdelay $0x3  }
0x33: {  	p0 =	seq.s32 s10, $0x1;
	s10 =	sld [smem:$0x3FAA];
	_ =	sdelay $0x3  }
0x34: {  	[smem:$0x3FAA] =	sst s10  }
0x35: {  	s10 =	sld [smem:$0x3FA9];
	_ =	sdelay $0x3  }
0x36: {  	p1 =	seq.s32 s10, $0x1;
	s10 =	sld [smem:$0x3FAA];
	_ =	sdelay $0x3  }
0x37: {  	[smem:$0x3FAA] =	sst s10  }
0x38: {  	s10 =	sld [smem:$0x3FAB]  }
0x39: {  	_ = 	snop;
	(pc) =	sbr.ind lr, $3  }
0x3a: {  	_ = 	snop  }
0x3b: {  	_ = 	snop  }
0x3c: {  	p2 =	seq.s32 s10, $0x1;
	s10 =	sld [smem:$0x3FAA]  }
0x3d: {  	_ =	shalt  }
0x3e: {  	_ =	shalt  }
0x3f: {  	_ =	shalt  }
0x40: {  	_ =	shalt  }
0x41: {  	_ =	shalt  }
0x42: {  	_ =	shalt  }
0x43: {  	_ =	shalt  }
0x44: {  	_ =	shalt  }
0x45: {  	_ =	shalt  }
0x46: {  	_ =	shalt  }
0x47: {  	_ =	shalt  }
0x48: {  	_ =	shalt  }
0x49: {  	_ =	shalt  }
0x4a: {  	_ =	shalt  }
0x4b: {  	_ =	shalt  }
0x4c: {  	_ =	shalt  }
0x4d: {  	_ =	shalt  }
0x4e: {  	_ =	shalt  }
0x4f: {  	_ =	shalt  }
0x50: {  	_ =	shalt  }
0x51: {  	_ =	shalt  }
0x52: {  	_ =	shalt  }
0x53: {  	_ =	shalt  }
0x54: {  	_ =	shalt  }
0x55: {  	_ =	shalt  }
0x56: {  	_ =	shalt  }
0x57: {  	_ =	shalt  }
0x58: {  	_ =	shalt  }
0x59: {  	_ =	shalt  }
0x5a: {  	_ =	shalt  }
0x5b: {  	_ =	shalt  }
0x5c: {  	_ =	shalt  }
0x5d: {  	_ =	shalt  }
0x5e: {  	_ =	shalt  }
0x5f: {  	_ =	shalt  }
0x60: {  	_ =	shalt  }
0x61: {  	_ =	shalt  }
0x62: {  	_ =	shalt  }
0x63: {  	_ =	shalt  }
0x64: {  	_ =	shalt  }
0x65: {  	_ =	shalt  }
0x66: {  	_ =	shalt  }
0x67: {  	_ =	shalt  }
0x68: {  	_ =	shalt  }
0x69: {  	_ =	shalt  }
0x6a: {  	_ =	shalt  }
0x6b: {  	_ =	shalt  }
0x6c: {  	_ =	shalt  }
0x6d: {  	_ =	shalt  }
0x6e: {  	_ =	shalt  }
0x6f: {  	_ =	shalt  }
0x70: {  	_ =	shalt  }
0x71: {  	_ =	shalt  }
0x72: {  	_ =	shalt  }
0x73: {  	_ =	shalt  }
0x74: {  	_ =	shalt  }
0x75: {  	_ =	shalt  }
0x76: {  	_ =	shalt  }
0x77: {  	_ =	shalt  }
0x78: {  	_ =	shalt  }
0x79: {  	_ =	shalt  }
0x7a: {  	_ =	shalt  }
0x7b: {  	_ =	shalt  }
0x7c: {  	_ =	shalt  }
0x7d: {  	_ =	shalt  }
0x7e: {  	_ =	shalt  }
0x7f: {  	_ =	shalt  }
0x80: {  	_ =	shalt  }
0x81: {  	_ =	shalt  }
0x82: {  	_ =	shalt  }
0x83: {  	_ =	shalt  }
0x84: {  	_ =	shalt  }
0x85: {  	_ =	shalt  }
0x86: {  	_ =	shalt  }
0x87: {  	_ =	shalt  }
.Lfunc_end0:
.L_simem_size_0:
called_computation.2_lowered:
.L_overlay_start_0:
0x88: {  	s2 =	sld [smem:$0x3FD9]  }
0x89: {  	s3 =	sld [smem:$0x3FFE];
	_ =	sdelay $0x1  }
0x8a: {  	s1 =	srdreg.scid  }
0x8b: {  	s0 =	sand.u32 $0x1, s1  }
0x8c: {  	s17 =	sshll.u32 s0, $0xA;
	s2 =	sadd.s32 s3, s2  }
0x8d: {  	s2 =	sadd.s32 s2, s17  }
0x8e: {  	[smem:$0x3FB6] =	sst s2  }
0x8f: {  	_ = 	snop  }
0x90: {  	s18 =	sld [smem:$0x3FC2];
	(tm) =	ssettm $0x1  }
0x91: {  	s19 =	sld [smem:$0x3FFB];
	_ =	sdelay $0x3  }
0x92: {  	_ =	strace s19  }
0x93: {  	s2 =	sld [smem:$0x3FFC];
	_ =	sdelay $0x3  }
0x94: {  	_ =	strace s2  }
0x95: {  	s2 =	sld [smem:$0x3FFD];
	_ =	sdelay $0x3  }
0x96: {  	_ =	strace s2  }
0x97: {  	_ =	strace $0x8FFFFFFF  }
0x98: {  	s20 =	sld [smem:$0x3FDB];
	_ =	sdelay $0x1  }
0x99: {  	s4 =	simm.s32 $_scs_section_size  }
0x9a: {  	s5 =	simm.s32 $_size__tile_overlayer_lowered;
	s6 =	simm.s32 $_tile_overlayer_lowered  }
0x9b: {  	s7 =	simm.s32 $0x1BFF;
	s21 =	sshll.u32 s6, $0x1;
	s4 =	sadd.s32 s4, s20  }
0x9c: {  	s22 =	simm.s32 $0x0;
	s5 =	sshll.u32 s5, $0x1;
	s6 =	sadd.s32 s21, s4  }
0x9d: {  	[timem:s22], [sflag:s7] =	dma.local [hbm:s6], s5  }
0x9e: {  	_ =	swait.ge [sflag:s7], s5  }
0x9f: {  	s5 =	ssub.s32 $0x0, s5;
	[sflag:s7] =	ssyncset.done $0x0  }
0xa0: {  	[sflag:s7] =	ssyncadd.s32 s5;
	_ =	sdelay $0x1  }
0xa1: {  	s23 =	simm.s32 $0x1B8B  }
0xa2: {  	_ =	swait.ge [sflag:s23], $0x1  }
0xa3: {  	[sflag:s23] =	ssyncset.done $0x0  }
0xa4: {  	[sflag:s23] =	ssyncadd.s32 $0xFFFFFFFF  }
0xa5: {  	s5 =	sld [smem:$0x0]  }
0xa6: {  	s6 =	sand.u32 $0xFFFFFFFE, s1  }
0xa7: {  	p0 =	sne.s32 s1, s6  }
0xa8: {  	s6 =	sshll.u32 @p0 s6, $0xE  }
0xa9: {  	s6 =	sadd.s32 @p0 $0x11B8D, s6;
	s7 =	sshll.u32 @p0 s5, $0x11  }
0xaa: {  	s6 =	sor.u32 @p0 s7, s6  }
0xab: {  	[sflag:s6] =	ssyncadd.remote.s32 @p0 $0x1;
	_ =	sdelay $0x1  }
0xac: {  	s6 =	simm.s32 @p0 $0x1B8D  }
0xad: {  	_ =	swait.eq @p0 [sflag:s6], $0x1  }
0xae: {  	[sflag:s6] =	ssyncadd.s32 @p0 $0xFFFFFFFF  }
0xaf: {  	s7 =	sshll.u32 @!p0 s1, $0xE  }
0xb0: {  	s7 =	sor.u32 @!p0 $0x4000, s7;
	s6 =	simm.s32 @!p0 $0x1B8D  }
0xb1: {  	s5 =	sshll.u32 @!p0 s5, $0x11;
	s7 =	sadd.s32 @!p0 $0x11B8D, s7;
	_ =	swait.eq @!p0 [sflag:s6], $0x1  }
0xb2: {  	s5 =	sor.u32 @!p0 s5, s7;
	[sflag:s6] =	ssyncadd.s32 @!p0 $0xFFFFFFFF  }
0xb3: {  	s25 =	simm.s32 $0x1B8E;
	s24 =	sld [smem:$0x3FFE];
	[sflag:s5] =	ssyncadd.remote.s32 @!p0 $0x1  }
0xb4: {  	s26 =	simm.s32 $execute0_lowered;
	[smem:$0x3FD2] =	sst s25  }
0xb5: {  	s6 =	sshll.u32 s26, $0x1;
	_ =	strace $0x80000049;
	[dreg:$0x1] =	wrdreg $0xFFFFFFFF  }
0xb6: {  	s28 =	simm.s32 $_size_execute0_lowered;
	s4 =	sadd.s32 s4, s6;
	[dreg:$0x0] =	wrdreg $0x0  }
0xb7: {  	s6 =	sshll.u32 s28, $0x1;
	[dreg:$0x2] =	wrdreg s4  }
0xb8: {  	[dreg:$0x3] =	wrdreg s6  }
0xb9: {  	[dreg:$0x4] =	wrdreg $0xC0  }
0xba: {  	_ =	task [dreg:s22], $0x5FFFF  }
0xbb: {  	[dreg:$0x1] =	wrdreg $0xFFFFFFFF  }
0xbc: {  	[dreg:$0x0] =	wrdreg $0x60  }
0xbd: {  	[dreg:$0x2] =	wrdreg s18  }
0xbe: {  	[dreg:$0x3] =	wrdreg s24  }
0xbf: {  	[dreg:$0x4] =	wrdreg $0xB  }
0xc0: {  	_ =	task.clear_ibuf [dreg:s22], $0x5FFFF;
	_ =	strace $0x90000049  }
0xc1: {  	s29 =	simm.s32 $0xB;
	_ =	strace $0x8000004B  }
0xc2: {  	_ =	swait.ge [sflag:s29], $0x1  }
0xc3: {  	[sflag:s29] =	ssyncadd.s32 $0xFFFFFFFF  }
0xc4: {  	_ =	strace $0x9000004B  }
0xc5: {  	_ =	sfence  }
0xc6: {  	s30 =	sld [smem:$0x0];
	_ =	sdelay $0x2  }
0xc7: {  	s31 =	sshll.u32 s1, $0xD;
	s1 =	sshrl.u32 s1, $0x2  }
0xc8: {  	s4 =	sand.u32 $0x4000, s31;
	s1 =	sadd.s32 s1, s30  }
0xc9: {  	s0 =	sor.u32 s4, s0;
	s1 =	sshll.u32 s1, $0x11  }
0xca: {  	s0 =	sor.u32 s1, s0  }
0xcb: {  	s0 =	sadd.s32 $0x8F2B, s0  }
0xcc: {  	[sflag:s0] =	ssyncadd.remote.s32 $0x1  }
0xcd: {  	_ =	sfence.sel $0xFFFF  }
0xce: {  	[dreg:$0x0] =	wrdreg $0xFFFFFFFF;
	(pc) =	sbr.abs _section_cstart, $3  }
0xcf: {  	[dreg:$0x1] =	wrdreg $0xFFFFFFFF  }
0xd0: {  	_ =	task.clear_ibuf [dreg:s22], $0x2FFFF;
	_ =	strace $0x9FFFFFFF  }
0xd1: {  	(tm) =	ssettm $0x7FFFFFFF  }
tec
execute0_lowered:
.L_overlay_start_1:
0x0: {  	(tag) =	ssettag $0x1  }
0x1: {  	s1 =	srdreg.scid  }
0x2: {  	s0 =	stileid.u32;
	s1 =	sand.u32 $0x1, s1  }
0x3: {  	s3 =	sshll.u32 s0, $0xD;
	s4 =	sshll.u32 s1, $0xC  }
0x4: {  	s2 =	rddreg [dreg:$0x0];
	s4 =	sor.u32 s4, s3  }
0x5: {  	s5 =	rddreg [dreg:$0x1];
	s6 =	sshrl.u32 s4, $0x3  }
0x6: {  	s3 =	simm.s32 $0x0;
	s4 =	sshll.u32 s4, $0x4;
	s6 =	sadd.s32 s6, s5  }
0x7: {  	[smem:$0x7FF] =	sst s3;
	s30 =	sadd.s32 s4, s5;
	s16 =	sadd.s32 $0x1C000, s6  }
0x8: {  	_ =	strace $0x8000004A;
	s17 =	sadd.s32 $0x224000, s30;
	[dreg:$0x3] =	wrdreg s16  }
0x9: {  	s18 =	sadd.s32 $0x232000, s30;
	[dreg:$0x4] =	wrdreg s17  }
0xa: {  	s19 =	sadd.s32 $0x233000, s30;
	[dreg:$0x5] =	wrdreg s18  }
0xb: {  	s20 =	sadd.s32 $0x225000, s30;
	[dreg:$0x6] =	wrdreg s19  }
0xc: {  	s21 =	sadd.s32 $0x226000, s30;
	[dreg:$0x7] =	wrdreg s20  }
0xd: {  	s22 =	sadd.s32 $0x227000, s30;
	[dreg:$0x8] =	wrdreg s21  }
0xe: {  	s23 =	sadd.s32 $0x228000, s30;
	[dreg:$0x9] =	wrdreg s22  }
0xf: {  	s24 =	sadd.s32 $0x229000, s30;
	[dreg:$0xa] =	wrdreg s23  }
0x10: {  	s26 =	sadd.s32 $0x22A000, s30;
	[dreg:$0xb] =	wrdreg s24  }
0x11: {  	[dreg:$0xc] =	wrdreg s26  }
0x12: {  	s4 =	simm.s32 $0x3;
	s25 =	rddreg [dreg:$0x3]  }
0x13: {  	[tilespmem:s3], [sflag:$0x3] =	stream.linear.gather [hbm4b:s25+s3], $0x1000, $0x38;
	[tilespmem:$0x11000] =	vst v63  }
0x14: {  	_ =	swait.ge [sflag:s4], $0x1000  }
0x15: {  	[sflag:s4] =	ssyncset.done $0x0  }
0x16: {  	s5 =	simm.s32 $0x100;
	s6 =	simm.s32 $0x1000;
	[sflag:s4] =	ssyncadd.s32 $0xFFFFF000  }
0x17: {  	[tilespmem:s6], [sflag:$0x1] =	stream.indirect.gather [hbm4b:s2+s5], $0x80, s3, s5, $0xb8;
	[tilespmem:$0x11000] =	vst v63  }
0x18: {  	s7 =	simm.s32 $0x9000;
	s8 =	simm.s32 $0x1  }
0x19: {  	[tilespmem:s7], [sflag:$0x2] =	stream.indirect.gather [hbm4b:s2+s5], $0x80, s5, s5, $0xb8;
	[tilespmem:$0x11000] =	vst v63  }
0x1a: {  	_ =	swait.ge [sflag:s8], $0x8000  }
0x1b: {  	[sflag:s8] =	ssyncset.done $0x0  }
0x1c: {  	s9 =	rddreg [dreg:$0x4];
	[sflag:s8] =	ssyncadd.s32 $0xFFFF8000  }
0x1d: {  	[hbm4b:s9+s3] =	stream.linear.scatter [tilespmem:s6], [sflag:$0x3], $0x8000, $0x38;
	[tilespmem:$0x11000] =	vst v63  }
0x1e: {  	_ =	swait.ge [sflag:s4], $0x8000  }
0x1f: {  	[sflag:s4] =	ssyncset.done $0x0  }
0x20: {  	s10 =	simm.s32 $0x2;
	s9 =	simm.s32 $0x200;
	[sflag:s4] =	ssyncadd.s32 $0xFFFF8000  }
0x21: {  	[tilespmem:s6], [sflag:$0x1] =	stream.indirect.gather [hbm4b:s2+s5], $0x80, s9, s5, $0xb8;
	[tilespmem:$0x11000] =	vst v63  }
0x22: {  	_ =	swait.ge [sflag:s10], $0x8000  }
0x23: {  	[sflag:s10] =	ssyncset.done $0x0  }
0x24: {  	s11 =	rddreg [dreg:$0x7];
	[sflag:s10] =	ssyncadd.s32 $0xFFFF8000  }
0x25: {  	[hbm4b:s11+s3] =	stream.linear.scatter [tilespmem:s7], [sflag:$0x3], $0x8000, $0x38;
	[tilespmem:$0x11000] =	vst v63  }
0x26: {  	_ =	swait.ge [sflag:s4], $0x8000  }
0x27: {  	[sflag:s4] =	ssyncset.done $0x0  }
0x28: {  	s11 =	simm.s32 $0x300;
	[sflag:s4] =	ssyncadd.s32 $0xFFFF8000  }
0x29: {  	[tilespmem:s7], [sflag:$0x2] =	stream.indirect.gather [hbm4b:s2+s5], $0x80, s11, s5, $0xb8;
	[tilespmem:$0x11000] =	vst v63  }
0x2a: {  	_ =	swait.ge [sflag:s8], $0x8000  }
0x2b: {  	[sflag:s8] =	ssyncset.done $0x0  }
0x2c: {  	s12 =	rddreg [dreg:$0x8];
	[sflag:s8] =	ssyncadd.s32 $0xFFFF8000  }
0x2d: {  	[hbm4b:s12+s3] =	stream.linear.scatter [tilespmem:s6], [sflag:$0x3], $0x8000, $0x38;
	[tilespmem:$0x11000] =	vst v63  }
0x2e: {  	_ =	swait.ge [sflag:s4], $0x8000  }
0x2f: {  	[sflag:s4] =	ssyncset.done $0x0  }
0x30: {  	s12 =	simm.s32 $0x400;
	[sflag:s4] =	ssyncadd.s32 $0xFFFF8000  }
0x31: {  	[tilespmem:s6], [sflag:$0x1] =	stream.indirect.gather [hbm4b:s2+s5], $0x80, s12, s5, $0xb8;
	[tilespmem:$0x11000] =	vst v63  }
0x32: {  	_ =	swait.ge [sflag:s10], $0x8000  }
0x33: {  	[sflag:s10] =	ssyncset.done $0x0  }
0x34: {  	s13 =	rddreg [dreg:$0x9];
	[sflag:s10] =	ssyncadd.s32 $0xFFFF8000  }
0x35: {  	[hbm4b:s13+s3] =	stream.linear.scatter [tilespmem:s7], [sflag:$0x3], $0x8000, $0x38;
	[tilespmem:$0x11000] =	vst v63  }
0x36: {  	_ =	swait.ge [sflag:s4], $0x8000  }
0x37: {  	[sflag:s4] =	ssyncset.done $0x0  }
0x38: {  	s13 =	simm.s32 $0x500;
	[sflag:s4] =	ssyncadd.s32 $0xFFFF8000  }
0x39: {  	[tilespmem:s7], [sflag:$0x2] =	stream.indirect.gather [hbm4b:s2+s5], $0x80, s13, s5, $0xb8;
	[tilespmem:$0x11000] =	vst v63  }
0x3a: {  	_ =	swait.ge [sflag:s8], $0x8000  }
0x3b: {  	[sflag:s8] =	ssyncset.done $0x0  }
0x3c: {  	s14 =	rddreg [dreg:$0xa];
	[sflag:s8] =	ssyncadd.s32 $0xFFFF8000  }
0x3d: {  	[hbm4b:s14+s3] =	stream.linear.scatter [tilespmem:s6], [sflag:$0x3], $0x8000, $0x38;
	[tilespmem:$0x11000] =	vst v63  }
0x3e: {  	_ =	swait.ge [sflag:s4], $0x8000  }
0x3f: {  	[sflag:s4] =	ssyncset.done $0x0  }
0x40: {  	s14 =	simm.s32 $0x600;
	[sflag:s4] =	ssyncadd.s32 $0xFFFF8000  }
0x41: {  	[tilespmem:s6], [sflag:$0x1] =	stream.indirect.gather [hbm4b:s2+s5], $0x80, s14, s5, $0xb8;
	[tilespmem:$0x11000] =	vst v63  }
0x42: {  	_ =	swait.ge [sflag:s10], $0x8000  }
0x43: {  	[sflag:s10] =	ssyncset.done $0x0  }
0x44: {  	s15 =	rddreg [dreg:$0xb];
	[sflag:s10] =	ssyncadd.s32 $0xFFFF8000  }
0x45: {  	[hbm4b:s15+s3] =	stream.linear.scatter [tilespmem:s7], [sflag:$0x3], $0x8000, $0x38;
	[tilespmem:$0x11000] =	vst v63  }
0x46: {  	_ =	swait.ge [sflag:s4], $0x8000  }
0x47: {  	[sflag:s4] =	ssyncset.done $0x0  }
0x48: {  	s15 =	simm.s32 $0x700;
	[sflag:s4] =	ssyncadd.s32 $0xFFFF8000  }
0x49: {  	[tilespmem:s7], [sflag:$0x2] =	stream.indirect.gather [hbm4b:s2+s5], $0x80, s15, s5, $0xb8;
	[tilespmem:$0x11000] =	vst v63  }
0x4a: {  	_ =	swait.ge [sflag:s8], $0x8000  }
0x4b: {  	[sflag:s8] =	ssyncset.done $0x0  }
0x4c: {  	s16 =	rddreg [dreg:$0xc];
	[sflag:s8] =	ssyncadd.s32 $0xFFFF8000  }
0x4d: {  	[hbm4b:s16+s3] =	stream.linear.scatter [tilespmem:s6], [sflag:$0x3], $0x8000, $0x38;
	[tilespmem:$0x11000] =	vst v63  }
0x4e: {  	_ =	swait.ge [sflag:s4], $0x8000  }
0x4f: {  	[sflag:s4] =	ssyncset.done $0x0  }
0x50: {  	s16 =	simm.s32 $0x800;
	[sflag:s4] =	ssyncadd.s32 $0xFFFF8000  }
0x51: {  	[tilespmem:s6], [sflag:$0x1] =	stream.indirect.gather [hbm4b:s2+s5], $0x80, s16, s5, $0xb8;
	[tilespmem:$0x11000] =	vst v63  }
0x52: {  	_ =	swait.ge [sflag:s10], $0x8000  }
0x53: {  	[sflag:s10] =	ssyncset.done $0x0  }
0x54: {  	s17 =	sadd.s32 $0x22B000, s30;
	[sflag:s10] =	ssyncadd.s32 $0xFFFF8000  }
0x55: {  	[hbm4b:s17+s3] =	stream.linear.scatter [tilespmem:s7], [sflag:$0x3], $0x8000, $0x38;
	[tilespmem:$0x11000] =	vst v63  }
0x56: {  	_ =	swait.ge [sflag:s4], $0x8000  }
0x57: {  	[sflag:s4] =	ssyncset.done $0x0  }
0x58: {  	s18 =	simm.s32 $0x900;
	[sflag:s4] =	ssyncadd.s32 $0xFFFF8000  }
0x59: {  	[tilespmem:s7], [sflag:$0x2] =	stream.indirect.gather [hbm4b:s2+s5], $0x80, s18, s5, $0xb8;
	[tilespmem:$0x11000] =	vst v63  }
0x5a: {  	_ =	swait.ge [sflag:s8], $0x8000  }
0x5b: {  	[sflag:s8] =	ssyncset.done $0x0  }
0x5c: {  	s19 =	sadd.s32 $0x22C000, s30;
	[sflag:s8] =	ssyncadd.s32 $0xFFFF8000  }
0x5d: {  	[hbm4b:s19+s3] =	stream.linear.scatter [tilespmem:s6], [sflag:$0x3], $0x8000, $0x38;
	[tilespmem:$0x11000] =	vst v63  }
0x5e: {  	_ =	swait.ge [sflag:s4], $0x8000  }
0x5f: {  	[sflag:s4] =	ssyncset.done $0x0  }
0x60: {  	s20 =	simm.s32 $0xA00;
	[sflag:s4] =	ssyncadd.s32 $0xFFFF8000  }
0x61: {  	[tilespmem:s6], [sflag:$0x1] =	stream.indirect.gather [hbm4b:s2+s5], $0x80, s20, s5, $0xb8;
	[tilespmem:$0x11000] =	vst v63  }
0x62: {  	_ =	swait.ge [sflag:s10], $0x8000  }
0x63: {  	[sflag:s10] =	ssyncset.done $0x0  }
0x64: {  	s21 =	sadd.s32 $0x22D000, s30;
	[sflag:s10] =	ssyncadd.s32 $0xFFFF8000  }
0x65: {  	[hbm4b:s21+s3] =	stream.linear.scatter [tilespmem:s7], [sflag:$0x3], $0x8000, $0x38;
	[tilespmem:$0x11000] =	vst v63  }
0x66: {  	_ =	swait.ge [sflag:s4], $0x8000  }
0x67: {  	[sflag:s4] =	ssyncset.done $0x0  }
0x68: {  	s22 =	simm.s32 $0xB00;
	[sflag:s4] =	ssyncadd.s32 $0xFFFF8000  }
0x69: {  	[tilespmem:s7], [sflag:$0x2] =	stream.indirect.gather [hbm4b:s2+s5], $0x80, s22, s5, $0xb8;
	[tilespmem:$0x11000] =	vst v63  }
0x6a: {  	_ =	swait.ge [sflag:s8], $0x8000  }
0x6b: {  	[sflag:s8] =	ssyncset.done $0x0  }
0x6c: {  	s23 =	sadd.s32 $0x22E000, s30;
	[sflag:s8] =	ssyncadd.s32 $0xFFFF8000  }
0x6d: {  	[hbm4b:s23+s3] =	stream.linear.scatter [tilespmem:s6], [sflag:$0x3], $0x8000, $0x38;
	[tilespmem:$0x11000] =	vst v63  }
0x6e: {  	_ =	swait.ge [sflag:s4], $0x8000  }
0x6f: {  	[sflag:s4] =	ssyncset.done $0x0  }
0x70: {  	s24 =	simm.s32 $0xC00;
	[sflag:s4] =	ssyncadd.s32 $0xFFFF8000  }
0x71: {  	[tilespmem:s6], [sflag:$0x1] =	stream.indirect.gather [hbm4b:s2+s5], $0x80, s24, s5, $0xb8;
	[tilespmem:$0x11000] =	vst v63  }
0x72: {  	_ =	swait.ge [sflag:s10], $0x8000  }
0x73: {  	[sflag:s10] =	ssyncset.done $0x0  }
0x74: {  	s25 =	sadd.s32 $0x22F000, s30;
	[sflag:s10] =	ssyncadd.s32 $0xFFFF8000  }
0x75: {  	[hbm4b:s25+s3] =	stream.linear.scatter [tilespmem:s7], [sflag:$0x3], $0x8000, $0x38;
	[tilespmem:$0x11000] =	vst v63  }
0x76: {  	_ =	swait.ge [sflag:s4], $0x8000  }
0x77: {  	[sflag:s4] =	ssyncset.done $0x0  }
0x78: {  	s26 =	simm.s32 $0xD00;
	[sflag:s4] =	ssyncadd.s32 $0xFFFF8000  }
0x79: {  	[tilespmem:s7], [sflag:$0x2] =	stream.indirect.gather [hbm4b:s2+s5], $0x80, s26, s5, $0xb8;
	[tilespmem:$0x11000] =	vst v63  }
0x7a: {  	_ =	swait.ge [sflag:s8], $0x8000  }
0x7b: {  	[sflag:s8] =	ssyncset.done $0x0  }
0x7c: {  	s28 =	sadd.s32 $0x230000, s30;
	[sflag:s8] =	ssyncadd.s32 $0xFFFF8000  }
0x7d: {  	[hbm4b:s28+s3] =	stream.linear.scatter [tilespmem:s6], [sflag:$0x3], $0x8000, $0x38;
	[tilespmem:$0x11000] =	vst v63  }
0x7e: {  	_ =	swait.ge [sflag:s4], $0x8000  }
0x7f: {  	[sflag:s4] =	ssyncset.done $0x0  }
0x80: {  	s29 =	simm.s32 $0xE00;
	[sflag:s4] =	ssyncadd.s32 $0xFFFF8000  }
0x81: {  	[tilespmem:s6], [sflag:$0x1] =	stream.indirect.gather [hbm4b:s2+s5], $0x80, s29, s5, $0xb8;
	[tilespmem:$0x11000] =	vst v63  }
0x82: {  	_ =	swait.ge [sflag:s10], $0x8000  }
0x83: {  	[sflag:s10] =	ssyncset.done $0x0  }
0x84: {  	s30 =	sadd.s32 $0x231000, s30;
	[sflag:s10] =	ssyncadd.s32 $0xFFFF8000  }
0x85: {  	[hbm4b:s30+s3] =	stream.linear.scatter [tilespmem:s7], [sflag:$0x3], $0x8000, $0x38;
	[tilespmem:$0x11000] =	vst v63  }
0x86: {  	_ =	swait.ge [sflag:s4], $0x8000  }
0x87: {  	[sflag:s4] =	ssyncset.done $0x0  }
0x88: {  	s31 =	simm.s32 $0xF00;
	[sflag:s4] =	ssyncadd.s32 $0xFFFF8000  }
0x89: {  	[tilespmem:s7], [sflag:$0x2] =	stream.indirect.gather [hbm4b:s2+s5], $0x80, s31, s5, $0xb8;
	[tilespmem:$0x11000] =	vst v63  }
0x8a: {  	_ =	swait.ge [sflag:s8], $0x8000  }
0x8b: {  	[sflag:s8] =	ssyncset.done $0x0  }
0x8c: {  	s0 =	rddreg [dreg:$0x5];
	[sflag:s8] =	ssyncadd.s32 $0xFFFF8000  }
0x8d: {  	[hbm4b:s0+s3] =	stream.linear.scatter [tilespmem:s6], [sflag:$0x3], $0x8000, $0x38;
	[tilespmem:$0x11000] =	vst v63  }
0x8e: {  	_ =	swait.ge [sflag:s4], $0x8000  }
0x8f: {  	[sflag:s4] =	ssyncset.done $0x0  }
0x90: {  	[sflag:s4] =	ssyncadd.s32 $0xFFFF8000  }
0x91: {  	_ =	swait.ge [sflag:s10], $0x8000  }
0x92: {  	s0 =	ssub.s32 $0x2, s1;
	s1 =	rddreg [dreg:$0x6]  }
0x93: {  	[dreg:$0xd] =	wrdreg s1;
	s1 =	sshrl.u32 s0, $0x1  }
0x94: {  	s0 =	ssub.s32 s0, s1  }
0x95: {  	s0 =	smax.u32 s0, $0x1  }
0x96: {  	p0 =	sne.s32 s0, $0x1  }
.Ltmp0:
0x97: {  	_ = 	snop;
	(pc) =	sbr.rel @!p0 .LBB2_2-.Ltmp0, $4  }
0x98: {  	[sflag:s10] =	ssyncset.done $0x0  }
0x99: {  	[sflag:s10] =	ssyncadd.s32 $0xFFFF8000;
	s1 =	rddreg [dreg:$0xd]  }
0x9a: {  	[hbm4b:s1+s3] =	stream.linear.scatter [tilespmem:s7], [sflag:$0x3], $0x8000, $0x38;
	[tilespmem:$0x11000] =	vst v63  }
0x9b: {  	s1 =	sadd.s32 $0xFFFFFFFF, s0;
	_ =	swait.ge [sflag:s4], $0x8000  }
.LBB2_1:
0x9c: {  	[sflag:s4] =	ssyncset.done $0x0  }
0x9d: {  	s0 =	rddreg [dreg:$0x3];
	[sflag:s4] =	ssyncadd.s32 $0xFFFF8000  }
0x9e: {  	[tilespmem:s3], [sflag:$0x3] =	stream.linear.gather [hbm4b:s0+s3], $0x1000, $0x38;
	[tilespmem:$0x11000] =	vst v63  }
0x9f: {  	_ =	swait.ge [sflag:s4], $0x1000  }
0xa0: {  	[sflag:s4] =	ssyncset.done $0x0  }
0xa1: {  	[sflag:s4] =	ssyncadd.s32 $0xFFFFF000  }
0xa2: {  	[tilespmem:s6], [sflag:$0x1] =	stream.indirect.gather [hbm4b:s2+s5], $0x80, s3, s5, $0xb8;
	[tilespmem:$0x11000] =	vst v63  }
0xa3: {  	_ = 	snop  }
0xa4: {  	[tilespmem:s7], [sflag:$0x2] =	stream.indirect.gather [hbm4b:s2+s5], $0x80, s5, s5, $0xb8;
	[tilespmem:$0x11000] =	vst v63  }
0xa5: {  	_ =	swait.ge [sflag:s8], $0x8000  }
0xa6: {  	[sflag:s8] =	ssyncset.done $0x0  }
0xa7: {  	s0 =	rddreg [dreg:$0x4];
	[sflag:s8] =	ssyncadd.s32 $0xFFFF8000  }
0xa8: {  	[hbm4b:s0+s3] =	stream.linear.scatter [tilespmem:s6], [sflag:$0x3], $0x8000, $0x38;
	[tilespmem:$0x11000] =	vst v63  }
0xa9: {  	_ =	swait.ge [sflag:s4], $0x8000  }
0xaa: {  	[sflag:s4] =	ssyncset.done $0x0  }
0xab: {  	[sflag:s4] =	ssyncadd.s32 $0xFFFF8000  }
0xac: {  	[tilespmem:s6], [sflag:$0x1] =	stream.indirect.gather [hbm4b:s2+s5], $0x80, s9, s5, $0xb8;
	[tilespmem:$0x11000] =	vst v63  }
0xad: {  	_ =	swait.ge [sflag:s10], $0x8000  }
0xae: {  	[sflag:s10] =	ssyncset.done $0x0  }
0xaf: {  	s0 =	rddreg [dreg:$0x7];
	[sflag:s10] =	ssyncadd.s32 $0xFFFF8000  }
0xb0: {  	[hbm4b:s0+s3] =	stream.linear.scatter [tilespmem:s7], [sflag:$0x3], $0x8000, $0x38;
	[tilespmem:$0x11000] =	vst v63  }
0xb1: {  	_ =	swait.ge [sflag:s4], $0x8000  }
0xb2: {  	[sflag:s4] =	ssyncset.done $0x0  }
0xb3: {  	[sflag:s4] =	ssyncadd.s32 $0xFFFF8000  }
0xb4: {  	[tilespmem:s7], [sflag:$0x2] =	stream.indirect.gather [hbm4b:s2+s5], $0x80, s11, s5, $0xb8;
	[tilespmem:$0x11000] =	vst v63  }
0xb5: {  	_ =	swait.ge [sflag:s8], $0x8000  }
0xb6: {  	[sflag:s8] =	ssyncset.done $0x0  }
0xb7: {  	s0 =	rddreg [dreg:$0x8];
	[sflag:s8] =	ssyncadd.s32 $0xFFFF8000  }
0xb8: {  	[hbm4b:s0+s3] =	stream.linear.scatter [tilespmem:s6], [sflag:$0x3], $0x8000, $0x38;
	[tilespmem:$0x11000] =	vst v63  }
0xb9: {  	_ =	swait.ge [sflag:s4], $0x8000  }
0xba: {  	[sflag:s4] =	ssyncset.done $0x0  }
0xbb: {  	[sflag:s4] =	ssyncadd.s32 $0xFFFF8000  }
0xbc: {  	[tilespmem:s6], [sflag:$0x1] =	stream.indirect.gather [hbm4b:s2+s5], $0x80, s12, s5, $0xb8;
	[tilespmem:$0x11000] =	vst v63  }
0xbd: {  	_ =	swait.ge [sflag:s10], $0x8000  }
0xbe: {  	[sflag:s10] =	ssyncset.done $0x0  }
0xbf: {  	s0 =	rddreg [dreg:$0x9];
	[sflag:s10] =	ssyncadd.s32 $0xFFFF8000  }
0xc0: {  	[hbm4b:s0+s3] =	stream.linear.scatter [tilespmem:s7], [sflag:$0x3], $0x8000, $0x38;
	[tilespmem:$0x11000] =	vst v63  }
0xc1: {  	_ =	swait.ge [sflag:s4], $0x8000  }
0xc2: {  	[sflag:s4] =	ssyncset.done $0x0  }
0xc3: {  	[sflag:s4] =	ssyncadd.s32 $0xFFFF8000  }
0xc4: {  	[tilespmem:s7], [sflag:$0x2] =	stream.indirect.gather [hbm4b:s2+s5], $0x80, s13, s5, $0xb8;
	[tilespmem:$0x11000] =	vst v63  }
0xc5: {  	_ =	swait.ge [sflag:s8], $0x8000  }
0xc6: {  	[sflag:s8] =	ssyncset.done $0x0  }
0xc7: {  	s0 =	rddreg [dreg:$0xa];
	[sflag:s8] =	ssyncadd.s32 $0xFFFF8000  }
0xc8: {  	[hbm4b:s0+s3] =	stream.linear.scatter [tilespmem:s6], [sflag:$0x3], $0x8000, $0x38;
	[tilespmem:$0x11000] =	vst v63  }
0xc9: {  	_ =	swait.ge [sflag:s4], $0x8000  }
0xca: {  	[sflag:s4] =	ssyncset.done $0x0  }
0xcb: {  	[sflag:s4] =	ssyncadd.s32 $0xFFFF8000  }
0xcc: {  	[tilespmem:s6], [sflag:$0x1] =	stream.indirect.gather [hbm4b:s2+s5], $0x80, s14, s5, $0xb8;
	[tilespmem:$0x11000] =	vst v63  }
0xcd: {  	_ =	swait.ge [sflag:s10], $0x8000  }
0xce: {  	[sflag:s10] =	ssyncset.done $0x0  }
0xcf: {  	s0 =	rddreg [dreg:$0xb];
	[sflag:s10] =	ssyncadd.s32 $0xFFFF8000  }
0xd0: {  	[hbm4b:s0+s3] =	stream.linear.scatter [tilespmem:s7], [sflag:$0x3], $0x8000, $0x38;
	[tilespmem:$0x11000] =	vst v63  }
0xd1: {  	_ =	swait.ge [sflag:s4], $0x8000  }
0xd2: {  	[sflag:s4] =	ssyncset.done $0x0  }
0xd3: {  	[sflag:s4] =	ssyncadd.s32 $0xFFFF8000  }
0xd4: {  	[tilespmem:s7], [sflag:$0x2] =	stream.indirect.gather [hbm4b:s2+s5], $0x80, s15, s5, $0xb8;
	[tilespmem:$0x11000] =	vst v63  }
0xd5: {  	_ =	swait.ge [sflag:s8], $0x8000  }
0xd6: {  	[sflag:s8] =	ssyncset.done $0x0  }
0xd7: {  	s0 =	rddreg [dreg:$0xc];
	[sflag:s8] =	ssyncadd.s32 $0xFFFF8000  }
0xd8: {  	[hbm4b:s0+s3] =	stream.linear.scatter [tilespmem:s6], [sflag:$0x3], $0x8000, $0x38;
	[tilespmem:$0x11000] =	vst v63  }
0xd9: {  	_ =	swait.ge [sflag:s4], $0x8000  }
0xda: {  	[sflag:s4] =	ssyncset.done $0x0  }
0xdb: {  	[sflag:s4] =	ssyncadd.s32 $0xFFFF8000  }
0xdc: {  	[tilespmem:s6], [sflag:$0x1] =	stream.indirect.gather [hbm4b:s2+s5], $0x80, s16, s5, $0xb8;
	[tilespmem:$0x11000] =	vst v63  }
0xdd: {  	_ =	swait.ge [sflag:s10], $0x8000  }
0xde: {  	[sflag:s10] =	ssyncset.done $0x0  }
0xdf: {  	[sflag:s10] =	ssyncadd.s32 $0xFFFF8000  }
0xe0: {  	[hbm4b:s17+s3] =	stream.linear.scatter [tilespmem:s7], [sflag:$0x3], $0x8000, $0x38;
	[tilespmem:$0x11000] =	vst v63  }
0xe1: {  	_ =	swait.ge [sflag:s4], $0x8000  }
0xe2: {  	[sflag:s4] =	ssyncset.done $0x0  }
0xe3: {  	[sflag:s4] =	ssyncadd.s32 $0xFFFF8000  }
0xe4: {  	[tilespmem:s7], [sflag:$0x2] =	stream.indirect.gather [hbm4b:s2+s5], $0x80, s18, s5, $0xb8;
	[tilespmem:$0x11000] =	vst v63  }
0xe5: {  	_ =	swait.ge [sflag:s8], $0x8000  }
0xe6: {  	[sflag:s8] =	ssyncset.done $0x0  }
0xe7: {  	[sflag:s8] =	ssyncadd.s32 $0xFFFF8000  }
0xe8: {  	[hbm4b:s19+s3] =	stream.linear.scatter [tilespmem:s6], [sflag:$0x3], $0x8000, $0x38;
	[tilespmem:$0x11000] =	vst v63  }
0xe9: {  	_ =	swait.ge [sflag:s4], $0x8000  }
0xea: {  	[sflag:s4] =	ssyncset.done $0x0  }
0xeb: {  	[sflag:s4] =	ssyncadd.s32 $0xFFFF8000  }
0xec: {  	[tilespmem:s6], [sflag:$0x1] =	stream.indirect.gather [hbm4b:s2+s5], $0x80, s20, s5, $0xb8;
	[tilespmem:$0x11000] =	vst v63  }
0xed: {  	_ =	swait.ge [sflag:s10], $0x8000  }
0xee: {  	[sflag:s10] =	ssyncset.done $0x0  }
0xef: {  	[sflag:s10] =	ssyncadd.s32 $0xFFFF8000  }
0xf0: {  	[hbm4b:s21+s3] =	stream.linear.scatter [tilespmem:s7], [sflag:$0x3], $0x8000, $0x38;
	[tilespmem:$0x11000] =	vst v63  }
0xf1: {  	_ =	swait.ge [sflag:s4], $0x8000  }
0xf2: {  	[sflag:s4] =	ssyncset.done $0x0  }
0xf3: {  	[sflag:s4] =	ssyncadd.s32 $0xFFFF8000  }
0xf4: {  	[tilespmem:s7], [sflag:$0x2] =	stream.indirect.gather [hbm4b:s2+s5], $0x80, s22, s5, $0xb8;
	[tilespmem:$0x11000] =	vst v63  }
0xf5: {  	_ =	swait.ge [sflag:s8], $0x8000  }
0xf6: {  	[sflag:s8] =	ssyncset.done $0x0  }
0xf7: {  	[sflag:s8] =	ssyncadd.s32 $0xFFFF8000  }
0xf8: {  	[hbm4b:s23+s3] =	stream.linear.scatter [tilespmem:s6], [sflag:$0x3], $0x8000, $0x38;
	[tilespmem:$0x11000] =	vst v63  }
0xf9: {  	_ =	swait.ge [sflag:s4], $0x8000  }
0xfa: {  	[sflag:s4] =	ssyncset.done $0x0  }
0xfb: {  	[sflag:s4] =	ssyncadd.s32 $0xFFFF8000  }
0xfc: {  	[tilespmem:s6], [sflag:$0x1] =	stream.indirect.gather [hbm4b:s2+s5], $0x80, s24, s5, $0xb8;
	[tilespmem:$0x11000] =	vst v63  }
0xfd: {  	_ =	swait.ge [sflag:s10], $0x8000  }
0xfe: {  	[sflag:s10] =	ssyncset.done $0x0  }
0xff: {  	[sflag:s10] =	ssyncadd.s32 $0xFFFF8000  }
0x100: {  	[hbm4b:s25+s3] =	stream.linear.scatter [tilespmem:s7], [sflag:$0x3], $0x8000, $0x38;
	[tilespmem:$0x11000] =	vst v63  }
0x101: {  	_ =	swait.ge [sflag:s4], $0x8000  }
0x102: {  	[sflag:s4] =	ssyncset.done $0x0  }
0x103: {  	[sflag:s4] =	ssyncadd.s32 $0xFFFF8000  }
0x104: {  	[tilespmem:s7], [sflag:$0x2] =	stream.indirect.gather [hbm4b:s2+s5], $0x80, s26, s5, $0xb8;
	[tilespmem:$0x11000] =	vst v63  }
0x105: {  	_ =	swait.ge [sflag:s8], $0x8000  }
0x106: {  	[sflag:s8] =	ssyncset.done $0x0  }
0x107: {  	[sflag:s8] =	ssyncadd.s32 $0xFFFF8000  }
0x108: {  	[hbm4b:s28+s3] =	stream.linear.scatter [tilespmem:s6], [sflag:$0x3], $0x8000, $0x38;
	[tilespmem:$0x11000] =	vst v63  }
0x109: {  	_ =	swait.ge [sflag:s4], $0x8000  }
0x10a: {  	[sflag:s4] =	ssyncset.done $0x0  }
0x10b: {  	[sflag:s4] =	ssyncadd.s32 $0xFFFF8000  }
0x10c: {  	[tilespmem:s6], [sflag:$0x1] =	stream.indirect.gather [hbm4b:s2+s5], $0x80, s29, s5, $0xb8;
	[tilespmem:$0x11000] =	vst v63  }
0x10d: {  	_ =	swait.ge [sflag:s10], $0x8000  }
0x10e: {  	[sflag:s10] =	ssyncset.done $0x0  }
0x10f: {  	[sflag:s10] =	ssyncadd.s32 $0xFFFF8000  }
0x110: {  	[hbm4b:s30+s3] =	stream.linear.scatter [tilespmem:s7], [sflag:$0x3], $0x8000, $0x38;
	[tilespmem:$0x11000] =	vst v63  }
0x111: {  	_ =	swait.ge [sflag:s4], $0x8000  }
0x112: {  	[sflag:s4] =	ssyncset.done $0x0  }
0x113: {  	[sflag:s4] =	ssyncadd.s32 $0xFFFF8000  }
0x114: {  	[tilespmem:s7], [sflag:$0x2] =	stream.indirect.gather [hbm4b:s2+s5], $0x80, s31, s5, $0xb8;
	[tilespmem:$0x11000] =	vst v63  }
0x115: {  	_ =	swait.ge [sflag:s8], $0x8000  }
0x116: {  	[sflag:s8] =	ssyncset.done $0x0  }
0x117: {  	s0 =	rddreg [dreg:$0x5];
	[sflag:s8] =	ssyncadd.s32 $0xFFFF8000  }
0x118: {  	[hbm4b:s0+s3] =	stream.linear.scatter [tilespmem:s6], [sflag:$0x3], $0x8000, $0x38;
	[tilespmem:$0x11000] =	vst v63  }
0x119: {  	_ =	swait.ge [sflag:s4], $0x8000  }
0x11a: {  	[sflag:s4] =	ssyncset.done $0x0  }
0x11b: {  	p0 =	sne.s32 s1, $0x1;
	[sflag:s4] =	ssyncadd.s32 $0xFFFF8000  }
.Ltmp1:
0x11c: {  	_ =	swait.ge [sflag:s10], $0x8000;
	(pc) =	sbr.rel @p0 .LBB2_1-.Ltmp1, $4  }
0x11d: {  	[sflag:s10] =	ssyncset.done $0x0  }
0x11e: {  	s0 =	rddreg [dreg:$0x6];
	[sflag:s10] =	ssyncadd.s32 $0xFFFF8000  }
0x11f: {  	[hbm4b:s0+s3] =	stream.linear.scatter [tilespmem:s7], [sflag:$0x3], $0x8000, $0x38;
	[tilespmem:$0x11000] =	vst v63  }
0x120: {  	s1 =	sadd.s32 $0xFFFFFFFF, s1;
	_ =	swait.ge [sflag:s4], $0x8000  }
.LBB2_2:
0x121: {  	[sflag:s4] =	ssyncset.done $0x0  }
0x122: {  	[sflag:s4] =	ssyncadd.s32 $0xFFFF8000  }
0x123: {  	_ =	sfence.sel $0x180000  }
0x124: {  	[bflag:$0x0] =	sbarrier.arrive $0xFFFF  }
0x125: {  	_ =	strace $0x9000004A  }
0x126: {  	s0 =	stileid.u32;
	[bflag:$0x2] =	sbarrier.arrive $0xFFFF  }
0x127: {  	p0 =	sne.s32 s0, $0x0;
	s0 =	rddreg [dreg:$0x2]  }
0x128: {  	s0 =	sadd.s32 @!p0 $0x100000, s0  }
0x129: {  	[sflag:s0] =	ssyncadd.tile.s32 @!p0 $0x1;
	_ =	shalt  }
.Lfunc_end2:
_tile_overlayer_lowered:
.L_overlay_start_2:
0x12a: {  	(tag) =	ssettag $0x2  }
0x12b: {  	s0 =	rddreg [dreg:$0x0];
	s2 =	stileid.u32  }
0x12c: {  	s1 =	rddreg [dreg:$0x1];
	p0 =	sne.s32 s2, $0x0  }
0x12d: {  	s3 =	rddreg [dreg:$0x2];
	[bflag:$0x3] =	sbarrier.arrive $0xFFFF;
	s2 =	simm.s32 @!p0 $0x1C03  }
0x12e: {  	[timem:s3], [sflag:s2] =	dma.local @!p0 [hbm:s0], s1  }
0x12f: {  	s0 =	simm.s32 @!p0 $0x3  }
0x130: {  	_ =	swait.ge @!p0 [sflag:s0], s1  }
0x131: {  	s1 =	ssub.s32 @!p0 $0x0, s1;
	[sflag:s0] =	ssyncset.done @!p0 $0x0  }
0x132: {  	[sflag:s0] =	ssyncadd.s32 @!p0 s1  }
0x133: {  	[bflag:$0x3] =	sbarrier.arrive $0xFFFF  }
0x134: {  	_ =	shalt  }

// kernel: kernel.19.cloned.1.call-start
scs
__scs_entry_jumppad:
0x0: {  	(pc) =	sbr.rel $0x88, $3  }
0x1: {  	(tag) =	ssettag $0x0;
	lr =	simm.s32 $0x1  }
0x2: {  	[smem:$0x3F8F] =	sst lr;
	_ =	strace $0xD0000000  }
0x3: {  	_ = 	snop  }
0x4: {  	_ = 	snop  }
0x5: {  	_ = 	snop  }
0x6: {  	_ = 	snop  }
0x7: {  	_ = 	snop  }
__scs_overlays_trampoline_lowered:
0x8: {  	[smem:$0x3F9E] =	sst s0  }
0x9: {  	[smem:$0x3F9F] =	sst s1  }
0xa: {  	[smem:$0x3FA0] =	sst s2  }
0xb: {  	[smem:$0x3FA1] =	sst s3  }
0xc: {  	[smem:$0x3FA2] =	sst s4  }
0xd: {  	[smem:$0x3FA3] =	sst s5  }
0xe: {  	[smem:$0x3FA4] =	sst s6  }
0xf: {  	[smem:$0x3FA5] =	sst s7  }
0x10: {  	[smem:$0x3FA6] =	sst s8  }
0x11: {  	[smem:$0x3FA7] =	sst s9;
	s0 =	simm.s32 @!p0 $0x0  }
0x12: {  	s1 =	sld [smem:$0x3F8D];
	s0 =	simm.s32 @p0 $0x1  }
0x13: {  	[smem:$0x3FA8] =	sst s0;
	s0 =	simm.s32 @!p1 $0x0  }
0x14: {  	s2 =	sld [smem:$0x3F8C];
	s0 =	simm.s32 @p1 $0x1  }
0x15: {  	[smem:$0x3FA9] =	sst s0;
	s0 =	simm.s32 @!p2 $0x0  }
0x16: {  	s3 =	sld [smem:$0x3FDB];
	s0 =	simm.s32 @p2 $0x1  }
0x17: {  	s4 =	simm.s32 $0x1BF5;
	[smem:$0x3FAB] =	sst s0  }
0x18: {  	s0 =	sld [smem:$0x3F8E];
	_ =	swait.ge [sflag:s4], $0x0  }
0x19: {  	s7 =	sld [smem:$0x3F8F]  }
0x1a: {  	s8 =	sadd.s32 $0xFFFFE003, lr  }
0x1b: {  	s9 =	sadd.s32 $0xFFFFFEF7, lr;
	s5 =	simm.s32 $0xFFFFFFFF;
	p2 =	slt.u32 s8, $0xFFFFF086  }
0x1c: {  	p1 =	slt.u32 s9, $0xF7A;
	s5 =	simm.s32 @!p2 $0x0  }
0x1d: {  	s5 =	simm.s32 @p1 $0x1;
	p0 =	seq.s32 s7, s2  }
0x1e: {  	s7 =	smul.u32 @!p0 $0xF7A, s2;
	p2 =	seq.s32 @!p0 s5, $0x0  }
0x1f: {  	s9 =	smul.u32 $0xF7A, s1;
	s8 =	simm.s32 @!p0 $0x1BF5;
	p2 =	por !p2, p0  }
0x20: {  	[sflag:s8] =	ssyncset.s32 @!p0 $0xFFFFF086;
	s6 =	sadd.s32 @!p0 s3, s7;
	s7 =	simm.s32 @!p0 $0x108  }
0x21: {  	s3 =	sadd.s32 s3, s9;
	s6 =	sadd.s32 @!p0 $0x88, s6;
	s7 =	simm.s32 @p2 $0x1082  }
0x22: {  	[simem:s7], [sflag:s8] =	dma.local @!p0 [hbm:s6], $0xF7A  }
0x23: {  	s9 =	sor.u32 $0xD0000000, s2;
	s6 =	simm.s32 $0x108;
	_ =	swait.ge @!p0 [sflag:s8], $0x0  }
0x24: {  	s3 =	sadd.s32 $0x88, s3;
	s6 =	simm.s32 @!p1 $0x1082;
	[sflag:s4] =	ssyncset.s32 $0xFFFFF086  }
0x25: {  	[simem:s6], [sflag:s4] =	dma.local [hbm:s3], $0xF7A  }
0x26: {  	[smem:$0x3F8F] =	sst s1;
	(tag) =	ssettag s2;
	_ =	strace s9  }
0x27: {  	s1 =	sld [smem:$0x3F9F]  }
0x28: {  	s2 =	sld [smem:$0x3FA0]  }
0x29: {  	s4 =	sld [smem:$0x3FA2]  }
0x2a: {  	p0 =	seq.s32 s5, $0x0;
	s5 =	sld [smem:$0x3FA3]  }
0x2b: {  	s6 =	sld [smem:$0x3FA4]  }
0x2c: {  	s7 =	sld [smem:$0x3FA5]  }
0x2d: {  	s3 =	simm.s32 $0x108;
	s8 =	sld [smem:$0x3FA6]  }
0x2e: {  	s3 =	simm.s32 @!p0 $0x1082;
	s9 =	sld [smem:$0x3FA7]  }
0x2f: {  	lr =	sadd.s32 s0, s3;
	s0 =	sld [smem:$0x3F9E]  }
0x30: {  	s3 =	sld [smem:$0x3FA1]  }
0x31: {  	[smem:$0x3FAA] =	sst s10  }
0x32: {  	s10 =	sld [smem:$0x3FA8];
	_ =	sdelay $0x3  }
0x33: {  	p0 =	seq.s32 s10, $0x1;
	s10 =	sld [smem:$0x3FAA];
	_ =	sdelay $0x3  }
0x34: {  	[smem:$0x3FAA] =	sst s10  }
0x35: {  	s10 =	sld [smem:$0x3FA9];
	_ =	sdelay $0x3  }
0x36: {  	p1 =	seq.s32 s10, $0x1;
	s10 =	sld [smem:$0x3FAA];
	_ =	sdelay $0x3  }
0x37: {  	[smem:$0x3FAA] =	sst s10  }
0x38: {  	s10 =	sld [smem:$0x3FAB]  }
0x39: {  	_ = 	snop;
	(pc) =	sbr.ind lr, $3  }
0x3a: {  	_ = 	snop  }
0x3b: {  	_ = 	snop  }
0x3c: {  	p2 =	seq.s32 s10, $0x1;
	s10 =	sld [smem:$0x3FAA]  }
0x3d: {  	_ =	shalt  }
0x3e: {  	_ =	shalt  }
0x3f: {  	_ =	shalt  }
0x40: {  	_ =	shalt  }
0x41: {  	_ =	shalt  }
0x42: {  	_ =	shalt  }
0x43: {  	_ =	shalt  }
0x44: {  	_ =	shalt  }
0x45: {  	_ =	shalt  }
0x46: {  	_ =	shalt  }
0x47: {  	_ =	shalt  }
0x48: {  	_ =	shalt  }
0x49: {  	_ =	shalt  }
0x4a: {  	_ =	shalt  }
0x4b: {  	_ =	shalt  }
0x4c: {  	_ =	shalt  }
0x4d: {  	_ =	shalt  }
0x4e: {  	_ =	shalt  }
0x4f: {  	_ =	shalt  }
0x50: {  	_ =	shalt  }
0x51: {  	_ =	shalt  }
0x52: {  	_ =	shalt  }
0x53: {  	_ =	shalt  }
0x54: {  	_ =	shalt  }
0x55: {  	_ =	shalt  }
0x56: {  	_ =	shalt  }
0x57: {  	_ =	shalt  }
0x58: {  	_ =	shalt  }
0x59: {  	_ =	shalt  }
0x5a: {  	_ =	shalt  }
0x5b: {  	_ =	shalt  }
0x5c: {  	_ =	shalt  }
0x5d: {  	_ =	shalt  }
0x5e: {  	_ =	shalt  }
0x5f: {  	_ =	shalt  }
0x60: {  	_ =	shalt  }
0x61: {  	_ =	shalt  }
0x62: {  	_ =	shalt  }
0x63: {  	_ =	shalt  }
0x64: {  	_ =	shalt  }
0x65: {  	_ =	shalt  }
0x66: {  	_ =	shalt  }
0x67: {  	_ =	shalt  }
0x68: {  	_ =	shalt  }
0x69: {  	_ =	shalt  }
0x6a: {  	_ =	shalt  }
0x6b: {  	_ =	shalt  }
0x6c: {  	_ =	shalt  }
0x6d: {  	_ =	shalt  }
0x6e: {  	_ =	shalt  }
0x6f: {  	_ =	shalt  }
0x70: {  	_ =	shalt  }
0x71: {  	_ =	shalt  }
0x72: {  	_ =	shalt  }
0x73: {  	_ =	shalt  }
0x74: {  	_ =	shalt  }
0x75: {  	_ =	shalt  }
0x76: {  	_ =	shalt  }
0x77: {  	_ =	shalt  }
0x78: {  	_ =	shalt  }
0x79: {  	_ =	shalt  }
0x7a: {  	_ =	shalt  }
0x7b: {  	_ =	shalt  }
0x7c: {  	_ =	shalt  }
0x7d: {  	_ =	shalt  }
0x7e: {  	_ =	shalt  }
0x7f: {  	_ =	shalt  }
0x80: {  	_ =	shalt  }
0x81: {  	_ =	shalt  }
0x82: {  	_ =	shalt  }
0x83: {  	_ =	shalt  }
0x84: {  	_ =	shalt  }
0x85: {  	_ =	shalt  }
0x86: {  	_ =	shalt  }
0x87: {  	_ =	shalt  }
.Lfunc_end0:
.L_simem_size_0:
called_computation.3_lowered:
.L_overlay_start_0:
0x88: {  	s2 =	sld [smem:$0x3FD9]  }
0x89: {  	s3 =	sld [smem:$0x3FFE];
	_ =	sdelay $0x1  }
0x8a: {  	s1 =	srdreg.scid  }
0x8b: {  	s0 =	sand.u32 $0x1, s1  }
0x8c: {  	s17 =	sshll.u32 s0, $0xA;
	s2 =	sadd.s32 s3, s2  }
0x8d: {  	s2 =	sadd.s32 s2, s17  }
0x8e: {  	[smem:$0x3FB6] =	sst s2  }
0x8f: {  	_ = 	snop  }
0x90: {  	s18 =	sld [smem:$0x3FC2];
	(tm) =	ssettm $0x1  }
0x91: {  	s19 =	sld [smem:$0x3FFB];
	_ =	sdelay $0x3  }
0x92: {  	_ =	strace s19  }
0x93: {  	s2 =	sld [smem:$0x3FFC];
	_ =	sdelay $0x3  }
0x94: {  	_ =	strace s2  }
0x95: {  	s2 =	sld [smem:$0x3FFD];
	_ =	sdelay $0x3  }
0x96: {  	_ =	strace s2  }
0x97: {  	_ =	strace $0x8FFFFFFF  }
0x98: {  	s20 =	sld [smem:$0x3FDB];
	_ =	sdelay $0x1  }
0x99: {  	s4 =	simm.s32 $_scs_section_size  }
0x9a: {  	s5 =	simm.s32 $_size__tile_overlayer_lowered;
	s6 =	simm.s32 $_tile_overlayer_lowered  }
0x9b: {  	s7 =	simm.s32 $0x1BFF;
	s21 =	sshll.u32 s6, $0x1;
	s4 =	sadd.s32 s4, s20  }
0x9c: {  	s22 =	simm.s32 $0x0;
	s5 =	sshll.u32 s5, $0x1;
	s6 =	sadd.s32 s21, s4  }
0x9d: {  	[timem:s22], [sflag:s7] =	dma.local [hbm:s6], s5  }
0x9e: {  	_ =	swait.ge [sflag:s7], s5  }
0x9f: {  	s5 =	ssub.s32 $0x0, s5;
	[sflag:s7] =	ssyncset.done $0x0  }
0xa0: {  	[sflag:s7] =	ssyncadd.s32 s5;
	_ =	sdelay $0x1  }
0xa1: {  	s23 =	simm.s32 $0x1B8B  }
0xa2: {  	_ =	swait.ge [sflag:s23], $0x1  }
0xa3: {  	[sflag:s23] =	ssyncset.done $0x0  }
0xa4: {  	[sflag:s23] =	ssyncadd.s32 $0xFFFFFFFF  }
0xa5: {  	s5 =	sld [smem:$0x0]  }
0xa6: {  	s6 =	sand.u32 $0xFFFFFFFE, s1  }
0xa7: {  	p0 =	sne.s32 s1, s6  }
0xa8: {  	s6 =	sshll.u32 @p0 s6, $0xE  }
0xa9: {  	s6 =	sadd.s32 @p0 $0x11B8D, s6;
	s7 =	sshll.u32 @p0 s5, $0x11  }
0xaa: {  	s6 =	sor.u32 @p0 s7, s6  }
0xab: {  	[sflag:s6] =	ssyncadd.remote.s32 @p0 $0x1;
	_ =	sdelay $0x1  }
0xac: {  	s6 =	simm.s32 @p0 $0x1B8D  }
0xad: {  	_ =	swait.eq @p0 [sflag:s6], $0x1  }
0xae: {  	[sflag:s6] =	ssyncadd.s32 @p0 $0xFFFFFFFF  }
0xaf: {  	s7 =	sshll.u32 @!p0 s1, $0xE  }
0xb0: {  	s7 =	sor.u32 @!p0 $0x4000, s7;
	s6 =	simm.s32 @!p0 $0x1B8D  }
0xb1: {  	s5 =	sshll.u32 @!p0 s5, $0x11;
	s7 =	sadd.s32 @!p0 $0x11B8D, s7;
	_ =	swait.eq @!p0 [sflag:s6], $0x1  }
0xb2: {  	s5 =	sor.u32 @!p0 s5, s7;
	[sflag:s6] =	ssyncadd.s32 @!p0 $0xFFFFFFFF  }
0xb3: {  	s25 =	simm.s32 $0x1B8E;
	s24 =	sld [smem:$0x3FFE];
	[sflag:s5] =	ssyncadd.remote.s32 @!p0 $0x1  }
0xb4: {  	s26 =	simm.s32 $execute0_lowered;
	[smem:$0x3FD2] =	sst s25  }
0xb5: {  	s6 =	sshll.u32 s26, $0x1;
	_ =	strace $0x8000004C;
	[dreg:$0x1] =	wrdreg $0xFFFFFFFF  }
0xb6: {  	s28 =	simm.s32 $_size_execute0_lowered;
	s4 =	sadd.s32 s4, s6;
	[dreg:$0x0] =	wrdreg $0x0  }
0xb7: {  	s6 =	sshll.u32 s28, $0x1;
	[dreg:$0x2] =	wrdreg s4  }
0xb8: {  	[dreg:$0x3] =	wrdreg s6  }
0xb9: {  	[dreg:$0x4] =	wrdreg $0xC0  }
0xba: {  	_ =	task [dreg:s22], $0x5FFFF  }
0xbb: {  	[dreg:$0x1] =	wrdreg $0xFFFFFFFF  }
0xbc: {  	[dreg:$0x0] =	wrdreg $0x60  }
0xbd: {  	[dreg:$0x2] =	wrdreg s18  }
0xbe: {  	[dreg:$0x3] =	wrdreg s24  }
0xbf: {  	[dreg:$0x4] =	wrdreg $0xC  }
0xc0: {  	_ =	task.clear_ibuf [dreg:s22], $0x5FFFF;
	_ =	strace $0x9000004C  }
0xc1: {  	s29 =	simm.s32 $0xC;
	_ =	strace $0x8000004E  }
0xc2: {  	_ =	swait.ge [sflag:s29], $0x1  }
0xc3: {  	[sflag:s29] =	ssyncadd.s32 $0xFFFFFFFF  }
0xc4: {  	_ =	strace $0x9000004E  }
0xc5: {  	_ =	sfence  }
0xc6: {  	s30 =	sld [smem:$0x0];
	_ =	sdelay $0x2  }
0xc7: {  	s31 =	sshll.u32 s1, $0xD;
	s1 =	sshrl.u32 s1, $0x2  }
0xc8: {  	s4 =	sand.u32 $0x4000, s31;
	s1 =	sadd.s32 s1, s30  }
0xc9: {  	s0 =	sor.u32 s4, s0;
	s1 =	sshll.u32 s1, $0x11  }
0xca: {  	s0 =	sor.u32 s1, s0  }
0xcb: {  	s0 =	sadd.s32 $0x8F2B, s0  }
0xcc: {  	[sflag:s0] =	ssyncadd.remote.s32 $0x1  }
0xcd: {  	_ =	sfence.sel $0xFFFF  }
0xce: {  	[dreg:$0x0] =	wrdreg $0xFFFFFFFF;
	(pc) =	sbr.abs _section_cstart, $3  }
0xcf: {  	[dreg:$0x1] =	wrdreg $0xFFFFFFFF  }
0xd0: {  	_ =	task.clear_ibuf [dreg:s22], $0x2FFFF;
	_ =	strace $0x9FFFFFFF  }
0xd1: {  	(tm) =	ssettm $0x7FFFFFFF  }
tec
execute0_lowered:
.L_overlay_start_1:
0x0: {  	(tag) =	ssettag $0x1  }
0x1: {  	s1 =	srdreg.scid  }
0x2: {  	s0 =	stileid.u32;
	s1 =	sand.u32 $0x1, s1  }
0x3: {  	s3 =	sshll.u32 s0, $0xD;
	s4 =	sshll.u32 s1, $0xC  }
0x4: {  	s2 =	rddreg [dreg:$0x0];
	s4 =	sor.u32 s4, s3  }
0x5: {  	s5 =	rddreg [dreg:$0x1];
	s6 =	sshrl.u32 s4, $0x3  }
0x6: {  	s3 =	simm.s32 $0x0;
	s4 =	sshll.u32 s4, $0x4;
	s6 =	sadd.s32 s6, s5  }
0x7: {  	[smem:$0x7FF] =	sst s3;
	s30 =	sadd.s32 s4, s5;
	s16 =	sadd.s32 $0x20000, s6  }
0x8: {  	_ =	strace $0x8000004D;
	s17 =	sadd.s32 $0x424000, s30;
	[dreg:$0x3] =	wrdreg s16  }
0x9: {  	s18 =	sadd.s32 $0x432000, s30;
	[dreg:$0x4] =	wrdreg s17  }
0xa: {  	s19 =	sadd.s32 $0x433000, s30;
	[dreg:$0x5] =	wrdreg s18  }
0xb: {  	s20 =	sadd.s32 $0x425000, s30;
	[dreg:$0x6] =	wrdreg s19  }
0xc: {  	s21 =	sadd.s32 $0x426000, s30;
	[dreg:$0x7] =	wrdreg s20  }
0xd: {  	s22 =	sadd.s32 $0x427000, s30;
	[dreg:$0x8] =	wrdreg s21  }
0xe: {  	s23 =	sadd.s32 $0x428000, s30;
	[dreg:$0x9] =	wrdreg s22  }
0xf: {  	s24 =	sadd.s32 $0x429000, s30;
	[dreg:$0xa] =	wrdreg s23  }
0x10: {  	s26 =	sadd.s32 $0x42A000, s30;
	[dreg:$0xb] =	wrdreg s24  }
0x11: {  	[dreg:$0xc] =	wrdreg s26  }
0x12: {  	s4 =	simm.s32 $0x3;
	s25 =	rddreg [dreg:$0x3]  }
0x13: {  	[tilespmem:s3], [sflag:$0x3] =	stream.linear.gather [hbm4b:s25+s3], $0x1000, $0x38;
	[tilespmem:$0x11000] =	vst v63  }
0x14: {  	_ =	swait.ge [sflag:s4], $0x1000  }
0x15: {  	[sflag:s4] =	ssyncset.done $0x0  }
0x16: {  	s5 =	simm.s32 $0x100;
	s6 =	simm.s32 $0x1000;
	[sflag:s4] =	ssyncadd.s32 $0xFFFFF000  }
0x17: {  	[tilespmem:s6], [sflag:$0x1] =	stream.indirect.gather [hbm4b:s2+s5], $0x80, s3, s5, $0xb8;
	[tilespmem:$0x11000] =	vst v63  }
0x18: {  	s7 =	simm.s32 $0x9000;
	s8 =	simm.s32 $0x1  }
0x19: {  	[tilespmem:s7], [sflag:$0x2] =	stream.indirect.gather [hbm4b:s2+s5], $0x80, s5, s5, $0xb8;
	[tilespmem:$0x11000] =	vst v63  }
0x1a: {  	_ =	swait.ge [sflag:s8], $0x8000  }
0x1b: {  	[sflag:s8] =	ssyncset.done $0x0  }
0x1c: {  	s9 =	rddreg [dreg:$0x4];
	[sflag:s8] =	ssyncadd.s32 $0xFFFF8000  }
0x1d: {  	[hbm4b:s9+s3] =	stream.linear.scatter [tilespmem:s6], [sflag:$0x3], $0x8000, $0x38;
	[tilespmem:$0x11000] =	vst v63  }
0x1e: {  	_ =	swait.ge [sflag:s4], $0x8000  }
0x1f: {  	[sflag:s4] =	ssyncset.done $0x0  }
0x20: {  	s10 =	simm.s32 $0x2;
	s9 =	simm.s32 $0x200;
	[sflag:s4] =	ssyncadd.s32 $0xFFFF8000  }
0x21: {  	[tilespmem:s6], [sflag:$0x1] =	stream.indirect.gather [hbm4b:s2+s5], $0x80, s9, s5, $0xb8;
	[tilespmem:$0x11000] =	vst v63  }
0x22: {  	_ =	swait.ge [sflag:s10], $0x8000  }
0x23: {  	[sflag:s10] =	ssyncset.done $0x0  }
0x24: {  	s11 =	rddreg [dreg:$0x7];
	[sflag:s10] =	ssyncadd.s32 $0xFFFF8000  }
0x25: {  	[hbm4b:s11+s3] =	stream.linear.scatter [tilespmem:s7], [sflag:$0x3], $0x8000, $0x38;
	[tilespmem:$0x11000] =	vst v63  }
0x26: {  	_ =	swait.ge [sflag:s4], $0x8000  }
0x27: {  	[sflag:s4] =	ssyncset.done $0x0  }
0x28: {  	s11 =	simm.s32 $0x300;
	[sflag:s4] =	ssyncadd.s32 $0xFFFF8000  }
0x29: {  	[tilespmem:s7], [sflag:$0x2] =	stream.indirect.gather [hbm4b:s2+s5], $0x80, s11, s5, $0xb8;
	[tilespmem:$0x11000] =	vst v63  }
0x2a: {  	_ =	swait.ge [sflag:s8], $0x8000  }
0x2b: {  	[sflag:s8] =	ssyncset.done $0x0  }
0x2c: {  	s12 =	rddreg [dreg:$0x8];
	[sflag:s8] =	ssyncadd.s32 $0xFFFF8000  }
0x2d: {  	[hbm4b:s12+s3] =	stream.linear.scatter [tilespmem:s6], [sflag:$0x3], $0x8000, $0x38;
	[tilespmem:$0x11000] =	vst v63  }
0x2e: {  	_ =	swait.ge [sflag:s4], $0x8000  }
0x2f: {  	[sflag:s4] =	ssyncset.done $0x0  }
0x30: {  	s12 =	simm.s32 $0x400;
	[sflag:s4] =	ssyncadd.s32 $0xFFFF8000  }
0x31: {  	[tilespmem:s6], [sflag:$0x1] =	stream.indirect.gather [hbm4b:s2+s5], $0x80, s12, s5, $0xb8;
	[tilespmem:$0x11000] =	vst v63  }
0x32: {  	_ =	swait.ge [sflag:s10], $0x8000  }
0x33: {  	[sflag:s10] =	ssyncset.done $0x0  }
0x34: {  	s13 =	rddreg [dreg:$0x9];
	[sflag:s10] =	ssyncadd.s32 $0xFFFF8000  }
0x35: {  	[hbm4b:s13+s3] =	stream.linear.scatter [tilespmem:s7], [sflag:$0x3], $0x8000, $0x38;
	[tilespmem:$0x11000] =	vst v63  }
0x36: {  	_ =	swait.ge [sflag:s4], $0x8000  }
0x37: {  	[sflag:s4] =	ssyncset.done $0x0  }
0x38: {  	s13 =	simm.s32 $0x500;
	[sflag:s4] =	ssyncadd.s32 $0xFFFF8000  }
0x39: {  	[tilespmem:s7], [sflag:$0x2] =	stream.indirect.gather [hbm4b:s2+s5], $0x80, s13, s5, $0xb8;
	[tilespmem:$0x11000] =	vst v63  }
0x3a: {  	_ =	swait.ge [sflag:s8], $0x8000  }
0x3b: {  	[sflag:s8] =	ssyncset.done $0x0  }
0x3c: {  	s14 =	rddreg [dreg:$0xa];
	[sflag:s8] =	ssyncadd.s32 $0xFFFF8000  }
0x3d: {  	[hbm4b:s14+s3] =	stream.linear.scatter [tilespmem:s6], [sflag:$0x3], $0x8000, $0x38;
	[tilespmem:$0x11000] =	vst v63  }
0x3e: {  	_ =	swait.ge [sflag:s4], $0x8000  }
0x3f: {  	[sflag:s4] =	ssyncset.done $0x0  }
0x40: {  	s14 =	simm.s32 $0x600;
	[sflag:s4] =	ssyncadd.s32 $0xFFFF8000  }
0x41: {  	[tilespmem:s6], [sflag:$0x1] =	stream.indirect.gather [hbm4b:s2+s5], $0x80, s14, s5, $0xb8;
	[tilespmem:$0x11000] =	vst v63  }
0x42: {  	_ =	swait.ge [sflag:s10], $0x8000  }
0x43: {  	[sflag:s10] =	ssyncset.done $0x0  }
0x44: {  	s15 =	rddreg [dreg:$0xb];
	[sflag:s10] =	ssyncadd.s32 $0xFFFF8000  }
0x45: {  	[hbm4b:s15+s3] =	stream.linear.scatter [tilespmem:s7], [sflag:$0x3], $0x8000, $0x38;
	[tilespmem:$0x11000] =	vst v63  }
0x46: {  	_ =	swait.ge [sflag:s4], $0x8000  }
0x47: {  	[sflag:s4] =	ssyncset.done $0x0  }
0x48: {  	s15 =	simm.s32 $0x700;
	[sflag:s4] =	ssyncadd.s32 $0xFFFF8000  }
0x49: {  	[tilespmem:s7], [sflag:$0x2] =	stream.indirect.gather [hbm4b:s2+s5], $0x80, s15, s5, $0xb8;
	[tilespmem:$0x11000] =	vst v63  }
0x4a: {  	_ =	swait.ge [sflag:s8], $0x8000  }
0x4b: {  	[sflag:s8] =	ssyncset.done $0x0  }
0x4c: {  	s16 =	rddreg [dreg:$0xc];
	[sflag:s8] =	ssyncadd.s32 $0xFFFF8000  }
0x4d: {  	[hbm4b:s16+s3] =	stream.linear.scatter [tilespmem:s6], [sflag:$0x3], $0x8000, $0x38;
	[tilespmem:$0x11000] =	vst v63  }
0x4e: {  	_ =	swait.ge [sflag:s4], $0x8000  }
0x4f: {  	[sflag:s4] =	ssyncset.done $0x0  }
0x50: {  	s16 =	simm.s32 $0x800;
	[sflag:s4] =	ssyncadd.s32 $0xFFFF8000  }
0x51: {  	[tilespmem:s6], [sflag:$0x1] =	stream.indirect.gather [hbm4b:s2+s5], $0x80, s16, s5, $0xb8;
	[tilespmem:$0x11000] =	vst v63  }
0x52: {  	_ =	swait.ge [sflag:s10], $0x8000  }
0x53: {  	[sflag:s10] =	ssyncset.done $0x0  }
0x54: {  	s17 =	sadd.s32 $0x42B000, s30;
	[sflag:s10] =	ssyncadd.s32 $0xFFFF8000  }
0x55: {  	[hbm4b:s17+s3] =	stream.linear.scatter [tilespmem:s7], [sflag:$0x3], $0x8000, $0x38;
	[tilespmem:$0x11000] =	vst v63  }
0x56: {  	_ =	swait.ge [sflag:s4], $0x8000  }
0x57: {  	[sflag:s4] =	ssyncset.done $0x0  }
0x58: {  	s18 =	simm.s32 $0x900;
	[sflag:s4] =	ssyncadd.s32 $0xFFFF8000  }
0x59: {  	[tilespmem:s7], [sflag:$0x2] =	stream.indirect.gather [hbm4b:s2+s5], $0x80, s18, s5, $0xb8;
	[tilespmem:$0x11000] =	vst v63  }
0x5a: {  	_ =	swait.ge [sflag:s8], $0x8000  }
0x5b: {  	[sflag:s8] =	ssyncset.done $0x0  }
0x5c: {  	s19 =	sadd.s32 $0x42C000, s30;
	[sflag:s8] =	ssyncadd.s32 $0xFFFF8000  }
0x5d: {  	[hbm4b:s19+s3] =	stream.linear.scatter [tilespmem:s6], [sflag:$0x3], $0x8000, $0x38;
	[tilespmem:$0x11000] =	vst v63  }
0x5e: {  	_ =	swait.ge [sflag:s4], $0x8000  }
0x5f: {  	[sflag:s4] =	ssyncset.done $0x0  }
0x60: {  	s20 =	simm.s32 $0xA00;
	[sflag:s4] =	ssyncadd.s32 $0xFFFF8000  }
0x61: {  	[tilespmem:s6], [sflag:$0x1] =	stream.indirect.gather [hbm4b:s2+s5], $0x80, s20, s5, $0xb8;
	[tilespmem:$0x11000] =	vst v63  }
0x62: {  	_ =	swait.ge [sflag:s10], $0x8000  }
0x63: {  	[sflag:s10] =	ssyncset.done $0x0  }
0x64: {  	s21 =	sadd.s32 $0x42D000, s30;
	[sflag:s10] =	ssyncadd.s32 $0xFFFF8000  }
0x65: {  	[hbm4b:s21+s3] =	stream.linear.scatter [tilespmem:s7], [sflag:$0x3], $0x8000, $0x38;
	[tilespmem:$0x11000] =	vst v63  }
0x66: {  	_ =	swait.ge [sflag:s4], $0x8000  }
0x67: {  	[sflag:s4] =	ssyncset.done $0x0  }
0x68: {  	s22 =	simm.s32 $0xB00;
	[sflag:s4] =	ssyncadd.s32 $0xFFFF8000  }
0x69: {  	[tilespmem:s7], [sflag:$0x2] =	stream.indirect.gather [hbm4b:s2+s5], $0x80, s22, s5, $0xb8;
	[tilespmem:$0x11000] =	vst v63  }
0x6a: {  	_ =	swait.ge [sflag:s8], $0x8000  }
0x6b: {  	[sflag:s8] =	ssyncset.done $0x0  }
0x6c: {  	s23 =	sadd.s32 $0x42E000, s30;
	[sflag:s8] =	ssyncadd.s32 $0xFFFF8000  }
0x6d: {  	[hbm4b:s23+s3] =	stream.linear.scatter [tilespmem:s6], [sflag:$0x3], $0x8000, $0x38;
	[tilespmem:$0x11000] =	vst v63  }
0x6e: {  	_ =	swait.ge [sflag:s4], $0x8000  }
0x6f: {  	[sflag:s4] =	ssyncset.done $0x0  }
0x70: {  	s24 =	simm.s32 $0xC00;
	[sflag:s4] =	ssyncadd.s32 $0xFFFF8000  }
0x71: {  	[tilespmem:s6], [sflag:$0x1] =	stream.indirect.gather [hbm4b:s2+s5], $0x80, s24, s5, $0xb8;
	[tilespmem:$0x11000] =	vst v63  }
0x72: {  	_ =	swait.ge [sflag:s10], $0x8000  }
0x73: {  	[sflag:s10] =	ssyncset.done $0x0  }
0x74: {  	s25 =	sadd.s32 $0x42F000, s30;
	[sflag:s10] =	ssyncadd.s32 $0xFFFF8000  }
0x75: {  	[hbm4b:s25+s3] =	stream.linear.scatter [tilespmem:s7], [sflag:$0x3], $0x8000, $0x38;
	[tilespmem:$0x11000] =	vst v63  }
0x76: {  	_ =	swait.ge [sflag:s4], $0x8000  }
0x77: {  	[sflag:s4] =	ssyncset.done $0x0  }
0x78: {  	s26 =	simm.s32 $0xD00;
	[sflag:s4] =	ssyncadd.s32 $0xFFFF8000  }
0x79: {  	[tilespmem:s7], [sflag:$0x2] =	stream.indirect.gather [hbm4b:s2+s5], $0x80, s26, s5, $0xb8;
	[tilespmem:$0x11000] =	vst v63  }
0x7a: {  	_ =	swait.ge [sflag:s8], $0x8000  }
0x7b: {  	[sflag:s8] =	ssyncset.done $0x0  }
0x7c: {  	s28 =	sadd.s32 $0x430000, s30;
	[sflag:s8] =	ssyncadd.s32 $0xFFFF8000  }
0x7d: {  	[hbm4b:s28+s3] =	stream.linear.scatter [tilespmem:s6], [sflag:$0x3], $0x8000, $0x38;
	[tilespmem:$0x11000] =	vst v63  }
0x7e: {  	_ =	swait.ge [sflag:s4], $0x8000  }
0x7f: {  	[sflag:s4] =	ssyncset.done $0x0  }
0x80: {  	s29 =	simm.s32 $0xE00;
	[sflag:s4] =	ssyncadd.s32 $0xFFFF8000  }
0x81: {  	[tilespmem:s6], [sflag:$0x1] =	stream.indirect.gather [hbm4b:s2+s5], $0x80, s29, s5, $0xb8;
	[tilespmem:$0x11000] =	vst v63  }
0x82: {  	_ =	swait.ge [sflag:s10], $0x8000  }
0x83: {  	[sflag:s10] =	ssyncset.done $0x0  }
0x84: {  	s30 =	sadd.s32 $0x431000, s30;
	[sflag:s10] =	ssyncadd.s32 $0xFFFF8000  }
0x85: {  	[hbm4b:s30+s3] =	stream.linear.scatter [tilespmem:s7], [sflag:$0x3], $0x8000, $0x38;
	[tilespmem:$0x11000] =	vst v63  }
0x86: {  	_ =	swait.ge [sflag:s4], $0x8000  }
0x87: {  	[sflag:s4] =	ssyncset.done $0x0  }
0x88: {  	s31 =	simm.s32 $0xF00;
	[sflag:s4] =	ssyncadd.s32 $0xFFFF8000  }
0x89: {  	[tilespmem:s7], [sflag:$0x2] =	stream.indirect.gather [hbm4b:s2+s5], $0x80, s31, s5, $0xb8;
	[tilespmem:$0x11000] =	vst v63  }
0x8a: {  	_ =	swait.ge [sflag:s8], $0x8000  }
0x8b: {  	[sflag:s8] =	ssyncset.done $0x0  }
0x8c: {  	s0 =	rddreg [dreg:$0x5];
	[sflag:s8] =	ssyncadd.s32 $0xFFFF8000  }
0x8d: {  	[hbm4b:s0+s3] =	stream.linear.scatter [tilespmem:s6], [sflag:$0x3], $0x8000, $0x38;
	[tilespmem:$0x11000] =	vst v63  }
0x8e: {  	_ =	swait.ge [sflag:s4], $0x8000  }
0x8f: {  	[sflag:s4] =	ssyncset.done $0x0  }
0x90: {  	[sflag:s4] =	ssyncadd.s32 $0xFFFF8000  }
0x91: {  	_ =	swait.ge [sflag:s10], $0x8000  }
0x92: {  	s0 =	ssub.s32 $0x2, s1;
	s1 =	rddreg [dreg:$0x6]  }
0x93: {  	[dreg:$0xd] =	wrdreg s1;
	s1 =	sshrl.u32 s0, $0x1  }
0x94: {  	s0 =	ssub.s32 s0, s1  }
0x95: {  	s0 =	smax.u32 s0, $0x1  }
0x96: {  	p0 =	sne.s32 s0, $0x1  }
.Ltmp0:
0x97: {  	_ = 	snop;
	(pc) =	sbr.rel @!p0 .LBB2_2-.Ltmp0, $4  }
0x98: {  	[sflag:s10] =	ssyncset.done $0x0  }
0x99: {  	[sflag:s10] =	ssyncadd.s32 $0xFFFF8000;
	s1 =	rddreg [dreg:$0xd]  }
0x9a: {  	[hbm4b:s1+s3] =	stream.linear.scatter [tilespmem:s7], [sflag:$0x3], $0x8000, $0x38;
	[tilespmem:$0x11000] =	vst v63  }
0x9b: {  	s1 =	sadd.s32 $0xFFFFFFFF, s0;
	_ =	swait.ge [sflag:s4], $0x8000  }
.LBB2_1:
0x9c: {  	[sflag:s4] =	ssyncset.done $0x0  }
0x9d: {  	s0 =	rddreg [dreg:$0x3];
	[sflag:s4] =	ssyncadd.s32 $0xFFFF8000  }
0x9e: {  	[tilespmem:s3], [sflag:$0x3] =	stream.linear.gather [hbm4b:s0+s3], $0x1000, $0x38;
	[tilespmem:$0x11000] =	vst v63  }
0x9f: {  	_ =	swait.ge [sflag:s4], $0x1000  }
0xa0: {  	[sflag:s4] =	ssyncset.done $0x0  }
0xa1: {  	[sflag:s4] =	ssyncadd.s32 $0xFFFFF000  }
0xa2: {  	[tilespmem:s6], [sflag:$0x1] =	stream.indirect.gather [hbm4b:s2+s5], $0x80, s3, s5, $0xb8;
	[tilespmem:$0x11000] =	vst v63  }
0xa3: {  	_ = 	snop  }
0xa4: {  	[tilespmem:s7], [sflag:$0x2] =	stream.indirect.gather [hbm4b:s2+s5], $0x80, s5, s5, $0xb8;
	[tilespmem:$0x11000] =	vst v63  }
0xa5: {  	_ =	swait.ge [sflag:s8], $0x8000  }
0xa6: {  	[sflag:s8] =	ssyncset.done $0x0  }
0xa7: {  	s0 =	rddreg [dreg:$0x4];
	[sflag:s8] =	ssyncadd.s32 $0xFFFF8000  }
0xa8: {  	[hbm4b:s0+s3] =	stream.linear.scatter [tilespmem:s6], [sflag:$0x3], $0x8000, $0x38;
	[tilespmem:$0x11000] =	vst v63  }
0xa9: {  	_ =	swait.ge [sflag:s4], $0x8000  }
0xaa: {  	[sflag:s4] =	ssyncset.done $0x0  }
0xab: {  	[sflag:s4] =	ssyncadd.s32 $0xFFFF8000  }
0xac: {  	[tilespmem:s6], [sflag:$0x1] =	stream.indirect.gather [hbm4b:s2+s5], $0x80, s9, s5, $0xb8;
	[tilespmem:$0x11000] =	vst v63  }
0xad: {  	_ =	swait.ge [sflag:s10], $0x8000  }
0xae: {  	[sflag:s10] =	ssyncset.done $0x0  }
0xaf: {  	s0 =	rddreg [dreg:$0x7];
	[sflag:s10] =	ssyncadd.s32 $0xFFFF8000  }
0xb0: {  	[hbm4b:s0+s3] =	stream.linear.scatter [tilespmem:s7], [sflag:$0x3], $0x8000, $0x38;
	[tilespmem:$0x11000] =	vst v63  }
0xb1: {  	_ =	swait.ge [sflag:s4], $0x8000  }
0xb2: {  	[sflag:s4] =	ssyncset.done $0x0  }
0xb3: {  	[sflag:s4] =	ssyncadd.s32 $0xFFFF8000  }
0xb4: {  	[tilespmem:s7], [sflag:$0x2] =	stream.indirect.gather [hbm4b:s2+s5], $0x80, s11, s5, $0xb8;
	[tilespmem:$0x11000] =	vst v63  }
0xb5: {  	_ =	swait.ge [sflag:s8], $0x8000  }
0xb6: {  	[sflag:s8] =	ssyncset.done $0x0  }
0xb7: {  	s0 =	rddreg [dreg:$0x8];
	[sflag:s8] =	ssyncadd.s32 $0xFFFF8000  }
0xb8: {  	[hbm4b:s0+s3] =	stream.linear.scatter [tilespmem:s6], [sflag:$0x3], $0x8000, $0x38;
	[tilespmem:$0x11000] =	vst v63  }
0xb9: {  	_ =	swait.ge [sflag:s4], $0x8000  }
0xba: {  	[sflag:s4] =	ssyncset.done $0x0  }
0xbb: {  	[sflag:s4] =	ssyncadd.s32 $0xFFFF8000  }
0xbc: {  	[tilespmem:s6], [sflag:$0x1] =	stream.indirect.gather [hbm4b:s2+s5], $0x80, s12, s5, $0xb8;
	[tilespmem:$0x11000] =	vst v63  }
0xbd: {  	_ =	swait.ge [sflag:s10], $0x8000  }
0xbe: {  	[sflag:s10] =	ssyncset.done $0x0  }
0xbf: {  	s0 =	rddreg [dreg:$0x9];
	[sflag:s10] =	ssyncadd.s32 $0xFFFF8000  }
0xc0: {  	[hbm4b:s0+s3] =	stream.linear.scatter [tilespmem:s7], [sflag:$0x3], $0x8000, $0x38;
	[tilespmem:$0x11000] =	vst v63  }
0xc1: {  	_ =	swait.ge [sflag:s4], $0x8000  }
0xc2: {  	[sflag:s4] =	ssyncset.done $0x0  }
0xc3: {  	[sflag:s4] =	ssyncadd.s32 $0xFFFF8000  }
0xc4: {  	[tilespmem:s7], [sflag:$0x2] =	stream.indirect.gather [hbm4b:s2+s5], $0x80, s13, s5, $0xb8;
	[tilespmem:$0x11000] =	vst v63  }
0xc5: {  	_ =	swait.ge [sflag:s8], $0x8000  }
0xc6: {  	[sflag:s8] =	ssyncset.done $0x0  }
0xc7: {  	s0 =	rddreg [dreg:$0xa];
	[sflag:s8] =	ssyncadd.s32 $0xFFFF8000  }
0xc8: {  	[hbm4b:s0+s3] =	stream.linear.scatter [tilespmem:s6], [sflag:$0x3], $0x8000, $0x38;
	[tilespmem:$0x11000] =	vst v63  }
0xc9: {  	_ =	swait.ge [sflag:s4], $0x8000  }
0xca: {  	[sflag:s4] =	ssyncset.done $0x0  }
0xcb: {  	[sflag:s4] =	ssyncadd.s32 $0xFFFF8000  }
0xcc: {  	[tilespmem:s6], [sflag:$0x1] =	stream.indirect.gather [hbm4b:s2+s5], $0x80, s14, s5, $0xb8;
	[tilespmem:$0x11000] =	vst v63  }
0xcd: {  	_ =	swait.ge [sflag:s10], $0x8000  }
0xce: {  	[sflag:s10] =	ssyncset.done $0x0  }
0xcf: {  	s0 =	rddreg [dreg:$0xb];
	[sflag:s10] =	ssyncadd.s32 $0xFFFF8000  }
0xd0: {  	[hbm4b:s0+s3] =	stream.linear.scatter [tilespmem:s7], [sflag:$0x3], $0x8000, $0x38;
	[tilespmem:$0x11000] =	vst v63  }
0xd1: {  	_ =	swait.ge [sflag:s4], $0x8000  }
0xd2: {  	[sflag:s4] =	ssyncset.done $0x0  }
0xd3: {  	[sflag:s4] =	ssyncadd.s32 $0xFFFF8000  }
0xd4: {  	[tilespmem:s7], [sflag:$0x2] =	stream.indirect.gather [hbm4b:s2+s5], $0x80, s15, s5, $0xb8;
	[tilespmem:$0x11000] =	vst v63  }
0xd5: {  	_ =	swait.ge [sflag:s8], $0x8000  }
0xd6: {  	[sflag:s8] =	ssyncset.done $0x0  }
0xd7: {  	s0 =	rddreg [dreg:$0xc];
	[sflag:s8] =	ssyncadd.s32 $0xFFFF8000  }
0xd8: {  	[hbm4b:s0+s3] =	stream.linear.scatter [tilespmem:s6], [sflag:$0x3], $0x8000, $0x38;
	[tilespmem:$0x11000] =	vst v63  }
0xd9: {  	_ =	swait.ge [sflag:s4], $0x8000  }
0xda: {  	[sflag:s4] =	ssyncset.done $0x0  }
0xdb: {  	[sflag:s4] =	ssyncadd.s32 $0xFFFF8000  }
0xdc: {  	[tilespmem:s6], [sflag:$0x1] =	stream.indirect.gather [hbm4b:s2+s5], $0x80, s16, s5, $0xb8;
	[tilespmem:$0x11000] =	vst v63  }
0xdd: {  	_ =	swait.ge [sflag:s10], $0x8000  }
0xde: {  	[sflag:s10] =	ssyncset.done $0x0  }
0xdf: {  	[sflag:s10] =	ssyncadd.s32 $0xFFFF8000  }
0xe0: {  	[hbm4b:s17+s3] =	stream.linear.scatter [tilespmem:s7], [sflag:$0x3], $0x8000, $0x38;
	[tilespmem:$0x11000] =	vst v63  }
0xe1: {  	_ =	swait.ge [sflag:s4], $0x8000  }
0xe2: {  	[sflag:s4] =	ssyncset.done $0x0  }
0xe3: {  	[sflag:s4] =	ssyncadd.s32 $0xFFFF8000  }
0xe4: {  	[tilespmem:s7], [sflag:$0x2] =	stream.indirect.gather [hbm4b:s2+s5], $0x80, s18, s5, $0xb8;
	[tilespmem:$0x11000] =	vst v63  }
0xe5: {  	_ =	swait.ge [sflag:s8], $0x8000  }
0xe6: {  	[sflag:s8] =	ssyncset.done $0x0  }
0xe7: {  	[sflag:s8] =	ssyncadd.s32 $0xFFFF8000  }
0xe8: {  	[hbm4b:s19+s3] =	stream.linear.scatter [tilespmem:s6], [sflag:$0x3], $0x8000, $0x38;
	[tilespmem:$0x11000] =	vst v63  }
0xe9: {  	_ =	swait.ge [sflag:s4], $0x8000  }
0xea: {  	[sflag:s4] =	ssyncset.done $0x0  }
0xeb: {  	[sflag:s4] =	ssyncadd.s32 $0xFFFF8000  }
0xec: {  	[tilespmem:s6], [sflag:$0x1] =	stream.indirect.gather [hbm4b:s2+s5], $0x80, s20, s5, $0xb8;
	[tilespmem:$0x11000] =	vst v63  }
0xed: {  	_ =	swait.ge [sflag:s10], $0x8000  }
0xee: {  	[sflag:s10] =	ssyncset.done $0x0  }
0xef: {  	[sflag:s10] =	ssyncadd.s32 $0xFFFF8000  }
0xf0: {  	[hbm4b:s21+s3] =	stream.linear.scatter [tilespmem:s7], [sflag:$0x3], $0x8000, $0x38;
	[tilespmem:$0x11000] =	vst v63  }
0xf1: {  	_ =	swait.ge [sflag:s4], $0x8000  }
0xf2: {  	[sflag:s4] =	ssyncset.done $0x0  }
0xf3: {  	[sflag:s4] =	ssyncadd.s32 $0xFFFF8000  }
0xf4: {  	[tilespmem:s7], [sflag:$0x2] =	stream.indirect.gather [hbm4b:s2+s5], $0x80, s22, s5, $0xb8;
	[tilespmem:$0x11000] =	vst v63  }
0xf5: {  	_ =	swait.ge [sflag:s8], $0x8000  }
0xf6: {  	[sflag:s8] =	ssyncset.done $0x0  }
0xf7: {  	[sflag:s8] =	ssyncadd.s32 $0xFFFF8000  }
0xf8: {  	[hbm4b:s23+s3] =	stream.linear.scatter [tilespmem:s6], [sflag:$0x3], $0x8000, $0x38;
	[tilespmem:$0x11000] =	vst v63  }
0xf9: {  	_ =	swait.ge [sflag:s4], $0x8000  }
0xfa: {  	[sflag:s4] =	ssyncset.done $0x0  }
0xfb: {  	[sflag:s4] =	ssyncadd.s32 $0xFFFF8000  }
0xfc: {  	[tilespmem:s6], [sflag:$0x1] =	stream.indirect.gather [hbm4b:s2+s5], $0x80, s24, s5, $0xb8;
	[tilespmem:$0x11000] =	vst v63  }
0xfd: {  	_ =	swait.ge [sflag:s10], $0x8000  }
0xfe: {  	[sflag:s10] =	ssyncset.done $0x0  }
0xff: {  	[sflag:s10] =	ssyncadd.s32 $0xFFFF8000  }
0x100: {  	[hbm4b:s25+s3] =	stream.linear.scatter [tilespmem:s7], [sflag:$0x3], $0x8000, $0x38;
	[tilespmem:$0x11000] =	vst v63  }
0x101: {  	_ =	swait.ge [sflag:s4], $0x8000  }
0x102: {  	[sflag:s4] =	ssyncset.done $0x0  }
0x103: {  	[sflag:s4] =	ssyncadd.s32 $0xFFFF8000  }
0x104: {  	[tilespmem:s7], [sflag:$0x2] =	stream.indirect.gather [hbm4b:s2+s5], $0x80, s26, s5, $0xb8;
	[tilespmem:$0x11000] =	vst v63  }
0x105: {  	_ =	swait.ge [sflag:s8], $0x8000  }
0x106: {  	[sflag:s8] =	ssyncset.done $0x0  }
0x107: {  	[sflag:s8] =	ssyncadd.s32 $0xFFFF8000  }
0x108: {  	[hbm4b:s28+s3] =	stream.linear.scatter [tilespmem:s6], [sflag:$0x3], $0x8000, $0x38;
	[tilespmem:$0x11000] =	vst v63  }
0x109: {  	_ =	swait.ge [sflag:s4], $0x8000  }
0x10a: {  	[sflag:s4] =	ssyncset.done $0x0  }
0x10b: {  	[sflag:s4] =	ssyncadd.s32 $0xFFFF8000  }
0x10c: {  	[tilespmem:s6], [sflag:$0x1] =	stream.indirect.gather [hbm4b:s2+s5], $0x80, s29, s5, $0xb8;
	[tilespmem:$0x11000] =	vst v63  }
0x10d: {  	_ =	swait.ge [sflag:s10], $0x8000  }
0x10e: {  	[sflag:s10] =	ssyncset.done $0x0  }
0x10f: {  	[sflag:s10] =	ssyncadd.s32 $0xFFFF8000  }
0x110: {  	[hbm4b:s30+s3] =	stream.linear.scatter [tilespmem:s7], [sflag:$0x3], $0x8000, $0x38;
	[tilespmem:$0x11000] =	vst v63  }
0x111: {  	_ =	swait.ge [sflag:s4], $0x8000  }
0x112: {  	[sflag:s4] =	ssyncset.done $0x0  }
0x113: {  	[sflag:s4] =	ssyncadd.s32 $0xFFFF8000  }
0x114: {  	[tilespmem:s7], [sflag:$0x2] =	stream.indirect.gather [hbm4b:s2+s5], $0x80, s31, s5, $0xb8;
	[tilespmem:$0x11000] =	vst v63  }
0x115: {  	_ =	swait.ge [sflag:s8], $0x8000  }
0x116: {  	[sflag:s8] =	ssyncset.done $0x0  }
0x117: {  	s0 =	rddreg [dreg:$0x5];
	[sflag:s8] =	ssyncadd.s32 $0xFFFF8000  }
0x118: {  	[hbm4b:s0+s3] =	stream.linear.scatter [tilespmem:s6], [sflag:$0x3], $0x8000, $0x38;
	[tilespmem:$0x11000] =	vst v63  }
0x119: {  	_ =	swait.ge [sflag:s4], $0x8000  }
0x11a: {  	[sflag:s4] =	ssyncset.done $0x0  }
0x11b: {  	p0 =	sne.s32 s1, $0x1;
	[sflag:s4] =	ssyncadd.s32 $0xFFFF8000  }
.Ltmp1:
0x11c: {  	_ =	swait.ge [sflag:s10], $0x8000;
	(pc) =	sbr.rel @p0 .LBB2_1-.Ltmp1, $4  }
0x11d: {  	[sflag:s10] =	ssyncset.done $0x0  }
0x11e: {  	s0 =	rddreg [dreg:$0x6];
	[sflag:s10] =	ssyncadd.s32 $0xFFFF8000  }
0x11f: {  	[hbm4b:s0+s3] =	stream.linear.scatter [tilespmem:s7], [sflag:$0x3], $0x8000, $0x38;
	[tilespmem:$0x11000] =	vst v63  }
0x120: {  	s1 =	sadd.s32 $0xFFFFFFFF, s1;
	_ =	swait.ge [sflag:s4], $0x8000  }
.LBB2_2:
0x121: {  	[sflag:s4] =	ssyncset.done $0x0  }
0x122: {  	[sflag:s4] =	ssyncadd.s32 $0xFFFF8000  }
0x123: {  	_ =	sfence.sel $0x180000  }
0x124: {  	[bflag:$0x0] =	sbarrier.arrive $0xFFFF  }
0x125: {  	_ =	strace $0x9000004D  }
0x126: {  	s0 =	stileid.u32;
	[bflag:$0x2] =	sbarrier.arrive $0xFFFF  }
0x127: {  	p0 =	sne.s32 s0, $0x0;
	s0 =	rddreg [dreg:$0x2]  }
0x128: {  	s0 =	sadd.s32 @!p0 $0x100000, s0  }
0x129: {  	[sflag:s0] =	ssyncadd.tile.s32 @!p0 $0x1;
	_ =	shalt  }
.Lfunc_end2:
_tile_overlayer_lowered:
.L_overlay_start_2:
0x12a: {  	(tag) =	ssettag $0x2  }
0x12b: {  	s0 =	rddreg [dreg:$0x0];
	s2 =	stileid.u32  }
0x12c: {  	s1 =	rddreg [dreg:$0x1];
	p0 =	sne.s32 s2, $0x0  }
0x12d: {  	s3 =	rddreg [dreg:$0x2];
	[bflag:$0x3] =	sbarrier.arrive $0xFFFF;
	s2 =	simm.s32 @!p0 $0x1C03  }
0x12e: {  	[timem:s3], [sflag:s2] =	dma.local @!p0 [hbm:s0], s1  }
0x12f: {  	s0 =	simm.s32 @!p0 $0x3  }
0x130: {  	_ =	swait.ge @!p0 [sflag:s0], s1  }
0x131: {  	s1 =	ssub.s32 @!p0 $0x0, s1;
	[sflag:s0] =	ssyncset.done @!p0 $0x0  }
0x132: {  	[sflag:s0] =	ssyncadd.s32 @!p0 s1  }
0x133: {  	[bflag:$0x3] =	sbarrier.arrive $0xFFFF  }
0x134: {  	_ =	shalt  }

</sc_bundles>
